<compile_context>
chip_gen: v7x
topology: tpu7x:2x2x1
jax: 0.10.2.dev20260603
libtpu: 0.0.44.dev20260713+nightly
codegen_flags: <defaults>
</compile_context>

<pallas_src>
import jax
import jax.numpy as jnp
from jax import lax
from jax.experimental import pallas as pl
from jax.experimental.pallas import tpu as pltpu
from jax.experimental.pallas import tpu_sc as plsc

_N = 10000
_E = 320000
_D = 128
_R = 5
_NB = 5
_OUT_G = 10000
_OUT_S = 25000

_NC = 1
_NS = 16
_NW = _NC * _NS
_EW = _E // _NW
_CH = 16
_NCH = _EW // _CH
_BC = 25
_AR = 8


def _sc_edge_reduce(edge_flat, edge_type, x, sums_out, counts_out,
                    dst_v, src16, et16, idx_ref, etidx_ref, rows_v, ones_v,
                    acc_tmp, cnt_tmp, acc_sh, cnt_sh, sem):
    c = lax.axis_index("c")
    s = lax.axis_index("s")
    w = s * _NC + c
    base = w * _EW

    pltpu.sync_copy(edge_flat.at[pl.ds(_E + base, _EW)], dst_v)

    for j in range(_CH):
        for kk in range(_D // 16):
            ones_v[j, pl.ds(kk * 16, 16)] = jnp.ones((16,), jnp.float32)
    for rr in range(_AR):
        for kk in range(_D // 16):
            acc_tmp[rr, pl.ds(kk * 16, 16)] = jnp.zeros((16,), jnp.float32)
        for kk in range(_D // 16):
            cnt_tmp[rr, pl.ds(kk * 16, 16)] = jnp.zeros((16,), jnp.float32)

    @pl.when(s == 0)
    def _():
        pltpu.sync_copy(acc_tmp, acc_sh)
        pltpu.sync_copy(cnt_tmp, cnt_sh)

    plsc.subcore_barrier()

    def hit_chunk(i, carry):
        dstv = dst_v[pl.ds(i * _CH, _CH)]
        mask = dstv == 0
        nhit = jnp.max(plsc.all_reduce_population_count(mask))

        @pl.when(nhit > 0)
        def _():
            off = base + i * _CH
            pltpu.sync_copy(edge_flat.at[pl.ds(off, _CH)], src16)
            pltpu.sync_copy(edge_type.at[pl.ds(off, _CH)], et16)
            idx_ref[...] = jnp.where(mask, src16[...], 0)
            etidx_ref[...] = jnp.where(mask, et16[...], _R)
            pltpu.async_copy(x.at[idx_ref], rows_v, sem).wait()
            pltpu.sync_copy(rows_v, acc_sh.at[etidx_ref], add=True)
            pltpu.sync_copy(ones_v, cnt_sh.at[etidx_ref], add=True)

        return carry

    def block(ib, carry):
        b0 = ib * _BC
        mind = dst_v[pl.ds(b0 * _CH, _CH)]
        for j in range(1, _BC):
            mind = jnp.minimum(mind, dst_v[pl.ds((b0 + j) * _CH, _CH)])
        nhit = jnp.max(plsc.all_reduce_population_count(mind == 0))

        @pl.when(nhit > 0)
        def _():
            lax.fori_loop(b0, b0 + _BC, hit_chunk, 0)

        return carry

    lax.fori_loop(0, _NCH // _BC, block, 0)
    plsc.subcore_barrier()

    @pl.when(s == 0)
    def _():
        pltpu.sync_copy(acc_sh, acc_tmp)
        pltpu.sync_copy(acc_tmp, sums_out.at[c])
        pltpu.sync_copy(cnt_sh, cnt_tmp)
        pltpu.sync_copy(cnt_tmp, counts_out.at[c])


def _tc_dense(sums_ref, counts_ref, comp_ref, bases_ref, root_ref, bias_ref,
              x0_ref, wg_ref, bg_ref, ws_ref, bs_ref, outg_ref, outs_ref):
    ssum = jnp.sum(sums_ref[...], axis=0)
    call = jnp.sum(counts_ref[...], axis=0)
    cnt = jnp.max(call, axis=1, keepdims=True)
    mean = ssum / jnp.maximum(cnt, 1.0)
    mfive = mean[0:_R]
    mb = lax.dot_general(comp_ref[...], mfive, (((0,), (0,)), ((), ())),
                         preferred_element_type=jnp.float32)
    agg = jnp.zeros((1, _D), jnp.float32)
    for b in range(_NB):
        agg = agg + jnp.dot(mb[b:b + 1, :], bases_ref[b],
                            preferred_element_type=jnp.float32)
    v = agg + jnp.dot(x0_ref[...], root_ref[...],
                      preferred_element_type=jnp.float32) + bias_ref[...]
    v = jnp.maximum(v, 0.0)

    for w_ref, b_ref, out_ref in ((wg_ref, bg_ref, outg_ref),
                                  (ws_ref, bs_ref, outs_ref)):
        lg = lax.dot_general(v, w_ref[...], (((1,), (1,)), ((), ())),
                             preferred_element_type=jnp.float32) + b_ref[...]
        m = jnp.max(lg)
        lse = m + jnp.log(jnp.sum(jnp.exp(lg - m)))
        out_ref[...] = lg - lse


def _dense_heads(sums, counts, comp, bases, root, conv_bias,
                 x0, w_global, b_global, w_sense, b_sense):
    return pl.pallas_call(
        _tc_dense,
        out_shape=(jax.ShapeDtypeStruct((1, _OUT_G), jnp.float32),
                   jax.ShapeDtypeStruct((1, _OUT_S), jnp.float32)),
    )(sums, counts, comp, bases, root, conv_bias.reshape(1, _D), x0,
      w_global, b_global.reshape(1, _OUT_G), w_sense, b_sense.reshape(1, _OUT_S))


def _edge_stats(x, edge_index, edge_type):
    mesh = plsc.VectorSubcoreMesh(core_axis_name="c", subcore_axis_name="s",
                                  num_cores=_NC)
    f32 = jnp.float32
    return pl.kernel(
        _sc_edge_reduce,
        out_type=(jax.ShapeDtypeStruct((_NC, _AR, _D), f32),
                  jax.ShapeDtypeStruct((_NC, _AR, _D), f32)),
        mesh=mesh,
        scratch_types=[
            pltpu.VMEM((_EW,), jnp.int32),
            pltpu.VMEM((_CH,), jnp.int32),
            pltpu.VMEM((_CH,), jnp.int32),
            pltpu.VMEM((_CH,), jnp.int32),
            pltpu.VMEM((_CH,), jnp.int32),
            pltpu.VMEM((_CH, _D), f32),
            pltpu.VMEM((_CH, _D), f32),
            pltpu.VMEM((_AR, _D), f32),
            pltpu.VMEM((_AR, _D), f32),
            pltpu.VMEM_SHARED((_AR, _D), f32),
            pltpu.VMEM_SHARED((_AR, _D), f32),
            pltpu.SemaphoreType.DMA,
        ],
        compiler_params=pltpu.CompilerParams(needs_layout_passes=False),
    )(edge_index.reshape(2 * _E), edge_type, x)


def kernel(x, edge_index, edge_type, comp, bases, root, conv_bias,
           w_global, b_global, w_sense, b_sense):
    sums, counts = _edge_stats(x, edge_index, edge_type)
    x0 = lax.slice(x, (0, 0), (1, _D))
    outg, outs = _dense_heads(sums, counts, comp, bases, root, conv_bias,
                              x0, w_global, b_global, w_sense, b_sense)
    return outg, outs

# --- scband reference (transcript-rebuilt; emitter-appended) ---
"""Pipeline reference for scband-net-rgcn-29137058136732 (READ-ONLY COPY).

The authoritative reference and input builder live on the scoring server;
editing this copy changes nothing except your own understanding.
"""

import jax, jax.numpy as jnp
import numpy as np

N = 10000
E = 320000
D = 128
R = 5
NB = 5
OUT_G = 10000
OUT_S = 25000


def setup_inputs(seed: int = 0) -> dict:
    key = jax.random.key(seed)
    ks = jax.random.split(key, 10)
    x = jax.random.normal(ks[0], (N, D), dtype=jnp.float32)
    edge_index = jax.random.randint(ks[1], (2, E), 0, N, dtype=jnp.int32)
    edge_type = jax.random.randint(ks[2], (E,), 0, R, dtype=jnp.int32)
    # RGCNConv params (basis decomposition with num_bases == num_relations)
    comp = jax.random.normal(ks[3], (R, NB), dtype=jnp.float32) / np.sqrt(NB)
    bases = jax.random.normal(ks[4], (NB, D, D), dtype=jnp.float32) / np.sqrt(D)
    root = jax.random.normal(ks[5], (D, D), dtype=jnp.float32) / np.sqrt(D)
    conv_bias = jnp.zeros((D,), dtype=jnp.float32)
    # output heads (torch.nn.Linear: weight [out, in])
    w_global = jax.random.normal(ks[6], (OUT_G, D), dtype=jnp.float32) / np.sqrt(D)
    b_global = jnp.zeros((OUT_G,), dtype=jnp.float32)
    w_sense = jax.random.normal(ks[7], (OUT_S, D), dtype=jnp.float32) / np.sqrt(D)
    b_sense = jnp.zeros((OUT_S,), dtype=jnp.float32)
    return {"x": x, "edge_index": edge_index, "edge_type": edge_type,
            "comp": comp, "bases": bases, "root": root, "conv_bias": conv_bias,
            "w_global": w_global, "b_global": b_global,
            "w_sense": w_sense, "b_sense": b_sense}


def _rgcn_conv(x, edge_index, edge_type, comp, bases, root, bias):
    # W_r = sum_b comp[r,b] * bases[b]  -> [R, D, D]
    W = jnp.einsum('rb,bio->rio', comp, bases)
    # transform all nodes under every relation, then gather per edge
    # (equivalent to x[src] @ W[edge_type], but avoids per-edge weight gather)
    h = jnp.einsum('ni,rio->rno', x, W)           # [R, N, D]
    src = edge_index[0]
    dst = edge_index[1]
    msg = h[edge_type, src, :]                     # [E, D] gather
    # PyG RGCNConv default aggr='mean' per relation, then summed over relations
    seg = dst * R + edge_type                      # [E] combined (dst, rel) segment id
    summed = jax.ops.segment_sum(msg, seg, num_segments=N * R)
    counts = jax.ops.segment_sum(jnp.ones((E,), jnp.float32), seg, num_segments=N * R)
    mean = summed / jnp.clip(counts, 1.0)[:, None]
    agg = mean.reshape(N, R, D).sum(axis=1)        # sum over relations
    return agg + x @ root + bias


def reference(x, edge_index, edge_type, comp, bases, root, conv_bias,
              w_global, b_global, w_sense, b_sense):
    # batchinput_ls of one (x, edge_index, edge_type) sample
    batchinput_ls = [(x, edge_index, edge_type)]
    predictions_globals_ls = []
    predictions_senses_ls = []
    for xg, ei, et in batchinput_ls:
        x_Lplus1 = jax.nn.relu(_rgcn_conv(xg, ei, et, comp, bases, root, conv_bias))
        x1_current_node = x_Lplus1[0]
        logits_global = w_global @ x1_current_node + b_global
        logits_sense = w_sense @ x1_current_node + b_sense
        predictions_globals_ls.append(jax.nn.log_softmax(logits_global, axis=0))
        predictions_senses_ls.append(jax.nn.log_softmax(logits_sense, axis=0))
    return (jnp.stack(predictions_globals_ls, axis=0),
            jnp.stack(predictions_senses_ls, axis=0))

if __name__ == "__main__":
    import jax
    _d = setup_inputs()
    print(jax.jit(kernel)(*tuple(_d.values())))

</pallas_src>

<mosaic_0001>
#map = affine_map<(d0, d1) -> (0)>
#map1 = affine_map<(d0, d1) -> (0, 0)>
#map2 = affine_map<(d0, d1) -> (0, 0, 0)>
module attributes {stable_mosaic.version = 14 : i64} {
  func.func @_sc_edge_reduce(%arg0: i32, %arg1: i32, %arg2: memref<640000xi32, #tpu.memory_space<hbm>>, %arg3: memref<320000xi32, #tpu.memory_space<hbm>>, %arg4: memref<10000x128xf32, #tpu.memory_space<hbm>>, %arg5: memref<1x8x128xf32, #tpu.memory_space<hbm>>, %arg6: memref<1x8x128xf32, #tpu.memory_space<hbm>>, %arg7: memref<20000xi32, #tpu.memory_space<vmem>>, %arg8: memref<16xi32, #tpu.memory_space<vmem>>, %arg9: memref<16xi32, #tpu.memory_space<vmem>>, %arg10: memref<16xi32, #tpu.memory_space<vmem>>, %arg11: memref<16xi32, #tpu.memory_space<vmem>>, %arg12: memref<16x128xf32, #tpu.memory_space<vmem>>, %arg13: memref<16x128xf32, #tpu.memory_space<vmem>>, %arg14: memref<8x128xf32, #tpu.memory_space<vmem>>, %arg15: memref<8x128xf32, #tpu.memory_space<vmem>>, %arg16: memref<8x128xf32, #tpu.memory_space<vmem_shared>>, %arg17: memref<8x128xf32, #tpu.memory_space<vmem_shared>>, %arg18: memref<!tpu.dma_semaphore, #tpu.memory_space<semaphore_mem>>) attributes {dimension_semantics = [#tpu.dimension_semantics<core_parallel>, #tpu.dimension_semantics<subcore_parallel>], iteration_bounds = array<i64: 1, 16>, scalar_prefetch = 0 : i64, scratch_operands = 12 : i64, tpu.core_type = #tpu.core_type<sc_vector_subcore>, window_params = [{transform_indices = #map}, {transform_indices = #map}, {transform_indices = #map1}, {transform_indices = #map2}, {transform_indices = #map2}]} {
    %mul3A = arith.constant 1 : i32
    %mul3A_0 = arith.muli %arg1, %mul3A : i32
    %add3A = arith.addi %mul3A_0, %arg0 : i32
    %mul3A_1 = arith.constant 20000 : i32
    %mul3A_2 = arith.muli %add3A, %mul3A_1 : i32
    %add3A_3 = arith.constant 320000 : i32
    %add3A_4 = arith.addi %add3A_3, %mul3A_2 : i32
    "tpu.region"() ({
      %run_scoped3A = tpu.sem_alloc : memref<!tpu.dma_semaphore, #tpu.memory_space<semaphore_mem>>
      %dma_start3A = tpu.memref_slice %arg2[%add3A_4] : memref<640000xi32, #tpu.memory_space<hbm>> -> memref<20000xi32, #tpu.memory_space<hbm>>
      %dma_start3A_1552 = tpu.memref_slice %arg2[%add3A_4] : memref<640000xi32, #tpu.memory_space<hbm>> -> memref<20000xi32, #tpu.memory_space<hbm>>
      tpu.enqueue_dma source(%dma_start3A_1552 : memref<20000xi32, #tpu.memory_space<hbm>>) target(%arg7 : memref<20000xi32, #tpu.memory_space<vmem>>) target_semaphore(%run_scoped3A : memref<!tpu.dma_semaphore, #tpu.memory_space<semaphore_mem>>)
      %dma_wait3A = tpu.memref_slice %arg2[%add3A_4] : memref<640000xi32, #tpu.memory_space<hbm>> -> memref<20000xi32, #tpu.memory_space<hbm>>
      %dma_wait3A_1553 = tpu.memref_slice %arg2[%add3A_4] : memref<640000xi32, #tpu.memory_space<hbm>> -> memref<20000xi32, #tpu.memory_space<hbm>>
      tpu.wait_dma2 semaphore(%run_scoped3A : memref<!tpu.dma_semaphore, #tpu.memory_space<semaphore_mem>>) src(%dma_wait3A_1553 : memref<20000xi32, #tpu.memory_space<hbm>>) dst(%arg7 : memref<20000xi32, #tpu.memory_space<vmem>>)
      tpu.yield
    }) : () -> ()
    %broadcast_in_dim3A = arith.constant 1.000000e+00 : f32
    %broadcast_in_dim3A_5 = vector.broadcast %broadcast_in_dim3A : f32 to vector<16xf32>
    %swap3A = arith.constant 0 : i32
    %swap3A_6 = arith.index_cast %swap3A : i32 to index
    %swap3A_7 = arith.constant 0 : index
    %swap3A_8 = tpu.vector_load %arg13[%swap3A_6, %swap3A_7] {strides = array<i32>} : memref<16x128xf32, #tpu.memory_space<vmem>>, vector<16xf32>,
    tpu.vector_store %arg13[%swap3A_6, %swap3A_7], %broadcast_in_dim3A_5 {strides = array<i32>} : memref<16x128xf32, #tpu.memory_space<vmem>>, vector<16xf32>,
    %broadcast_in_dim3A_9 = arith.constant 1.000000e+00 : f32
    %broadcast_in_dim3A_10 = vector.broadcast %broadcast_in_dim3A_9 : f32 to vector<16xf32>
    %swap3A_11 = arith.constant 0 : i32
    %swap3A_12 = arith.index_cast %swap3A_11 : i32 to index
    %swap3A_13 = arith.constant 16 : index
    %swap3A_14 = tpu.vector_load %arg13[%swap3A_12, %swap3A_13] {strides = array<i32>} : memref<16x128xf32, #tpu.memory_space<vmem>>, vector<16xf32>,
    tpu.vector_store %arg13[%swap3A_12, %swap3A_13], %broadcast_in_dim3A_10 {strides = array<i32>} : memref<16x128xf32, #tpu.memory_space<vmem>>, vector<16xf32>,
    %broadcast_in_dim3A_15 = arith.constant 1.000000e+00 : f32
    %broadcast_in_dim3A_16 = vector.broadcast %broadcast_in_dim3A_15 : f32 to vector<16xf32>
    %swap3A_17 = arith.constant 0 : i32
    %swap3A_18 = arith.index_cast %swap3A_17 : i32 to index
    %swap3A_19 = arith.constant 32 : index
    %swap3A_20 = tpu.vector_load %arg13[%swap3A_18, %swap3A_19] {strides = array<i32>} : memref<16x128xf32, #tpu.memory_space<vmem>>, vector<16xf32>,
    tpu.vector_store %arg13[%swap3A_18, %swap3A_19], %broadcast_in_dim3A_16 {strides = array<i32>} : memref<16x128xf32, #tpu.memory_space<vmem>>, vector<16xf32>,
    %broadcast_in_dim3A_21 = arith.constant 1.000000e+00 : f32
    %broadcast_in_dim3A_22 = vector.broadcast %broadcast_in_dim3A_21 : f32 to vector<16xf32>
    %swap3A_23 = arith.constant 0 : i32
    %swap3A_24 = arith.index_cast %swap3A_23 : i32 to index
    %swap3A_25 = arith.constant 48 : index
    %swap3A_26 = tpu.vector_load %arg13[%swap3A_24, %swap3A_25] {strides = array<i32>} : memref<16x128xf32, #tpu.memory_space<vmem>>, vector<16xf32>,
    tpu.vector_store %arg13[%swap3A_24, %swap3A_25], %broadcast_in_dim3A_22 {strides = array<i32>} : memref<16x128xf32, #tpu.memory_space<vmem>>, vector<16xf32>,
    %broadcast_in_dim3A_27 = arith.constant 1.000000e+00 : f32
    %broadcast_in_dim3A_28 = vector.broadcast %broadcast_in_dim3A_27 : f32 to vector<16xf32>
    %swap3A_29 = arith.constant 0 : i32
    %swap3A_30 = arith.index_cast %swap3A_29 : i32 to index
    %swap3A_31 = arith.constant 64 : index
    %swap3A_32 = tpu.vector_load %arg13[%swap3A_30, %swap3A_31] {strides = array<i32>} : memref<16x128xf32, #tpu.memory_space<vmem>>, vector<16xf32>,
    tpu.vector_store %arg13[%swap3A_30, %swap3A_31], %broadcast_in_dim3A_28 {strides = array<i32>} : memref<16x128xf32, #tpu.memory_space<vmem>>, vector<16xf32>,
    %broadcast_in_dim3A_33 = arith.constant 1.000000e+00 : f32
    %broadcast_in_dim3A_34 = vector.broadcast %broadcast_in_dim3A_33 : f32 to vector<16xf32>
    %swap3A_35 = arith.constant 0 : i32
    %swap3A_36 = arith.index_cast %swap3A_35 : i32 to index
    %swap3A_37 = arith.constant 80 : index
    %swap3A_38 = tpu.vector_load %arg13[%swap3A_36, %swap3A_37] {strides = array<i32>} : memref<16x128xf32, #tpu.memory_space<vmem>>, vector<16xf32>,
    tpu.vector_store %arg13[%swap3A_36, %swap3A_37], %broadcast_in_dim3A_34 {strides = array<i32>} : memref<16x128xf32, #tpu.memory_space<vmem>>, vector<16xf32>,
    %broadcast_in_dim3A_39 = arith.constant 1.000000e+00 : f32
    %broadcast_in_dim3A_40 = vector.broadcast %broadcast_in_dim3A_39 : f32 to vector<16xf32>
    %swap3A_41 = arith.constant 0 : i32
    %swap3A_42 = arith.index_cast %swap3A_41 : i32 to index
    %swap3A_43 = arith.constant 96 : index
    %swap3A_44 = tpu.vector_load %arg13[%swap3A_42, %swap3A_43] {strides = array<i32>} : memref<16x128xf32, #tpu.memory_space<vmem>>, vector<16xf32>,
    tpu.vector_store %arg13[%swap3A_42, %swap3A_43], %broadcast_in_dim3A_40 {strides = array<i32>} : memref<16x128xf32, #tpu.memory_space<vmem>>, vector<16xf32>,
    %broadcast_in_dim3A_45 = arith.constant 1.000000e+00 : f32
    %broadcast_in_dim3A_46 = vector.broadcast %broadcast_in_dim3A_45 : f32 to vector<16xf32>
    %swap3A_47 = arith.constant 0 : i32
    %swap3A_48 = arith.index_cast %swap3A_47 : i32 to index
    %swap3A_49 = arith.constant 112 : index
    %swap3A_50 = tpu.vector_load %arg13[%swap3A_48, %swap3A_49] {strides = array<i32>} : memref<16x128xf32, #tpu.memory_space<vmem>>, vector<16xf32>,
    tpu.vector_store %arg13[%swap3A_48, %swap3A_49], %broadcast_in_dim3A_46 {strides = array<i32>} : memref<16x128xf32, #tpu.memory_space<vmem>>, vector<16xf32>,
    %broadcast_in_dim3A_51 = arith.constant 1.000000e+00 : f32
    %broadcast_in_dim3A_52 = vector.broadcast %broadcast_in_dim3A_51 : f32 to vector<16xf32>
    %swap3A_53 = arith.constant 1 : i32
    %swap3A_54 = arith.index_cast %swap3A_53 : i32 to index
    %swap3A_55 = arith.constant 0 : index
    %swap3A_56 = tpu.vector_load %arg13[%swap3A_54, %swap3A_55] {strides = array<i32>} : memref<16x128xf32, #tpu.memory_space<vmem>>, vector<16xf32>,
    tpu.vector_store %arg13[%swap3A_54, %swap3A_55], %broadcast_in_dim3A_52 {strides = array<i32>} : memref<16x128xf32, #tpu.memory_space<vmem>>, vector<16xf32>,
    %broadcast_in_dim3A_57 = arith.constant 1.000000e+00 : f32
    %broadcast_in_dim3A_58 = vector.broadcast %broadcast_in_dim3A_57 : f32 to vector<16xf32>
    %swap3A_59 = arith.constant 1 : i32
    %swap3A_60 = arith.index_cast %swap3A_59 : i32 to index
    %swap3A_61 = arith.constant 16 : index
    %swap3A_62 = tpu.vector_load %arg13[%swap3A_60, %swap3A_61] {strides = array<i32>} : memref<16x128xf32, #tpu.memory_space<vmem>>, vector<16xf32>,
    tpu.vector_store %arg13[%swap3A_60, %swap3A_61], %broadcast_in_dim3A_58 {strides = array<i32>} : memref<16x128xf32, #tpu.memory_space<vmem>>, vector<16xf32>,
    %broadcast_in_dim3A_63 = arith.constant 1.000000e+00 : f32
    %broadcast_in_dim3A_64 = vector.broadcast %broadcast_in_dim3A_63 : f32 to vector<16xf32>
    %swap3A_65 = arith.constant 1 : i32
    %swap3A_66 = arith.index_cast %swap3A_65 : i32 to index
    %swap3A_67 = arith.constant 32 : index
    %swap3A_68 = tpu.vector_load %arg13[%swap3A_66, %swap3A_67] {strides = array<i32>} : memref<16x128xf32, #tpu.memory_space<vmem>>, vector<16xf32>,
    tpu.vector_store %arg13[%swap3A_66, %swap3A_67], %broadcast_in_dim3A_64 {strides = array<i32>} : memref<16x128xf32, #tpu.memory_space<vmem>>, vector<16xf32>,
    %broadcast_in_dim3A_69 = arith.constant 1.000000e+00 : f32
    %broadcast_in_dim3A_70 = vector.broadcast %broadcast_in_dim3A_69 : f32 to vector<16xf32>
    %swap3A_71 = arith.constant 1 : i32
    %swap3A_72 = arith.index_cast %swap3A_71 : i32 to index
    %swap3A_73 = arith.constant 48 : index
    %swap3A_74 = tpu.vector_load %arg13[%swap3A_72, %swap3A_73] {strides = array<i32>} : memref<16x128xf32, #tpu.memory_space<vmem>>, vector<16xf32>,
    tpu.vector_store %arg13[%swap3A_72, %swap3A_73], %broadcast_in_dim3A_70 {strides = array<i32>} : memref<16x128xf32, #tpu.memory_space<vmem>>, vector<16xf32>,
    %broadcast_in_dim3A_75 = arith.constant 1.000000e+00 : f32
    %broadcast_in_dim3A_76 = vector.broadcast %broadcast_in_dim3A_75 : f32 to vector<16xf32>
    %swap3A_77 = arith.constant 1 : i32
    %swap3A_78 = arith.index_cast %swap3A_77 : i32 to index
    %swap3A_79 = arith.constant 64 : index
    %swap3A_80 = tpu.vector_load %arg13[%swap3A_78, %swap3A_79] {strides = array<i32>} : memref<16x128xf32, #tpu.memory_space<vmem>>, vector<16xf32>,
    tpu.vector_store %arg13[%swap3A_78, %swap3A_79], %broadcast_in_dim3A_76 {strides = array<i32>} : memref<16x128xf32, #tpu.memory_space<vmem>>, vector<16xf32>,
    %broadcast_in_dim3A_81 = arith.constant 1.000000e+00 : f32
    %broadcast_in_dim3A_82 = vector.broadcast %broadcast_in_dim3A_81 : f32 to vector<16xf32>
    %swap3A_83 = arith.constant 1 : i32
    %swap3A_84 = arith.index_cast %swap3A_83 : i32 to index
    %swap3A_85 = arith.constant 80 : index
    %swap3A_86 = tpu.vector_load %arg13[%swap3A_84, %swap3A_85] {strides = array<i32>} : memref<16x128xf32, #tpu.memory_space<vmem>>, vector<16xf32>,
    tpu.vector_store %arg13[%swap3A_84, %swap3A_85], %broadcast_in_dim3A_82 {strides = array<i32>} : memref<16x128xf32, #tpu.memory_space<vmem>>, vector<16xf32>,
    %broadcast_in_dim3A_87 = arith.constant 1.000000e+00 : f32
    %broadcast_in_dim3A_88 = vector.broadcast %broadcast_in_dim3A_87 : f32 to vector<16xf32>
    %swap3A_89 = arith.constant 1 : i32
    %swap3A_90 = arith.index_cast %swap3A_89 : i32 to index
    %swap3A_91 = arith.constant 96 : index
    %swap3A_92 = tpu.vector_load %arg13[%swap3A_90, %swap3A_91] {strides = array<i32>} : memref<16x128xf32, #tpu.memory_space<vmem>>, vector<16xf32>,
    tpu.vector_store %arg13[%swap3A_90, %swap3A_91], %broadcast_in_dim3A_88 {strides = array<i32>} : memref<16x128xf32, #tpu.memory_space<vmem>>, vector<16xf32>,
    %broadcast_in_dim3A_93 = arith.constant 1.000000e+00 : f32
    %broadcast_in_dim3A_94 = vector.broadcast %broadcast_in_dim3A_93 : f32 to vector<16xf32>
    %swap3A_95 = arith.constant 1 : i32
    %swap3A_96 = arith.index_cast %swap3A_95 : i32 to index
    %swap3A_97 = arith.constant 112 : index
    %swap3A_98 = tpu.vector_load %arg13[%swap3A_96, %swap3A_97] {strides = array<i32>} : memref<16x128xf32, #tpu.memory_space<vmem>>, vector<16xf32>,
    tpu.vector_store %arg13[%swap3A_96, %swap3A_97], %broadcast_in_dim3A_94 {strides = array<i32>} : memref<16x128xf32, #tpu.memory_space<vmem>>, vector<16xf32>,
    %broadcast_in_dim3A_99 = arith.constant 1.000000e+00 : f32
    %broadcast_in_dim3A_100 = vector.broadcast %broadcast_in_dim3A_99 : f32 to vector<16xf32>
    %swap3A_101 = arith.constant 2 : i32
    %swap3A_102 = arith.index_cast %swap3A_101 : i32 to index
    %swap3A_103 = arith.constant 0 : index
    %swap3A_104 = tpu.vector_load %arg13[%swap3A_102, %swap3A_103] {strides = array<i32>} : memref<16x128xf32, #tpu.memory_space<vmem>>, vector<16xf32>,
    tpu.vector_store %arg13[%swap3A_102, %swap3A_103], %broadcast_in_dim3A_100 {strides = array<i32>} : memref<16x128xf32, #tpu.memory_space<vmem>>, vector<16xf32>,
    %broadcast_in_dim3A_105 = arith.constant 1.000000e+00 : f32
    %broadcast_in_dim3A_106 = vector.broadcast %broadcast_in_dim3A_105 : f32 to vector<16xf32>
    %swap3A_107 = arith.constant 2 : i32
    %swap3A_108 = arith.index_cast %swap3A_107 : i32 to index
    %swap3A_109 = arith.constant 16 : index
    %swap3A_110 = tpu.vector_load %arg13[%swap3A_108, %swap3A_109] {strides = array<i32>} : memref<16x128xf32, #tpu.memory_space<vmem>>, vector<16xf32>,
    tpu.vector_store %arg13[%swap3A_108, %swap3A_109], %broadcast_in_dim3A_106 {strides = array<i32>} : memref<16x128xf32, #tpu.memory_space<vmem>>, vector<16xf32>,
    %broadcast_in_dim3A_111 = arith.constant 1.000000e+00 : f32
    %broadcast_in_dim3A_112 = vector.broadcast %broadcast_in_dim3A_111 : f32 to vector<16xf32>
    %swap3A_113 = arith.constant 2 : i32
    %swap3A_114 = arith.index_cast %swap3A_113 : i32 to index
    %swap3A_115 = arith.constant 32 : index
    %swap3A_116 = tpu.vector_load %arg13[%swap3A_114, %swap3A_115] {strides = array<i32>} : memref<16x128xf32, #tpu.memory_space<vmem>>, vector<16xf32>,
    tpu.vector_store %arg13[%swap3A_114, %swap3A_115], %broadcast_in_dim3A_112 {strides = array<i32>} : memref<16x128xf32, #tpu.memory_space<vmem>>, vector<16xf32>,
    %broadcast_in_dim3A_117 = arith.constant 1.000000e+00 : f32
    %broadcast_in_dim3A_118 = vector.broadcast %broadcast_in_dim3A_117 : f32 to vector<16xf32>
    %swap3A_119 = arith.constant 2 : i32
    %swap3A_120 = arith.index_cast %swap3A_119 : i32 to index
    %swap3A_121 = arith.constant 48 : index
    %swap3A_122 = tpu.vector_load %arg13[%swap3A_120, %swap3A_121] {strides = array<i32>} : memref<16x128xf32, #tpu.memory_space<vmem>>, vector<16xf32>,
    tpu.vector_store %arg13[%swap3A_120, %swap3A_121], %broadcast_in_dim3A_118 {strides = array<i32>} : memref<16x128xf32, #tpu.memory_space<vmem>>, vector<16xf32>,
    %broadcast_in_dim3A_123 = arith.constant 1.000000e+00 : f32
    %broadcast_in_dim3A_124 = vector.broadcast %broadcast_in_dim3A_123 : f32 to vector<16xf32>
    %swap3A_125 = arith.constant 2 : i32
    %swap3A_126 = arith.index_cast %swap3A_125 : i32 to index
    %swap3A_127 = arith.constant 64 : index
    %swap3A_128 = tpu.vector_load %arg13[%swap3A_126, %swap3A_127] {strides = array<i32>} : memref<16x128xf32, #tpu.memory_space<vmem>>, vector<16xf32>,
    tpu.vector_store %arg13[%swap3A_126, %swap3A_127], %broadcast_in_dim3A_124 {strides = array<i32>} : memref<16x128xf32, #tpu.memory_space<vmem>>, vector<16xf32>,
    %broadcast_in_dim3A_129 = arith.constant 1.000000e+00 : f32
    %broadcast_in_dim3A_130 = vector.broadcast %broadcast_in_dim3A_129 : f32 to vector<16xf32>
    %swap3A_131 = arith.constant 2 : i32
    %swap3A_132 = arith.index_cast %swap3A_131 : i32 to index
    %swap3A_133 = arith.constant 80 : index
    %swap3A_134 = tpu.vector_load %arg13[%swap3A_132, %swap3A_133] {strides = array<i32>} : memref<16x128xf32, #tpu.memory_space<vmem>>, vector<16xf32>,
    tpu.vector_store %arg13[%swap3A_132, %swap3A_133], %broadcast_in_dim3A_130 {strides = array<i32>} : memref<16x128xf32, #tpu.memory_space<vmem>>, vector<16xf32>,
    %broadcast_in_dim3A_135 = arith.constant 1.000000e+00 : f32
    %broadcast_in_dim3A_136 = vector.broadcast %broadcast_in_dim3A_135 : f32 to vector<16xf32>
    %swap3A_137 = arith.constant 2 : i32
    %swap3A_138 = arith.index_cast %swap3A_137 : i32 to index
    %swap3A_139 = arith.constant 96 : index
    %swap3A_140 = tpu.vector_load %arg13[%swap3A_138, %swap3A_139] {strides = array<i32>} : memref<16x128xf32, #tpu.memory_space<vmem>>, vector<16xf32>,
    tpu.vector_store %arg13[%swap3A_138, %swap3A_139], %broadcast_in_dim3A_136 {strides = array<i32>} : memref<16x128xf32, #tpu.memory_space<vmem>>, vector<16xf32>,
    %broadcast_in_dim3A_141 = arith.constant 1.000000e+00 : f32
    %broadcast_in_dim3A_142 = vector.broadcast %broadcast_in_dim3A_141 : f32 to vector<16xf32>
    %swap3A_143 = arith.constant 2 : i32
    %swap3A_144 = arith.index_cast %swap3A_143 : i32 to index
    %swap3A_145 = arith.constant 112 : index
    %swap3A_146 = tpu.vector_load %arg13[%swap3A_144, %swap3A_145] {strides = array<i32>} : memref<16x128xf32, #tpu.memory_space<vmem>>, vector<16xf32>,
    tpu.vector_store %arg13[%swap3A_144, %swap3A_145], %broadcast_in_dim3A_142 {strides = array<i32>} : memref<16x128xf32, #tpu.memory_space<vmem>>, vector<16xf32>,
    %broadcast_in_dim3A_147 = arith.constant 1.000000e+00 : f32
    %broadcast_in_dim3A_148 = vector.broadcast %broadcast_in_dim3A_147 : f32 to vector<16xf32>
    %swap3A_149 = arith.constant 3 : i32
    %swap3A_150 = arith.index_cast %swap3A_149 : i32 to index
    %swap3A_151 = arith.constant 0 : index
    %swap3A_152 = tpu.vector_load %arg13[%swap3A_150, %swap3A_151] {strides = array<i32>} : memref<16x128xf32, #tpu.memory_space<vmem>>, vector<16xf32>,
    tpu.vector_store %arg13[%swap3A_150, %swap3A_151], %broadcast_in_dim3A_148 {strides = array<i32>} : memref<16x128xf32, #tpu.memory_space<vmem>>, vector<16xf32>,
    %broadcast_in_dim3A_153 = arith.constant 1.000000e+00 : f32
    %broadcast_in_dim3A_154 = vector.broadcast %broadcast_in_dim3A_153 : f32 to vector<16xf32>
    %swap3A_155 = arith.constant 3 : i32
    %swap3A_156 = arith.index_cast %swap3A_155 : i32 to index
    %swap3A_157 = arith.constant 16 : index
    %swap3A_158 = tpu.vector_load %arg13[%swap3A_156, %swap3A_157] {strides = array<i32>} : memref<16x128xf32, #tpu.memory_space<vmem>>, vector<16xf32>,
    tpu.vector_store %arg13[%swap3A_156, %swap3A_157], %broadcast_in_dim3A_154 {strides = array<i32>} : memref<16x128xf32, #tpu.memory_space<vmem>>, vector<16xf32>,
    %broadcast_in_dim3A_159 = arith.constant 1.000000e+00 : f32
    %broadcast_in_dim3A_160 = vector.broadcast %broadcast_in_dim3A_159 : f32 to vector<16xf32>
    %swap3A_161 = arith.constant 3 : i32
    %swap3A_162 = arith.index_cast %swap3A_161 : i32 to index
    %swap3A_163 = arith.constant 32 : index
    %swap3A_164 = tpu.vector_load %arg13[%swap3A_162, %swap3A_163] {strides = array<i32>} : memref<16x128xf32, #tpu.memory_space<vmem>>, vector<16xf32>,
    tpu.vector_store %arg13[%swap3A_162, %swap3A_163], %broadcast_in_dim3A_160 {strides = array<i32>} : memref<16x128xf32, #tpu.memory_space<vmem>>, vector<16xf32>,
    %broadcast_in_dim3A_165 = arith.constant 1.000000e+00 : f32
    %broadcast_in_dim3A_166 = vector.broadcast %broadcast_in_dim3A_165 : f32 to vector<16xf32>
    %swap3A_167 = arith.constant 3 : i32
    %swap3A_168 = arith.index_cast %swap3A_167 : i32 to index
    %swap3A_169 = arith.constant 48 : index
    %swap3A_170 = tpu.vector_load %arg13[%swap3A_168, %swap3A_169] {strides = array<i32>} : memref<16x128xf32, #tpu.memory_space<vmem>>, vector<16xf32>,
    tpu.vector_store %arg13[%swap3A_168, %swap3A_169], %broadcast_in_dim3A_166 {strides = array<i32>} : memref<16x128xf32, #tpu.memory_space<vmem>>, vector<16xf32>,
    %broadcast_in_dim3A_171 = arith.constant 1.000000e+00 : f32
    %broadcast_in_dim3A_172 = vector.broadcast %broadcast_in_dim3A_171 : f32 to vector<16xf32>
    %swap3A_173 = arith.constant 3 : i32
    %swap3A_174 = arith.index_cast %swap3A_173 : i32 to index
    %swap3A_175 = arith.constant 64 : index
    %swap3A_176 = tpu.vector_load %arg13[%swap3A_174, %swap3A_175] {strides = array<i32>} : memref<16x128xf32, #tpu.memory_space<vmem>>, vector<16xf32>,
    tpu.vector_store %arg13[%swap3A_174, %swap3A_175], %broadcast_in_dim3A_172 {strides = array<i32>} : memref<16x128xf32, #tpu.memory_space<vmem>>, vector<16xf32>,
    %broadcast_in_dim3A_177 = arith.constant 1.000000e+00 : f32
    %broadcast_in_dim3A_178 = vector.broadcast %broadcast_in_dim3A_177 : f32 to vector<16xf32>
    %swap3A_179 = arith.constant 3 : i32
    %swap3A_180 = arith.index_cast %swap3A_179 : i32 to index
    %swap3A_181 = arith.constant 80 : index
    %swap3A_182 = tpu.vector_load %arg13[%swap3A_180, %swap3A_181] {strides = array<i32>} : memref<16x128xf32, #tpu.memory_space<vmem>>, vector<16xf32>,
    tpu.vector_store %arg13[%swap3A_180, %swap3A_181], %broadcast_in_dim3A_178 {strides = array<i32>} : memref<16x128xf32, #tpu.memory_space<vmem>>, vector<16xf32>,
    %broadcast_in_dim3A_183 = arith.constant 1.000000e+00 : f32
    %broadcast_in_dim3A_184 = vector.broadcast %broadcast_in_dim3A_183 : f32 to vector<16xf32>
    %swap3A_185 = arith.constant 3 : i32
    %swap3A_186 = arith.index_cast %swap3A_185 : i32 to index
    %swap3A_187 = arith.constant 96 : index
    %swap3A_188 = tpu.vector_load %arg13[%swap3A_186, %swap3A_187] {strides = array<i32>} : memref<16x128xf32, #tpu.memory_space<vmem>>, vector<16xf32>,
    tpu.vector_store %arg13[%swap3A_186, %swap3A_187], %broadcast_in_dim3A_184 {strides = array<i32>} : memref<16x128xf32, #tpu.memory_space<vmem>>, vector<16xf32>,
    %broadcast_in_dim3A_189 = arith.constant 1.000000e+00 : f32
    %broadcast_in_dim3A_190 = vector.broadcast %broadcast_in_dim3A_189 : f32 to vector<16xf32>
    %swap3A_191 = arith.constant 3 : i32
    %swap3A_192 = arith.index_cast %swap3A_191 : i32 to index
    %swap3A_193 = arith.constant 112 : index
    %swap3A_194 = tpu.vector_load %arg13[%swap3A_192, %swap3A_193] {strides = array<i32>} : memref<16x128xf32, #tpu.memory_space<vmem>>, vector<16xf32>,
    tpu.vector_store %arg13[%swap3A_192, %swap3A_193], %broadcast_in_dim3A_190 {strides = array<i32>} : memref<16x128xf32, #tpu.memory_space<vmem>>, vector<16xf32>,
    %broadcast_in_dim3A_195 = arith.constant 1.000000e+00 : f32
    %broadcast_in_dim3A_196 = vector.broadcast %broadcast_in_dim3A_195 : f32 to vector<16xf32>
    %swap3A_197 = arith.constant 4 : i32
    %swap3A_198 = arith.index_cast %swap3A_197 : i32 to index
    %swap3A_199 = arith.constant 0 : index
    %swap3A_200 = tpu.vector_load %arg13[%swap3A_198, %swap3A_199] {strides = array<i32>} : memref<16x128xf32, #tpu.memory_space<vmem>>, vector<16xf32>,
    tpu.vector_store %arg13[%swap3A_198, %swap3A_199], %broadcast_in_dim3A_196 {strides = array<i32>} : memref<16x128xf32, #tpu.memory_space<vmem>>, vector<16xf32>,
    %broadcast_in_dim3A_201 = arith.constant 1.000000e+00 : f32
    %broadcast_in_dim3A_202 = vector.broadcast %broadcast_in_dim3A_201 : f32 to vector<16xf32>
    %swap3A_203 = arith.constant 4 : i32
    %swap3A_204 = arith.index_cast %swap3A_203 : i32 to index
    %swap3A_205 = arith.constant 16 : index
    %swap3A_206 = tpu.vector_load %arg13[%swap3A_204, %swap3A_205] {strides = array<i32>} : memref<16x128xf32, #tpu.memory_space<vmem>>, vector<16xf32>,
    tpu.vector_store %arg13[%swap3A_204, %swap3A_205], %broadcast_in_dim3A_202 {strides = array<i32>} : memref<16x128xf32, #tpu.memory_space<vmem>>, vector<16xf32>,
    %broadcast_in_dim3A_207 = arith.constant 1.000000e+00 : f32
    %broadcast_in_dim3A_208 = vector.broadcast %broadcast_in_dim3A_207 : f32 to vector<16xf32>
    %swap3A_209 = arith.constant 4 : i32
    %swap3A_210 = arith.index_cast %swap3A_209 : i32 to index
    %swap3A_211 = arith.constant 32 : index
    %swap3A_212 = tpu.vector_load %arg13[%swap3A_210, %swap3A_211] {strides = array<i32>} : memref<16x128xf32, #tpu.memory_space<vmem>>, vector<16xf32>,
    tpu.vector_store %arg13[%swap3A_210, %swap3A_211], %broadcast_in_dim3A_208 {strides = array<i32>} : memref<16x128xf32, #tpu.memory_space<vmem>>, vector<16xf32>,
    %broadcast_in_dim3A_213 = arith.constant 1.000000e+00 : f32
    %broadcast_in_dim3A_214 = vector.broadcast %broadcast_in_dim3A_213 : f32 to vector<16xf32>
    %swap3A_215 = arith.constant 4 : i32
    %swap3A_216 = arith.index_cast %swap3A_215 : i32 to index
    %swap3A_217 = arith.constant 48 : index
    %swap3A_218 = tpu.vector_load %arg13[%swap3A_216, %swap3A_217] {strides = array<i32>} : memref<16x128xf32, #tpu.memory_space<vmem>>, vector<16xf32>,
    tpu.vector_store %arg13[%swap3A_216, %swap3A_217], %broadcast_in_dim3A_214 {strides = array<i32>} : memref<16x128xf32, #tpu.memory_space<vmem>>, vector<16xf32>,
    %broadcast_in_dim3A_219 = arith.constant 1.000000e+00 : f32
    %broadcast_in_dim3A_220 = vector.broadcast %broadcast_in_dim3A_219 : f32 to vector<16xf32>
    %swap3A_221 = arith.constant 4 : i32
    %swap3A_222 = arith.index_cast %swap3A_221 : i32 to index
    %swap3A_223 = arith.constant 64 : index
    %swap3A_224 = tpu.vector_load %arg13[%swap3A_222, %swap3A_223] {strides = array<i32>} : memref<16x128xf32, #tpu.memory_space<vmem>>, vector<16xf32>,
    tpu.vector_store %arg13[%swap3A_222, %swap3A_223], %broadcast_in_dim3A_220 {strides = array<i32>} : memref<16x128xf32, #tpu.memory_space<vmem>>, vector<16xf32>,
    %broadcast_in_dim3A_225 = arith.constant 1.000000e+00 : f32
    %broadcast_in_dim3A_226 = vector.broadcast %broadcast_in_dim3A_225 : f32 to vector<16xf32>
    %swap3A_227 = arith.constant 4 : i32
    %swap3A_228 = arith.index_cast %swap3A_227 : i32 to index
    %swap3A_229 = arith.constant 80 : index
    %swap3A_230 = tpu.vector_load %arg13[%swap3A_228, %swap3A_229] {strides = array<i32>} : memref<16x128xf32, #tpu.memory_space<vmem>>, vector<16xf32>,
    tpu.vector_store %arg13[%swap3A_228, %swap3A_229], %broadcast_in_dim3A_226 {strides = array<i32>} : memref<16x128xf32, #tpu.memory_space<vmem>>, vector<16xf32>,
    %broadcast_in_dim3A_231 = arith.constant 1.000000e+00 : f32
    %broadcast_in_dim3A_232 = vector.broadcast %broadcast_in_dim3A_231 : f32 to vector<16xf32>
    %swap3A_233 = arith.constant 4 : i32
    %swap3A_234 = arith.index_cast %swap3A_233 : i32 to index
    %swap3A_235 = arith.constant 96 : index
    %swap3A_236 = tpu.vector_load %arg13[%swap3A_234, %swap3A_235] {strides = array<i32>} : memref<16x128xf32, #tpu.memory_space<vmem>>, vector<16xf32>,
    tpu.vector_store %arg13[%swap3A_234, %swap3A_235], %broadcast_in_dim3A_232 {strides = array<i32>} : memref<16x128xf32, #tpu.memory_space<vmem>>, vector<16xf32>,
    %broadcast_in_dim3A_237 = arith.constant 1.000000e+00 : f32
    %broadcast_in_dim3A_238 = vector.broadcast %broadcast_in_dim3A_237 : f32 to vector<16xf32>
    %swap3A_239 = arith.constant 4 : i32
    %swap3A_240 = arith.index_cast %swap3A_239 : i32 to index
    %swap3A_241 = arith.constant 112 : index
    %swap3A_242 = tpu.vector_load %arg13[%swap3A_240, %swap3A_241] {strides = array<i32>} : memref<16x128xf32, #tpu.memory_space<vmem>>, vector<16xf32>,
    tpu.vector_store %arg13[%swap3A_240, %swap3A_241], %broadcast_in_dim3A_238 {strides = array<i32>} : memref<16x128xf32, #tpu.memory_space<vmem>>, vector<16xf32>,
    %broadcast_in_dim3A_243 = arith.constant 1.000000e+00 : f32
    %broadcast_in_dim3A_244 = vector.broadcast %broadcast_in_dim3A_243 : f32 to vector<16xf32>
    %swap3A_245 = arith.constant 5 : i32
    %swap3A_246 = arith.index_cast %swap3A_245 : i32 to index
    %swap3A_247 = arith.constant 0 : index
    %swap3A_248 = tpu.vector_load %arg13[%swap3A_246, %swap3A_247] {strides = array<i32>} : memref<16x128xf32, #tpu.memory_space<vmem>>, vector<16xf32>,
    tpu.vector_store %arg13[%swap3A_246, %swap3A_247], %broadcast_in_dim3A_244 {strides = array<i32>} : memref<16x128xf32, #tpu.memory_space<vmem>>, vector<16xf32>,
    %broadcast_in_dim3A_249 = arith.constant 1.000000e+00 : f32
    %broadcast_in_dim3A_250 = vector.broadcast %broadcast_in_dim3A_249 : f32 to vector<16xf32>
    %swap3A_251 = arith.constant 5 : i32
    %swap3A_252 = arith.index_cast %swap3A_251 : i32 to index
    %swap3A_253 = arith.constant 16 : index
    %swap3A_254 = tpu.vector_load %arg13[%swap3A_252, %swap3A_253] {strides = array<i32>} : memref<16x128xf32, #tpu.memory_space<vmem>>, vector<16xf32>,
    tpu.vector_store %arg13[%swap3A_252, %swap3A_253], %broadcast_in_dim3A_250 {strides = array<i32>} : memref<16x128xf32, #tpu.memory_space<vmem>>, vector<16xf32>,
    %broadcast_in_dim3A_255 = arith.constant 1.000000e+00 : f32
    %broadcast_in_dim3A_256 = vector.broadcast %broadcast_in_dim3A_255 : f32 to vector<16xf32>
    %swap3A_257 = arith.constant 5 : i32
    %swap3A_258 = arith.index_cast %swap3A_257 : i32 to index
    %swap3A_259 = arith.constant 32 : index
    %swap3A_260 = tpu.vector_load %arg13[%swap3A_258, %swap3A_259] {strides = array<i32>} : memref<16x128xf32, #tpu.memory_space<vmem>>, vector<16xf32>,
    tpu.vector_store %arg13[%swap3A_258, %swap3A_259], %broadcast_in_dim3A_256 {strides = array<i32>} : memref<16x128xf32, #tpu.memory_space<vmem>>, vector<16xf32>,
    %broadcast_in_dim3A_261 = arith.constant 1.000000e+00 : f32
    %broadcast_in_dim3A_262 = vector.broadcast %broadcast_in_dim3A_261 : f32 to vector<16xf32>
    %swap3A_263 = arith.constant 5 : i32
    %swap3A_264 = arith.index_cast %swap3A_263 : i32 to index
    %swap3A_265 = arith.constant 48 : index
    %swap3A_266 = tpu.vector_load %arg13[%swap3A_264, %swap3A_265] {strides = array<i32>} : memref<16x128xf32, #tpu.memory_space<vmem>>, vector<16xf32>,
    tpu.vector_store %arg13[%swap3A_264, %swap3A_265], %broadcast_in_dim3A_262 {strides = array<i32>} : memref<16x128xf32, #tpu.memory_space<vmem>>, vector<16xf32>,
    %broadcast_in_dim3A_267 = arith.constant 1.000000e+00 : f32
    %broadcast_in_dim3A_268 = vector.broadcast %broadcast_in_dim3A_267 : f32 to vector<16xf32>
    %swap3A_269 = arith.constant 5 : i32
    %swap3A_270 = arith.index_cast %swap3A_269 : i32 to index
    %swap3A_271 = arith.constant 64 : index
    %swap3A_272 = tpu.vector_load %arg13[%swap3A_270, %swap3A_271] {strides = array<i32>} : memref<16x128xf32, #tpu.memory_space<vmem>>, vector<16xf32>,
    tpu.vector_store %arg13[%swap3A_270, %swap3A_271], %broadcast_in_dim3A_268 {strides = array<i32>} : memref<16x128xf32, #tpu.memory_space<vmem>>, vector<16xf32>,
    %broadcast_in_dim3A_273 = arith.constant 1.000000e+00 : f32
    %broadcast_in_dim3A_274 = vector.broadcast %broadcast_in_dim3A_273 : f32 to vector<16xf32>
    %swap3A_275 = arith.constant 5 : i32
    %swap3A_276 = arith.index_cast %swap3A_275 : i32 to index
    %swap3A_277 = arith.constant 80 : index
    %swap3A_278 = tpu.vector_load %arg13[%swap3A_276, %swap3A_277] {strides = array<i32>} : memref<16x128xf32, #tpu.memory_space<vmem>>, vector<16xf32>,
    tpu.vector_store %arg13[%swap3A_276, %swap3A_277], %broadcast_in_dim3A_274 {strides = array<i32>} : memref<16x128xf32, #tpu.memory_space<vmem>>, vector<16xf32>,
    %broadcast_in_dim3A_279 = arith.constant 1.000000e+00 : f32
    %broadcast_in_dim3A_280 = vector.broadcast %broadcast_in_dim3A_279 : f32 to vector<16xf32>
    %swap3A_281 = arith.constant 5 : i32
    %swap3A_282 = arith.index_cast %swap3A_281 : i32 to index
    %swap3A_283 = arith.constant 96 : index
    %swap3A_284 = tpu.vector_load %arg13[%swap3A_282, %swap3A_283] {strides = array<i32>} : memref<16x128xf32, #tpu.memory_space<vmem>>, vector<16xf32>,
    tpu.vector_store %arg13[%swap3A_282, %swap3A_283], %broadcast_in_dim3A_280 {strides = array<i32>} : memref<16x128xf32, #tpu.memory_space<vmem>>, vector<16xf32>,
    %broadcast_in_dim3A_285 = arith.constant 1.000000e+00 : f32
    %broadcast_in_dim3A_286 = vector.broadcast %broadcast_in_dim3A_285 : f32 to vector<16xf32>
    %swap3A_287 = arith.constant 5 : i32
    %swap3A_288 = arith.index_cast %swap3A_287 : i32 to index
    %swap3A_289 = arith.constant 112 : index
    %swap3A_290 = tpu.vector_load %arg13[%swap3A_288, %swap3A_289] {strides = array<i32>} : memref<16x128xf32, #tpu.memory_space<vmem>>, vector<16xf32>,
    tpu.vector_store %arg13[%swap3A_288, %swap3A_289], %broadcast_in_dim3A_286 {strides = array<i32>} : memref<16x128xf32, #tpu.memory_space<vmem>>, vector<16xf32>,
    %broadcast_in_dim3A_291 = arith.constant 1.000000e+00 : f32
    %broadcast_in_dim3A_292 = vector.broadcast %broadcast_in_dim3A_291 : f32 to vector<16xf32>
    %swap3A_293 = arith.constant 6 : i32
    %swap3A_294 = arith.index_cast %swap3A_293 : i32 to index
    %swap3A_295 = arith.constant 0 : index
    %swap3A_296 = tpu.vector_load %arg13[%swap3A_294, %swap3A_295] {strides = array<i32>} : memref<16x128xf32, #tpu.memory_space<vmem>>, vector<16xf32>,
    tpu.vector_store %arg13[%swap3A_294, %swap3A_295], %broadcast_in_dim3A_292 {strides = array<i32>} : memref<16x128xf32, #tpu.memory_space<vmem>>, vector<16xf32>,
    %broadcast_in_dim3A_297 = arith.constant 1.000000e+00 : f32
    %broadcast_in_dim3A_298 = vector.broadcast %broadcast_in_dim3A_297 : f32 to vector<16xf32>
    %swap3A_299 = arith.constant 6 : i32
    %swap3A_300 = arith.index_cast %swap3A_299 : i32 to index
    %swap3A_301 = arith.constant 16 : index
    %swap3A_302 = tpu.vector_load %arg13[%swap3A_300, %swap3A_301] {strides = array<i32>} : memref<16x128xf32, #tpu.memory_space<vmem>>, vector<16xf32>,
    tpu.vector_store %arg13[%swap3A_300, %swap3A_301], %broadcast_in_dim3A_298 {strides = array<i32>} : memref<16x128xf32, #tpu.memory_space<vmem>>, vector<16xf32>,
    %broadcast_in_dim3A_303 = arith.constant 1.000000e+00 : f32
    %broadcast_in_dim3A_304 = vector.broadcast %broadcast_in_dim3A_303 : f32 to vector<16xf32>
    %swap3A_305 = arith.constant 6 : i32
    %swap3A_306 = arith.index_cast %swap3A_305 : i32 to index
    %swap3A_307 = arith.constant 32 : index
    %swap3A_308 = tpu.vector_load %arg13[%swap3A_306, %swap3A_307] {strides = array<i32>} : memref<16x128xf32, #tpu.memory_space<vmem>>, vector<16xf32>,
    tpu.vector_store %arg13[%swap3A_306, %swap3A_307], %broadcast_in_dim3A_304 {strides = array<i32>} : memref<16x128xf32, #tpu.memory_space<vmem>>, vector<16xf32>,
    %broadcast_in_dim3A_309 = arith.constant 1.000000e+00 : f32
    %broadcast_in_dim3A_310 = vector.broadcast %broadcast_in_dim3A_309 : f32 to vector<16xf32>
    %swap3A_311 = arith.constant 6 : i32
    %swap3A_312 = arith.index_cast %swap3A_311 : i32 to index
    %swap3A_313 = arith.constant 48 : index
    %swap3A_314 = tpu.vector_load %arg13[%swap3A_312, %swap3A_313] {strides = array<i32>} : memref<16x128xf32, #tpu.memory_space<vmem>>, vector<16xf32>,
    tpu.vector_store %arg13[%swap3A_312, %swap3A_313], %broadcast_in_dim3A_310 {strides = array<i32>} : memref<16x128xf32, #tpu.memory_space<vmem>>, vector<16xf32>,
    %broadcast_in_dim3A_315 = arith.constant 1.000000e+00 : f32
    %broadcast_in_dim3A_316 = vector.broadcast %broadcast_in_dim3A_315 : f32 to vector<16xf32>
    %swap3A_317 = arith.constant 6 : i32
    %swap3A_318 = arith.index_cast %swap3A_317 : i32 to index
    %swap3A_319 = arith.constant 64 : index
    %swap3A_320 = tpu.vector_load %arg13[%swap3A_318, %swap3A_319] {strides = array<i32>} : memref<16x128xf32, #tpu.memory_space<vmem>>, vector<16xf32>,
    tpu.vector_store %arg13[%swap3A_318, %swap3A_319], %broadcast_in_dim3A_316 {strides = array<i32>} : memref<16x128xf32, #tpu.memory_space<vmem>>, vector<16xf32>,
    %broadcast_in_dim3A_321 = arith.constant 1.000000e+00 : f32
    %broadcast_in_dim3A_322 = vector.broadcast %broadcast_in_dim3A_321 : f32 to vector<16xf32>
    %swap3A_323 = arith.constant 6 : i32
    %swap3A_324 = arith.index_cast %swap3A_323 : i32 to index
    %swap3A_325 = arith.constant 80 : index
    %swap3A_326 = tpu.vector_load %arg13[%swap3A_324, %swap3A_325] {strides = array<i32>} : memref<16x128xf32, #tpu.memory_space<vmem>>, vector<16xf32>,
    tpu.vector_store %arg13[%swap3A_324, %swap3A_325], %broadcast_in_dim3A_322 {strides = array<i32>} : memref<16x128xf32, #tpu.memory_space<vmem>>, vector<16xf32>,
    %broadcast_in_dim3A_327 = arith.constant 1.000000e+00 : f32
    %broadcast_in_dim3A_328 = vector.broadcast %broadcast_in_dim3A_327 : f32 to vector<16xf32>
    %swap3A_329 = arith.constant 6 : i32
    %swap3A_330 = arith.index_cast %swap3A_329 : i32 to index
    %swap3A_331 = arith.constant 96 : index
    %swap3A_332 = tpu.vector_load %arg13[%swap3A_330, %swap3A_331] {strides = array<i32>} : memref<16x128xf32, #tpu.memory_space<vmem>>, vector<16xf32>,
    tpu.vector_store %arg13[%swap3A_330, %swap3A_331], %broadcast_in_dim3A_328 {strides = array<i32>} : memref<16x128xf32, #tpu.memory_space<vmem>>, vector<16xf32>,
    %broadcast_in_dim3A_333 = arith.constant 1.000000e+00 : f32
    %broadcast_in_dim3A_334 = vector.broadcast %broadcast_in_dim3A_333 : f32 to vector<16xf32>
    %swap3A_335 = arith.constant 6 : i32
    %swap3A_336 = arith.index_cast %swap3A_335 : i32 to index
    %swap3A_337 = arith.constant 112 : index
    %swap3A_338 = tpu.vector_load %arg13[%swap3A_336, %swap3A_337] {strides = array<i32>} : memref<16x128xf32, #tpu.memory_space<vmem>>, vector<16xf32>,
    tpu.vector_store %arg13[%swap3A_336, %swap3A_337], %broadcast_in_dim3A_334 {strides = array<i32>} : memref<16x128xf32, #tpu.memory_space<vmem>>, vector<16xf32>,
    %broadcast_in_dim3A_339 = arith.constant 1.000000e+00 : f32
    %broadcast_in_dim3A_340 = vector.broadcast %broadcast_in_dim3A_339 : f32 to vector<16xf32>
    %swap3A_341 = arith.constant 7 : i32
    %swap3A_342 = arith.index_cast %swap3A_341 : i32 to index
    %swap3A_343 = arith.constant 0 : index
    %swap3A_344 = tpu.vector_load %arg13[%swap3A_342, %swap3A_343] {strides = array<i32>} : memref<16x128xf32, #tpu.memory_space<vmem>>, vector<16xf32>,
    tpu.vector_store %arg13[%swap3A_342, %swap3A_343], %broadcast_in_dim3A_340 {strides = array<i32>} : memref<16x128xf32, #tpu.memory_space<vmem>>, vector<16xf32>,
    %broadcast_in_dim3A_345 = arith.constant 1.000000e+00 : f32
    %broadcast_in_dim3A_346 = vector.broadcast %broadcast_in_dim3A_345 : f32 to vector<16xf32>
    %swap3A_347 = arith.constant 7 : i32
    %swap3A_348 = arith.index_cast %swap3A_347 : i32 to index
    %swap3A_349 = arith.constant 16 : index
    %swap3A_350 = tpu.vector_load %arg13[%swap3A_348, %swap3A_349] {strides = array<i32>} : memref<16x128xf32, #tpu.memory_space<vmem>>, vector<16xf32>,
    tpu.vector_store %arg13[%swap3A_348, %swap3A_349], %broadcast_in_dim3A_346 {strides = array<i32>} : memref<16x128xf32, #tpu.memory_space<vmem>>, vector<16xf32>,
    %broadcast_in_dim3A_351 = arith.constant 1.000000e+00 : f32
    %broadcast_in_dim3A_352 = vector.broadcast %broadcast_in_dim3A_351 : f32 to vector<16xf32>
    %swap3A_353 = arith.constant 7 : i32
    %swap3A_354 = arith.index_cast %swap3A_353 : i32 to index
    %swap3A_355 = arith.constant 32 : index
    %swap3A_356 = tpu.vector_load %arg13[%swap3A_354, %swap3A_355] {strides = array<i32>} : memref<16x128xf32, #tpu.memory_space<vmem>>, vector<16xf32>,
    tpu.vector_store %arg13[%swap3A_354, %swap3A_355], %broadcast_in_dim3A_352 {strides = array<i32>} : memref<16x128xf32, #tpu.memory_space<vmem>>, vector<16xf32>,
    %broadcast_in_dim3A_357 = arith.constant 1.000000e+00 : f32
    %broadcast_in_dim3A_358 = vector.broadcast %broadcast_in_dim3A_357 : f32 to vector<16xf32>
    %swap3A_359 = arith.constant 7 : i32
    %swap3A_360 = arith.index_cast %swap3A_359 : i32 to index
    %swap3A_361 = arith.constant 48 : index
    %swap3A_362 = tpu.vector_load %arg13[%swap3A_360, %swap3A_361] {strides = array<i32>} : memref<16x128xf32, #tpu.memory_space<vmem>>, vector<16xf32>,
    tpu.vector_store %arg13[%swap3A_360, %swap3A_361], %broadcast_in_dim3A_358 {strides = array<i32>} : memref<16x128xf32, #tpu.memory_space<vmem>>, vector<16xf32>,
    %broadcast_in_dim3A_363 = arith.constant 1.000000e+00 : f32
    %broadcast_in_dim3A_364 = vector.broadcast %broadcast_in_dim3A_363 : f32 to vector<16xf32>
    %swap3A_365 = arith.constant 7 : i32
    %swap3A_366 = arith.index_cast %swap3A_365 : i32 to index
    %swap3A_367 = arith.constant 64 : index
    %swap3A_368 = tpu.vector_load %arg13[%swap3A_366, %swap3A_367] {strides = array<i32>} : memref<16x128xf32, #tpu.memory_space<vmem>>, vector<16xf32>,
    tpu.vector_store %arg13[%swap3A_366, %swap3A_367], %broadcast_in_dim3A_364 {strides = array<i32>} : memref<16x128xf32, #tpu.memory_space<vmem>>, vector<16xf32>,
    %broadcast_in_dim3A_369 = arith.constant 1.000000e+00 : f32
    %broadcast_in_dim3A_370 = vector.broadcast %broadcast_in_dim3A_369 : f32 to vector<16xf32>
    %swap3A_371 = arith.constant 7 : i32
    %swap3A_372 = arith.index_cast %swap3A_371 : i32 to index
    %swap3A_373 = arith.constant 80 : index
    %swap3A_374 = tpu.vector_load %arg13[%swap3A_372, %swap3A_373] {strides = array<i32>} : memref<16x128xf32, #tpu.memory_space<vmem>>, vector<16xf32>,
    tpu.vector_store %arg13[%swap3A_372, %swap3A_373], %broadcast_in_dim3A_370 {strides = array<i32>} : memref<16x128xf32, #tpu.memory_space<vmem>>, vector<16xf32>,
    %broadcast_in_dim3A_375 = arith.constant 1.000000e+00 : f32
    %broadcast_in_dim3A_376 = vector.broadcast %broadcast_in_dim3A_375 : f32 to vector<16xf32>
    %swap3A_377 = arith.constant 7 : i32
    %swap3A_378 = arith.index_cast %swap3A_377 : i32 to index
    %swap3A_379 = arith.constant 96 : index
    %swap3A_380 = tpu.vector_load %arg13[%swap3A_378, %swap3A_379] {strides = array<i32>} : memref<16x128xf32, #tpu.memory_space<vmem>>, vector<16xf32>,
    tpu.vector_store %arg13[%swap3A_378, %swap3A_379], %broadcast_in_dim3A_376 {strides = array<i32>} : memref<16x128xf32, #tpu.memory_space<vmem>>, vector<16xf32>,
    %broadcast_in_dim3A_381 = arith.constant 1.000000e+00 : f32
    %broadcast_in_dim3A_382 = vector.broadcast %broadcast_in_dim3A_381 : f32 to vector<16xf32>
    %swap3A_383 = arith.constant 7 : i32
    %swap3A_384 = arith.index_cast %swap3A_383 : i32 to index
    %swap3A_385 = arith.constant 112 : index
    %swap3A_386 = tpu.vector_load %arg13[%swap3A_384, %swap3A_385] {strides = array<i32>} : memref<16x128xf32, #tpu.memory_space<vmem>>, vector<16xf32>,
    tpu.vector_store %arg13[%swap3A_384, %swap3A_385], %broadcast_in_dim3A_382 {strides = array<i32>} : memref<16x128xf32, #tpu.memory_space<vmem>>, vector<16xf32>,
    %broadcast_in_dim3A_387 = arith.constant 1.000000e+00 : f32
    %broadcast_in_dim3A_388 = vector.broadcast %broadcast_in_dim3A_387 : f32 to vector<16xf32>
    %swap3A_389 = arith.constant 8 : i32
    %swap3A_390 = arith.index_cast %swap3A_389 : i32 to index
    %swap3A_391 = arith.constant 0 : index
    %swap3A_392 = tpu.vector_load %arg13[%swap3A_390, %swap3A_391] {strides = array<i32>} : memref<16x128xf32, #tpu.memory_space<vmem>>, vector<16xf32>,
    tpu.vector_store %arg13[%swap3A_390, %swap3A_391], %broadcast_in_dim3A_388 {strides = array<i32>} : memref<16x128xf32, #tpu.memory_space<vmem>>, vector<16xf32>,
    %broadcast_in_dim3A_393 = arith.constant 1.000000e+00 : f32
    %broadcast_in_dim3A_394 = vector.broadcast %broadcast_in_dim3A_393 : f32 to vector<16xf32>
    %swap3A_395 = arith.constant 8 : i32
    %swap3A_396 = arith.index_cast %swap3A_395 : i32 to index
    %swap3A_397 = arith.constant 16 : index
    %swap3A_398 = tpu.vector_load %arg13[%swap3A_396, %swap3A_397] {strides = array<i32>} : memref<16x128xf32, #tpu.memory_space<vmem>>, vector<16xf32>,
    tpu.vector_store %arg13[%swap3A_396, %swap3A_397], %broadcast_in_dim3A_394 {strides = array<i32>} : memref<16x128xf32, #tpu.memory_space<vmem>>, vector<16xf32>,
    %broadcast_in_dim3A_399 = arith.constant 1.000000e+00 : f32
    %broadcast_in_dim3A_400 = vector.broadcast %broadcast_in_dim3A_399 : f32 to vector<16xf32>
    %swap3A_401 = arith.constant 8 : i32
    %swap3A_402 = arith.index_cast %swap3A_401 : i32 to index
    %swap3A_403 = arith.constant 32 : index
    %swap3A_404 = tpu.vector_load %arg13[%swap3A_402, %swap3A_403] {strides = array<i32>} : memref<16x128xf32, #tpu.memory_space<vmem>>, vector<16xf32>,
    tpu.vector_store %arg13[%swap3A_402, %swap3A_403], %broadcast_in_dim3A_400 {strides = array<i32>} : memref<16x128xf32, #tpu.memory_space<vmem>>, vector<16xf32>,
    %broadcast_in_dim3A_405 = arith.constant 1.000000e+00 : f32
    %broadcast_in_dim3A_406 = vector.broadcast %broadcast_in_dim3A_405 : f32 to vector<16xf32>
    %swap3A_407 = arith.constant 8 : i32
    %swap3A_408 = arith.index_cast %swap3A_407 : i32 to index
    %swap3A_409 = arith.constant 48 : index
    %swap3A_410 = tpu.vector_load %arg13[%swap3A_408, %swap3A_409] {strides = array<i32>} : memref<16x128xf32, #tpu.memory_space<vmem>>, vector<16xf32>,
    tpu.vector_store %arg13[%swap3A_408, %swap3A_409], %broadcast_in_dim3A_406 {strides = array<i32>} : memref<16x128xf32, #tpu.memory_space<vmem>>, vector<16xf32>,
    %broadcast_in_dim3A_411 = arith.constant 1.000000e+00 : f32
    %broadcast_in_dim3A_412 = vector.broadcast %broadcast_in_dim3A_411 : f32 to vector<16xf32>
    %swap3A_413 = arith.constant 8 : i32
    %swap3A_414 = arith.index_cast %swap3A_413 : i32 to index
    %swap3A_415 = arith.constant 64 : index
    %swap3A_416 = tpu.vector_load %arg13[%swap3A_414, %swap3A_415] {strides = array<i32>} : memref<16x128xf32, #tpu.memory_space<vmem>>, vector<16xf32>,
    tpu.vector_store %arg13[%swap3A_414, %swap3A_415], %broadcast_in_dim3A_412 {strides = array<i32>} : memref<16x128xf32, #tpu.memory_space<vmem>>, vector<16xf32>,
    %broadcast_in_dim3A_417 = arith.constant 1.000000e+00 : f32
    %broadcast_in_dim3A_418 = vector.broadcast %broadcast_in_dim3A_417 : f32 to vector<16xf32>
    %swap3A_419 = arith.constant 8 : i32
    %swap3A_420 = arith.index_cast %swap3A_419 : i32 to index
    %swap3A_421 = arith.constant 80 : index
    %swap3A_422 = tpu.vector_load %arg13[%swap3A_420, %swap3A_421] {strides = array<i32>} : memref<16x128xf32, #tpu.memory_space<vmem>>, vector<16xf32>,
    tpu.vector_store %arg13[%swap3A_420, %swap3A_421], %broadcast_in_dim3A_418 {strides = array<i32>} : memref<16x128xf32, #tpu.memory_space<vmem>>, vector<16xf32>,
    %broadcast_in_dim3A_423 = arith.constant 1.000000e+00 : f32
    %broadcast_in_dim3A_424 = vector.broadcast %broadcast_in_dim3A_423 : f32 to vector<16xf32>
    %swap3A_425 = arith.constant 8 : i32
    %swap3A_426 = arith.index_cast %swap3A_425 : i32 to index
    %swap3A_427 = arith.constant 96 : index
    %swap3A_428 = tpu.vector_load %arg13[%swap3A_426, %swap3A_427] {strides = array<i32>} : memref<16x128xf32, #tpu.memory_space<vmem>>, vector<16xf32>,
    tpu.vector_store %arg13[%swap3A_426, %swap3A_427], %broadcast_in_dim3A_424 {strides = array<i32>} : memref<16x128xf32, #tpu.memory_space<vmem>>, vector<16xf32>,
    %broadcast_in_dim3A_429 = arith.constant 1.000000e+00 : f32
    %broadcast_in_dim3A_430 = vector.broadcast %broadcast_in_dim3A_429 : f32 to vector<16xf32>
    %swap3A_431 = arith.constant 8 : i32
    %swap3A_432 = arith.index_cast %swap3A_431 : i32 to index
    %swap3A_433 = arith.constant 112 : index
    %swap3A_434 = tpu.vector_load %arg13[%swap3A_432, %swap3A_433] {strides = array<i32>} : memref<16x128xf32, #tpu.memory_space<vmem>>, vector<16xf32>,
    tpu.vector_store %arg13[%swap3A_432, %swap3A_433], %broadcast_in_dim3A_430 {strides = array<i32>} : memref<16x128xf32, #tpu.memory_space<vmem>>, vector<16xf32>,
    %broadcast_in_dim3A_435 = arith.constant 1.000000e+00 : f32
    %broadcast_in_dim3A_436 = vector.broadcast %broadcast_in_dim3A_435 : f32 to vector<16xf32>
    %swap3A_437 = arith.constant 9 : i32
    %swap3A_438 = arith.index_cast %swap3A_437 : i32 to index
    %swap3A_439 = arith.constant 0 : index
    %swap3A_440 = tpu.vector_load %arg13[%swap3A_438, %swap3A_439] {strides = array<i32>} : memref<16x128xf32, #tpu.memory_space<vmem>>, vector<16xf32>,
    tpu.vector_store %arg13[%swap3A_438, %swap3A_439], %broadcast_in_dim3A_436 {strides = array<i32>} : memref<16x128xf32, #tpu.memory_space<vmem>>, vector<16xf32>,
    %broadcast_in_dim3A_441 = arith.constant 1.000000e+00 : f32
    %broadcast_in_dim3A_442 = vector.broadcast %broadcast_in_dim3A_441 : f32 to vector<16xf32>
    %swap3A_443 = arith.constant 9 : i32
    %swap3A_444 = arith.index_cast %swap3A_443 : i32 to index
    %swap3A_445 = arith.constant 16 : index
    %swap3A_446 = tpu.vector_load %arg13[%swap3A_444, %swap3A_445] {strides = array<i32>} : memref<16x128xf32, #tpu.memory_space<vmem>>, vector<16xf32>,
    tpu.vector_store %arg13[%swap3A_444, %swap3A_445], %broadcast_in_dim3A_442 {strides = array<i32>} : memref<16x128xf32, #tpu.memory_space<vmem>>, vector<16xf32>,
    %broadcast_in_dim3A_447 = arith.constant 1.000000e+00 : f32
    %broadcast_in_dim3A_448 = vector.broadcast %broadcast_in_dim3A_447 : f32 to vector<16xf32>
    %swap3A_449 = arith.constant 9 : i32
    %swap3A_450 = arith.index_cast %swap3A_449 : i32 to index
    %swap3A_451 = arith.constant 32 : index
    %swap3A_452 = tpu.vector_load %arg13[%swap3A_450, %swap3A_451] {strides = array<i32>} : memref<16x128xf32, #tpu.memory_space<vmem>>, vector<16xf32>,
    tpu.vector_store %arg13[%swap3A_450, %swap3A_451], %broadcast_in_dim3A_448 {strides = array<i32>} : memref<16x128xf32, #tpu.memory_space<vmem>>, vector<16xf32>,
    %broadcast_in_dim3A_453 = arith.constant 1.000000e+00 : f32
    %broadcast_in_dim3A_454 = vector.broadcast %broadcast_in_dim3A_453 : f32 to vector<16xf32>
    %swap3A_455 = arith.constant 9 : i32
    %swap3A_456 = arith.index_cast %swap3A_455 : i32 to index
    %swap3A_457 = arith.constant 48 : index
    %swap3A_458 = tpu.vector_load %arg13[%swap3A_456, %swap3A_457] {strides = array<i32>} : memref<16x128xf32, #tpu.memory_space<vmem>>, vector<16xf32>,
    tpu.vector_store %arg13[%swap3A_456, %swap3A_457], %broadcast_in_dim3A_454 {strides = array<i32>} : memref<16x128xf32, #tpu.memory_space<vmem>>, vector<16xf32>,
    %broadcast_in_dim3A_459 = arith.constant 1.000000e+00 : f32
    %broadcast_in_dim3A_460 = vector.broadcast %broadcast_in_dim3A_459 : f32 to vector<16xf32>
    %swap3A_461 = arith.constant 9 : i32
    %swap3A_462 = arith.index_cast %swap3A_461 : i32 to index
    %swap3A_463 = arith.constant 64 : index
    %swap3A_464 = tpu.vector_load %arg13[%swap3A_462, %swap3A_463] {strides = array<i32>} : memref<16x128xf32, #tpu.memory_space<vmem>>, vector<16xf32>,
    tpu.vector_store %arg13[%swap3A_462, %swap3A_463], %broadcast_in_dim3A_460 {strides = array<i32>} : memref<16x128xf32, #tpu.memory_space<vmem>>, vector<16xf32>,
    %broadcast_in_dim3A_465 = arith.constant 1.000000e+00 : f32
    %broadcast_in_dim3A_466 = vector.broadcast %broadcast_in_dim3A_465 : f32 to vector<16xf32>
    %swap3A_467 = arith.constant 9 : i32
    %swap3A_468 = arith.index_cast %swap3A_467 : i32 to index
    %swap3A_469 = arith.constant 80 : index
    %swap3A_470 = tpu.vector_load %arg13[%swap3A_468, %swap3A_469] {strides = array<i32>} : memref<16x128xf32, #tpu.memory_space<vmem>>, vector<16xf32>,
    tpu.vector_store %arg13[%swap3A_468, %swap3A_469], %broadcast_in_dim3A_466 {strides = array<i32>} : memref<16x128xf32, #tpu.memory_space<vmem>>, vector<16xf32>,
    %broadcast_in_dim3A_471 = arith.constant 1.000000e+00 : f32
    %broadcast_in_dim3A_472 = vector.broadcast %broadcast_in_dim3A_471 : f32 to vector<16xf32>
    %swap3A_473 = arith.constant 9 : i32
    %swap3A_474 = arith.index_cast %swap3A_473 : i32 to index
    %swap3A_475 = arith.constant 96 : index
    %swap3A_476 = tpu.vector_load %arg13[%swap3A_474, %swap3A_475] {strides = array<i32>} : memref<16x128xf32, #tpu.memory_space<vmem>>, vector<16xf32>,
    tpu.vector_store %arg13[%swap3A_474, %swap3A_475], %broadcast_in_dim3A_472 {strides = array<i32>} : memref<16x128xf32, #tpu.memory_space<vmem>>, vector<16xf32>,
    %broadcast_in_dim3A_477 = arith.constant 1.000000e+00 : f32
    %broadcast_in_dim3A_478 = vector.broadcast %broadcast_in_dim3A_477 : f32 to vector<16xf32>
    %swap3A_479 = arith.constant 9 : i32
    %swap3A_480 = arith.index_cast %swap3A_479 : i32 to index
    %swap3A_481 = arith.constant 112 : index
    %swap3A_482 = tpu.vector_load %arg13[%swap3A_480, %swap3A_481] {strides = array<i32>} : memref<16x128xf32, #tpu.memory_space<vmem>>, vector<16xf32>,
    tpu.vector_store %arg13[%swap3A_480, %swap3A_481], %broadcast_in_dim3A_478 {strides = array<i32>} : memref<16x128xf32, #tpu.memory_space<vmem>>, vector<16xf32>,
    %broadcast_in_dim3A_483 = arith.constant 1.000000e+00 : f32
    %broadcast_in_dim3A_484 = vector.broadcast %broadcast_in_dim3A_483 : f32 to vector<16xf32>
    %swap3A_485 = arith.constant 10 : i32
    %swap3A_486 = arith.index_cast %swap3A_485 : i32 to index
    %swap3A_487 = arith.constant 0 : index
    %swap3A_488 = tpu.vector_load %arg13[%swap3A_486, %swap3A_487] {strides = array<i32>} : memref<16x128xf32, #tpu.memory_space<vmem>>, vector<16xf32>,
    tpu.vector_store %arg13[%swap3A_486, %swap3A_487], %broadcast_in_dim3A_484 {strides = array<i32>} : memref<16x128xf32, #tpu.memory_space<vmem>>, vector<16xf32>,
    %broadcast_in_dim3A_489 = arith.constant 1.000000e+00 : f32
    %broadcast_in_dim3A_490 = vector.broadcast %broadcast_in_dim3A_489 : f32 to vector<16xf32>
    %swap3A_491 = arith.constant 10 : i32
    %swap3A_492 = arith.index_cast %swap3A_491 : i32 to index
    %swap3A_493 = arith.constant 16 : index
    %swap3A_494 = tpu.vector_load %arg13[%swap3A_492, %swap3A_493] {strides = array<i32>} : memref<16x128xf32, #tpu.memory_space<vmem>>, vector<16xf32>,
    tpu.vector_store %arg13[%swap3A_492, %swap3A_493], %broadcast_in_dim3A_490 {strides = array<i32>} : memref<16x128xf32, #tpu.memory_space<vmem>>, vector<16xf32>,
    %broadcast_in_dim3A_495 = arith.constant 1.000000e+00 : f32
    %broadcast_in_dim3A_496 = vector.broadcast %broadcast_in_dim3A_495 : f32 to vector<16xf32>
    %swap3A_497 = arith.constant 10 : i32
    %swap3A_498 = arith.index_cast %swap3A_497 : i32 to index
    %swap3A_499 = arith.constant 32 : index
    %swap3A_500 = tpu.vector_load %arg13[%swap3A_498, %swap3A_499] {strides = array<i32>} : memref<16x128xf32, #tpu.memory_space<vmem>>, vector<16xf32>,
    tpu.vector_store %arg13[%swap3A_498, %swap3A_499], %broadcast_in_dim3A_496 {strides = array<i32>} : memref<16x128xf32, #tpu.memory_space<vmem>>, vector<16xf32>,
    %broadcast_in_dim3A_501 = arith.constant 1.000000e+00 : f32
    %broadcast_in_dim3A_502 = vector.broadcast %broadcast_in_dim3A_501 : f32 to vector<16xf32>
    %swap3A_503 = arith.constant 10 : i32
    %swap3A_504 = arith.index_cast %swap3A_503 : i32 to index
    %swap3A_505 = arith.constant 48 : index
    %swap3A_506 = tpu.vector_load %arg13[%swap3A_504, %swap3A_505] {strides = array<i32>} : memref<16x128xf32, #tpu.memory_space<vmem>>, vector<16xf32>,
    tpu.vector_store %arg13[%swap3A_504, %swap3A_505], %broadcast_in_dim3A_502 {strides = array<i32>} : memref<16x128xf32, #tpu.memory_space<vmem>>, vector<16xf32>,
    %broadcast_in_dim3A_507 = arith.constant 1.000000e+00 : f32
    %broadcast_in_dim3A_508 = vector.broadcast %broadcast_in_dim3A_507 : f32 to vector<16xf32>
    %swap3A_509 = arith.constant 10 : i32
    %swap3A_510 = arith.index_cast %swap3A_509 : i32 to index
    %swap3A_511 = arith.constant 64 : index
    %swap3A_512 = tpu.vector_load %arg13[%swap3A_510, %swap3A_511] {strides = array<i32>} : memref<16x128xf32, #tpu.memory_space<vmem>>, vector<16xf32>,
    tpu.vector_store %arg13[%swap3A_510, %swap3A_511], %broadcast_in_dim3A_508 {strides = array<i32>} : memref<16x128xf32, #tpu.memory_space<vmem>>, vector<16xf32>,
    %broadcast_in_dim3A_513 = arith.constant 1.000000e+00 : f32
    %broadcast_in_dim3A_514 = vector.broadcast %broadcast_in_dim3A_513 : f32 to vector<16xf32>
    %swap3A_515 = arith.constant 10 : i32
    %swap3A_516 = arith.index_cast %swap3A_515 : i32 to index
    %swap3A_517 = arith.constant 80 : index
    %swap3A_518 = tpu.vector_load %arg13[%swap3A_516, %swap3A_517] {strides = array<i32>} : memref<16x128xf32, #tpu.memory_space<vmem>>, vector<16xf32>,
    tpu.vector_store %arg13[%swap3A_516, %swap3A_517], %broadcast_in_dim3A_514 {strides = array<i32>} : memref<16x128xf32, #tpu.memory_space<vmem>>, vector<16xf32>,
    %broadcast_in_dim3A_519 = arith.constant 1.000000e+00 : f32
    %broadcast_in_dim3A_520 = vector.broadcast %broadcast_in_dim3A_519 : f32 to vector<16xf32>
    %swap3A_521 = arith.constant 10 : i32
    %swap3A_522 = arith.index_cast %swap3A_521 : i32 to index
    %swap3A_523 = arith.constant 96 : index
    %swap3A_524 = tpu.vector_load %arg13[%swap3A_522, %swap3A_523] {strides = array<i32>} : memref<16x128xf32, #tpu.memory_space<vmem>>, vector<16xf32>,
    tpu.vector_store %arg13[%swap3A_522, %swap3A_523], %broadcast_in_dim3A_520 {strides = array<i32>} : memref<16x128xf32, #tpu.memory_space<vmem>>, vector<16xf32>,
    %broadcast_in_dim3A_525 = arith.constant 1.000000e+00 : f32
    %broadcast_in_dim3A_526 = vector.broadcast %broadcast_in_dim3A_525 : f32 to vector<16xf32>
    %swap3A_527 = arith.constant 10 : i32
    %swap3A_528 = arith.index_cast %swap3A_527 : i32 to index
    %swap3A_529 = arith.constant 112 : index
    %swap3A_530 = tpu.vector_load %arg13[%swap3A_528, %swap3A_529] {strides = array<i32>} : memref<16x128xf32, #tpu.memory_space<vmem>>, vector<16xf32>,
    tpu.vector_store %arg13[%swap3A_528, %swap3A_529], %broadcast_in_dim3A_526 {strides = array<i32>} : memref<16x128xf32, #tpu.memory_space<vmem>>, vector<16xf32>,
    %broadcast_in_dim3A_531 = arith.constant 1.000000e+00 : f32
    %broadcast_in_dim3A_532 = vector.broadcast %broadcast_in_dim3A_531 : f32 to vector<16xf32>
    %swap3A_533 = arith.constant 11 : i32
    %swap3A_534 = arith.index_cast %swap3A_533 : i32 to index
    %swap3A_535 = arith.constant 0 : index
    %swap3A_536 = tpu.vector_load %arg13[%swap3A_534, %swap3A_535] {strides = array<i32>} : memref<16x128xf32, #tpu.memory_space<vmem>>, vector<16xf32>,
    tpu.vector_store %arg13[%swap3A_534, %swap3A_535], %broadcast_in_dim3A_532 {strides = array<i32>} : memref<16x128xf32, #tpu.memory_space<vmem>>, vector<16xf32>,
    %broadcast_in_dim3A_537 = arith.constant 1.000000e+00 : f32
    %broadcast_in_dim3A_538 = vector.broadcast %broadcast_in_dim3A_537 : f32 to vector<16xf32>
    %swap3A_539 = arith.constant 11 : i32
    %swap3A_540 = arith.index_cast %swap3A_539 : i32 to index
    %swap3A_541 = arith.constant 16 : index
    %swap3A_542 = tpu.vector_load %arg13[%swap3A_540, %swap3A_541] {strides = array<i32>} : memref<16x128xf32, #tpu.memory_space<vmem>>, vector<16xf32>,
    tpu.vector_store %arg13[%swap3A_540, %swap3A_541], %broadcast_in_dim3A_538 {strides = array<i32>} : memref<16x128xf32, #tpu.memory_space<vmem>>, vector<16xf32>,
    %broadcast_in_dim3A_543 = arith.constant 1.000000e+00 : f32
    %broadcast_in_dim3A_544 = vector.broadcast %broadcast_in_dim3A_543 : f32 to vector<16xf32>
    %swap3A_545 = arith.constant 11 : i32
    %swap3A_546 = arith.index_cast %swap3A_545 : i32 to index
    %swap3A_547 = arith.constant 32 : index
    %swap3A_548 = tpu.vector_load %arg13[%swap3A_546, %swap3A_547] {strides = array<i32>} : memref<16x128xf32, #tpu.memory_space<vmem>>, vector<16xf32>,
    tpu.vector_store %arg13[%swap3A_546, %swap3A_547], %broadcast_in_dim3A_544 {strides = array<i32>} : memref<16x128xf32, #tpu.memory_space<vmem>>, vector<16xf32>,
    %broadcast_in_dim3A_549 = arith.constant 1.000000e+00 : f32
    %broadcast_in_dim3A_550 = vector.broadcast %broadcast_in_dim3A_549 : f32 to vector<16xf32>
    %swap3A_551 = arith.constant 11 : i32
    %swap3A_552 = arith.index_cast %swap3A_551 : i32 to index
    %swap3A_553 = arith.constant 48 : index
    %swap3A_554 = tpu.vector_load %arg13[%swap3A_552, %swap3A_553] {strides = array<i32>} : memref<16x128xf32, #tpu.memory_space<vmem>>, vector<16xf32>,
    tpu.vector_store %arg13[%swap3A_552, %swap3A_553], %broadcast_in_dim3A_550 {strides = array<i32>} : memref<16x128xf32, #tpu.memory_space<vmem>>, vector<16xf32>,
    %broadcast_in_dim3A_555 = arith.constant 1.000000e+00 : f32
    %broadcast_in_dim3A_556 = vector.broadcast %broadcast_in_dim3A_555 : f32 to vector<16xf32>
    %swap3A_557 = arith.constant 11 : i32
    %swap3A_558 = arith.index_cast %swap3A_557 : i32 to index
    %swap3A_559 = arith.constant 64 : index
    %swap3A_560 = tpu.vector_load %arg13[%swap3A_558, %swap3A_559] {strides = array<i32>} : memref<16x128xf32, #tpu.memory_space<vmem>>, vector<16xf32>,
    tpu.vector_store %arg13[%swap3A_558, %swap3A_559], %broadcast_in_dim3A_556 {strides = array<i32>} : memref<16x128xf32, #tpu.memory_space<vmem>>, vector<16xf32>,
    %broadcast_in_dim3A_561 = arith.constant 1.000000e+00 : f32
    %broadcast_in_dim3A_562 = vector.broadcast %broadcast_in_dim3A_561 : f32 to vector<16xf32>
    %swap3A_563 = arith.constant 11 : i32
    %swap3A_564 = arith.index_cast %swap3A_563 : i32 to index
    %swap3A_565 = arith.constant 80 : index
    %swap3A_566 = tpu.vector_load %arg13[%swap3A_564, %swap3A_565] {strides = array<i32>} : memref<16x128xf32, #tpu.memory_space<vmem>>, vector<16xf32>,
    tpu.vector_store %arg13[%swap3A_564, %swap3A_565], %broadcast_in_dim3A_562 {strides = array<i32>} : memref<16x128xf32, #tpu.memory_space<vmem>>, vector<16xf32>,
    %broadcast_in_dim3A_567 = arith.constant 1.000000e+00 : f32
    %broadcast_in_dim3A_568 = vector.broadcast %broadcast_in_dim3A_567 : f32 to vector<16xf32>
    %swap3A_569 = arith.constant 11 : i32
    %swap3A_570 = arith.index_cast %swap3A_569 : i32 to index
    %swap3A_571 = arith.constant 96 : index
    %swap3A_572 = tpu.vector_load %arg13[%swap3A_570, %swap3A_571] {strides = array<i32>} : memref<16x128xf32, #tpu.memory_space<vmem>>, vector<16xf32>,
    tpu.vector_store %arg13[%swap3A_570, %swap3A_571], %broadcast_in_dim3A_568 {strides = array<i32>} : memref<16x128xf32, #tpu.memory_space<vmem>>, vector<16xf32>,
    %broadcast_in_dim3A_573 = arith.constant 1.000000e+00 : f32
    %broadcast_in_dim3A_574 = vector.broadcast %broadcast_in_dim3A_573 : f32 to vector<16xf32>
    %swap3A_575 = arith.constant 11 : i32
    %swap3A_576 = arith.index_cast %swap3A_575 : i32 to index
    %swap3A_577 = arith.constant 112 : index
    %swap3A_578 = tpu.vector_load %arg13[%swap3A_576, %swap3A_577] {strides = array<i32>} : memref<16x128xf32, #tpu.memory_space<vmem>>, vector<16xf32>,
    tpu.vector_store %arg13[%swap3A_576, %swap3A_577], %broadcast_in_dim3A_574 {strides = array<i32>} : memref<16x128xf32, #tpu.memory_space<vmem>>, vector<16xf32>,
    %broadcast_in_dim3A_579 = arith.constant 1.000000e+00 : f32
    %broadcast_in_dim3A_580 = vector.broadcast %broadcast_in_dim3A_579 : f32 to vector<16xf32>
    %swap3A_581 = arith.constant 12 : i32
    %swap3A_582 = arith.index_cast %swap3A_581 : i32 to index
    %swap3A_583 = arith.constant 0 : index
    %swap3A_584 = tpu.vector_load %arg13[%swap3A_582, %swap3A_583] {strides = array<i32>} : memref<16x128xf32, #tpu.memory_space<vmem>>, vector<16xf32>,
    tpu.vector_store %arg13[%swap3A_582, %swap3A_583], %broadcast_in_dim3A_580 {strides = array<i32>} : memref<16x128xf32, #tpu.memory_space<vmem>>, vector<16xf32>,
    %broadcast_in_dim3A_585 = arith.constant 1.000000e+00 : f32
    %broadcast_in_dim3A_586 = vector.broadcast %broadcast_in_dim3A_585 : f32 to vector<16xf32>
    %swap3A_587 = arith.constant 12 : i32
    %swap3A_588 = arith.index_cast %swap3A_587 : i32 to index
    %swap3A_589 = arith.constant 16 : index
    %swap3A_590 = tpu.vector_load %arg13[%swap3A_588, %swap3A_589] {strides = array<i32>} : memref<16x128xf32, #tpu.memory_space<vmem>>, vector<16xf32>,
    tpu.vector_store %arg13[%swap3A_588, %swap3A_589], %broadcast_in_dim3A_586 {strides = array<i32>} : memref<16x128xf32, #tpu.memory_space<vmem>>, vector<16xf32>,
    %broadcast_in_dim3A_591 = arith.constant 1.000000e+00 : f32
    %broadcast_in_dim3A_592 = vector.broadcast %broadcast_in_dim3A_591 : f32 to vector<16xf32>
    %swap3A_593 = arith.constant 12 : i32
    %swap3A_594 = arith.index_cast %swap3A_593 : i32 to index
    %swap3A_595 = arith.constant 32 : index
    %swap3A_596 = tpu.vector_load %arg13[%swap3A_594, %swap3A_595] {strides = array<i32>} : memref<16x128xf32, #tpu.memory_space<vmem>>, vector<16xf32>,
    tpu.vector_store %arg13[%swap3A_594, %swap3A_595], %broadcast_in_dim3A_592 {strides = array<i32>} : memref<16x128xf32, #tpu.memory_space<vmem>>, vector<16xf32>,
    %broadcast_in_dim3A_597 = arith.constant 1.000000e+00 : f32
    %broadcast_in_dim3A_598 = vector.broadcast %broadcast_in_dim3A_597 : f32 to vector<16xf32>
    %swap3A_599 = arith.constant 12 : i32
    %swap3A_600 = arith.index_cast %swap3A_599 : i32 to index
    %swap3A_601 = arith.constant 48 : index
    %swap3A_602 = tpu.vector_load %arg13[%swap3A_600, %swap3A_601] {strides = array<i32>} : memref<16x128xf32, #tpu.memory_space<vmem>>, vector<16xf32>,
    tpu.vector_store %arg13[%swap3A_600, %swap3A_601], %broadcast_in_dim3A_598 {strides = array<i32>} : memref<16x128xf32, #tpu.memory_space<vmem>>, vector<16xf32>,
    %broadcast_in_dim3A_603 = arith.constant 1.000000e+00 : f32
    %broadcast_in_dim3A_604 = vector.broadcast %broadcast_in_dim3A_603 : f32 to vector<16xf32>
    %swap3A_605 = arith.constant 12 : i32
    %swap3A_606 = arith.index_cast %swap3A_605 : i32 to index
    %swap3A_607 = arith.constant 64 : index
    %swap3A_608 = tpu.vector_load %arg13[%swap3A_606, %swap3A_607] {strides = array<i32>} : memref<16x128xf32, #tpu.memory_space<vmem>>, vector<16xf32>,
    tpu.vector_store %arg13[%swap3A_606, %swap3A_607], %broadcast_in_dim3A_604 {strides = array<i32>} : memref<16x128xf32, #tpu.memory_space<vmem>>, vector<16xf32>,
    %broadcast_in_dim3A_609 = arith.constant 1.000000e+00 : f32
    %broadcast_in_dim3A_610 = vector.broadcast %broadcast_in_dim3A_609 : f32 to vector<16xf32>
    %swap3A_611 = arith.constant 12 : i32
    %swap3A_612 = arith.index_cast %swap3A_611 : i32 to index
    %swap3A_613 = arith.constant 80 : index
    %swap3A_614 = tpu.vector_load %arg13[%swap3A_612, %swap3A_613] {strides = array<i32>} : memref<16x128xf32, #tpu.memory_space<vmem>>, vector<16xf32>,
    tpu.vector_store %arg13[%swap3A_612, %swap3A_613], %broadcast_in_dim3A_610 {strides = array<i32>} : memref<16x128xf32, #tpu.memory_space<vmem>>, vector<16xf32>,
    %broadcast_in_dim3A_615 = arith.constant 1.000000e+00 : f32
    %broadcast_in_dim3A_616 = vector.broadcast %broadcast_in_dim3A_615 : f32 to vector<16xf32>
    %swap3A_617 = arith.constant 12 : i32
    %swap3A_618 = arith.index_cast %swap3A_617 : i32 to index
    %swap3A_619 = arith.constant 96 : index
    %swap3A_620 = tpu.vector_load %arg13[%swap3A_618, %swap3A_619] {strides = array<i32>} : memref<16x128xf32, #tpu.memory_space<vmem>>, vector<16xf32>,
    tpu.vector_store %arg13[%swap3A_618, %swap3A_619], %broadcast_in_dim3A_616 {strides = array<i32>} : memref<16x128xf32, #tpu.memory_space<vmem>>, vector<16xf32>,
    %broadcast_in_dim3A_621 = arith.constant 1.000000e+00 : f32
    %broadcast_in_dim3A_622 = vector.broadcast %broadcast_in_dim3A_621 : f32 to vector<16xf32>
    %swap3A_623 = arith.constant 12 : i32
    %swap3A_624 = arith.index_cast %swap3A_623 : i32 to index
    %swap3A_625 = arith.constant 112 : index
    %swap3A_626 = tpu.vector_load %arg13[%swap3A_624, %swap3A_625] {strides = array<i32>} : memref<16x128xf32, #tpu.memory_space<vmem>>, vector<16xf32>,
    tpu.vector_store %arg13[%swap3A_624, %swap3A_625], %broadcast_in_dim3A_622 {strides = array<i32>} : memref<16x128xf32, #tpu.memory_space<vmem>>, vector<16xf32>,
    %broadcast_in_dim3A_627 = arith.constant 1.000000e+00 : f32
    %broadcast_in_dim3A_628 = vector.broadcast %broadcast_in_dim3A_627 : f32 to vector<16xf32>
    %swap3A_629 = arith.constant 13 : i32
    %swap3A_630 = arith.index_cast %swap3A_629 : i32 to index
    %swap3A_631 = arith.constant 0 : index
    %swap3A_632 = tpu.vector_load %arg13[%swap3A_630, %swap3A_631] {strides = array<i32>} : memref<16x128xf32, #tpu.memory_space<vmem>>, vector<16xf32>,
    tpu.vector_store %arg13[%swap3A_630, %swap3A_631], %broadcast_in_dim3A_628 {strides = array<i32>} : memref<16x128xf32, #tpu.memory_space<vmem>>, vector<16xf32>,
    %broadcast_in_dim3A_633 = arith.constant 1.000000e+00 : f32
    %broadcast_in_dim3A_634 = vector.broadcast %broadcast_in_dim3A_633 : f32 to vector<16xf32>
    %swap3A_635 = arith.constant 13 : i32
    %swap3A_636 = arith.index_cast %swap3A_635 : i32 to index
    %swap3A_637 = arith.constant 16 : index
    %swap3A_638 = tpu.vector_load %arg13[%swap3A_636, %swap3A_637] {strides = array<i32>} : memref<16x128xf32, #tpu.memory_space<vmem>>, vector<16xf32>,
    tpu.vector_store %arg13[%swap3A_636, %swap3A_637], %broadcast_in_dim3A_634 {strides = array<i32>} : memref<16x128xf32, #tpu.memory_space<vmem>>, vector<16xf32>,
    %broadcast_in_dim3A_639 = arith.constant 1.000000e+00 : f32
    %broadcast_in_dim3A_640 = vector.broadcast %broadcast_in_dim3A_639 : f32 to vector<16xf32>
    %swap3A_641 = arith.constant 13 : i32
    %swap3A_642 = arith.index_cast %swap3A_641 : i32 to index
    %swap3A_643 = arith.constant 32 : index
    %swap3A_644 = tpu.vector_load %arg13[%swap3A_642, %swap3A_643] {strides = array<i32>} : memref<16x128xf32, #tpu.memory_space<vmem>>, vector<16xf32>,
    tpu.vector_store %arg13[%swap3A_642, %swap3A_643], %broadcast_in_dim3A_640 {strides = array<i32>} : memref<16x128xf32, #tpu.memory_space<vmem>>, vector<16xf32>,
    %broadcast_in_dim3A_645 = arith.constant 1.000000e+00 : f32
    %broadcast_in_dim3A_646 = vector.broadcast %broadcast_in_dim3A_645 : f32 to vector<16xf32>
    %swap3A_647 = arith.constant 13 : i32
    %swap3A_648 = arith.index_cast %swap3A_647 : i32 to index
    %swap3A_649 = arith.constant 48 : index
    %swap3A_650 = tpu.vector_load %arg13[%swap3A_648, %swap3A_649] {strides = array<i32>} : memref<16x128xf32, #tpu.memory_space<vmem>>, vector<16xf32>,
    tpu.vector_store %arg13[%swap3A_648, %swap3A_649], %broadcast_in_dim3A_646 {strides = array<i32>} : memref<16x128xf32, #tpu.memory_space<vmem>>, vector<16xf32>,
    %broadcast_in_dim3A_651 = arith.constant 1.000000e+00 : f32
    %broadcast_in_dim3A_652 = vector.broadcast %broadcast_in_dim3A_651 : f32 to vector<16xf32>
    %swap3A_653 = arith.constant 13 : i32
    %swap3A_654 = arith.index_cast %swap3A_653 : i32 to index
    %swap3A_655 = arith.constant 64 : index
    %swap3A_656 = tpu.vector_load %arg13[%swap3A_654, %swap3A_655] {strides = array<i32>} : memref<16x128xf32, #tpu.memory_space<vmem>>, vector<16xf32>,
    tpu.vector_store %arg13[%swap3A_654, %swap3A_655], %broadcast_in_dim3A_652 {strides = array<i32>} : memref<16x128xf32, #tpu.memory_space<vmem>>, vector<16xf32>,
    %broadcast_in_dim3A_657 = arith.constant 1.000000e+00 : f32
    %broadcast_in_dim3A_658 = vector.broadcast %broadcast_in_dim3A_657 : f32 to vector<16xf32>
    %swap3A_659 = arith.constant 13 : i32
    %swap3A_660 = arith.index_cast %swap3A_659 : i32 to index
    %swap3A_661 = arith.constant 80 : index
    %swap3A_662 = tpu.vector_load %arg13[%swap3A_660, %swap3A_661] {strides = array<i32>} : memref<16x128xf32, #tpu.memory_space<vmem>>, vector<16xf32>,
    tpu.vector_store %arg13[%swap3A_660, %swap3A_661], %broadcast_in_dim3A_658 {strides = array<i32>} : memref<16x128xf32, #tpu.memory_space<vmem>>, vector<16xf32>,
    %broadcast_in_dim3A_663 = arith.constant 1.000000e+00 : f32
    %broadcast_in_dim3A_664 = vector.broadcast %broadcast_in_dim3A_663 : f32 to vector<16xf32>
    %swap3A_665 = arith.constant 13 : i32
    %swap3A_666 = arith.index_cast %swap3A_665 : i32 to index
    %swap3A_667 = arith.constant 96 : index
    %swap3A_668 = tpu.vector_load %arg13[%swap3A_666, %swap3A_667] {strides = array<i32>} : memref<16x128xf32, #tpu.memory_space<vmem>>, vector<16xf32>,
    tpu.vector_store %arg13[%swap3A_666, %swap3A_667], %broadcast_in_dim3A_664 {strides = array<i32>} : memref<16x128xf32, #tpu.memory_space<vmem>>, vector<16xf32>,
    %broadcast_in_dim3A_669 = arith.constant 1.000000e+00 : f32
    %broadcast_in_dim3A_670 = vector.broadcast %broadcast_in_dim3A_669 : f32 to vector<16xf32>
    %swap3A_671 = arith.constant 13 : i32
    %swap3A_672 = arith.index_cast %swap3A_671 : i32 to index
    %swap3A_673 = arith.constant 112 : index
    %swap3A_674 = tpu.vector_load %arg13[%swap3A_672, %swap3A_673] {strides = array<i32>} : memref<16x128xf32, #tpu.memory_space<vmem>>, vector<16xf32>,
    tpu.vector_store %arg13[%swap3A_672, %swap3A_673], %broadcast_in_dim3A_670 {strides = array<i32>} : memref<16x128xf32, #tpu.memory_space<vmem>>, vector<16xf32>,
    %broadcast_in_dim3A_675 = arith.constant 1.000000e+00 : f32
    %broadcast_in_dim3A_676 = vector.broadcast %broadcast_in_dim3A_675 : f32 to vector<16xf32>
    %swap3A_677 = arith.constant 14 : i32
    %swap3A_678 = arith.index_cast %swap3A_677 : i32 to index
    %swap3A_679 = arith.constant 0 : index
    %swap3A_680 = tpu.vector_load %arg13[%swap3A_678, %swap3A_679] {strides = array<i32>} : memref<16x128xf32, #tpu.memory_space<vmem>>, vector<16xf32>,
    tpu.vector_store %arg13[%swap3A_678, %swap3A_679], %broadcast_in_dim3A_676 {strides = array<i32>} : memref<16x128xf32, #tpu.memory_space<vmem>>, vector<16xf32>,
    %broadcast_in_dim3A_681 = arith.constant 1.000000e+00 : f32
    %broadcast_in_dim3A_682 = vector.broadcast %broadcast_in_dim3A_681 : f32 to vector<16xf32>
    %swap3A_683 = arith.constant 14 : i32
    %swap3A_684 = arith.index_cast %swap3A_683 : i32 to index
    %swap3A_685 = arith.constant 16 : index
    %swap3A_686 = tpu.vector_load %arg13[%swap3A_684, %swap3A_685] {strides = array<i32>} : memref<16x128xf32, #tpu.memory_space<vmem>>, vector<16xf32>,
    tpu.vector_store %arg13[%swap3A_684, %swap3A_685], %broadcast_in_dim3A_682 {strides = array<i32>} : memref<16x128xf32, #tpu.memory_space<vmem>>, vector<16xf32>,
    %broadcast_in_dim3A_687 = arith.constant 1.000000e+00 : f32
    %broadcast_in_dim3A_688 = vector.broadcast %broadcast_in_dim3A_687 : f32 to vector<16xf32>
    %swap3A_689 = arith.constant 14 : i32
    %swap3A_690 = arith.index_cast %swap3A_689 : i32 to index
    %swap3A_691 = arith.constant 32 : index
    %swap3A_692 = tpu.vector_load %arg13[%swap3A_690, %swap3A_691] {strides = array<i32>} : memref<16x128xf32, #tpu.memory_space<vmem>>, vector<16xf32>,
    tpu.vector_store %arg13[%swap3A_690, %swap3A_691], %broadcast_in_dim3A_688 {strides = array<i32>} : memref<16x128xf32, #tpu.memory_space<vmem>>, vector<16xf32>,
    %broadcast_in_dim3A_693 = arith.constant 1.000000e+00 : f32
    %broadcast_in_dim3A_694 = vector.broadcast %broadcast_in_dim3A_693 : f32 to vector<16xf32>
    %swap3A_695 = arith.constant 14 : i32
    %swap3A_696 = arith.index_cast %swap3A_695 : i32 to index
    %swap3A_697 = arith.constant 48 : index
    %swap3A_698 = tpu.vector_load %arg13[%swap3A_696, %swap3A_697] {strides = array<i32>} : memref<16x128xf32, #tpu.memory_space<vmem>>, vector<16xf32>,
    tpu.vector_store %arg13[%swap3A_696, %swap3A_697], %broadcast_in_dim3A_694 {strides = array<i32>} : memref<16x128xf32, #tpu.memory_space<vmem>>, vector<16xf32>,
    %broadcast_in_dim3A_699 = arith.constant 1.000000e+00 : f32
    %broadcast_in_dim3A_700 = vector.broadcast %broadcast_in_dim3A_699 : f32 to vector<16xf32>
    %swap3A_701 = arith.constant 14 : i32
    %swap3A_702 = arith.index_cast %swap3A_701 : i32 to index
    %swap3A_703 = arith.constant 64 : index
    %swap3A_704 = tpu.vector_load %arg13[%swap3A_702, %swap3A_703] {strides = array<i32>} : memref<16x128xf32, #tpu.memory_space<vmem>>, vector<16xf32>,
    tpu.vector_store %arg13[%swap3A_702, %swap3A_703], %broadcast_in_dim3A_700 {strides = array<i32>} : memref<16x128xf32, #tpu.memory_space<vmem>>, vector<16xf32>,
    %broadcast_in_dim3A_705 = arith.constant 1.000000e+00 : f32
    %broadcast_in_dim3A_706 = vector.broadcast %broadcast_in_dim3A_705 : f32 to vector<16xf32>
    %swap3A_707 = arith.constant 14 : i32
    %swap3A_708 = arith.index_cast %swap3A_707 : i32 to index
    %swap3A_709 = arith.constant 80 : index
    %swap3A_710 = tpu.vector_load %arg13[%swap3A_708, %swap3A_709] {strides = array<i32>} : memref<16x128xf32, #tpu.memory_space<vmem>>, vector<16xf32>,
    tpu.vector_store %arg13[%swap3A_708, %swap3A_709], %broadcast_in_dim3A_706 {strides = array<i32>} : memref<16x128xf32, #tpu.memory_space<vmem>>, vector<16xf32>,
    %broadcast_in_dim3A_711 = arith.constant 1.000000e+00 : f32
    %broadcast_in_dim3A_712 = vector.broadcast %broadcast_in_dim3A_711 : f32 to vector<16xf32>
    %swap3A_713 = arith.constant 14 : i32
    %swap3A_714 = arith.index_cast %swap3A_713 : i32 to index
    %swap3A_715 = arith.constant 96 : index
    %swap3A_716 = tpu.vector_load %arg13[%swap3A_714, %swap3A_715] {strides = array<i32>} : memref<16x128xf32, #tpu.memory_space<vmem>>, vector<16xf32>,
    tpu.vector_store %arg13[%swap3A_714, %swap3A_715], %broadcast_in_dim3A_712 {strides = array<i32>} : memref<16x128xf32, #tpu.memory_space<vmem>>, vector<16xf32>,
    %broadcast_in_dim3A_717 = arith.constant 1.000000e+00 : f32
    %broadcast_in_dim3A_718 = vector.broadcast %broadcast_in_dim3A_717 : f32 to vector<16xf32>
    %swap3A_719 = arith.constant 14 : i32
    %swap3A_720 = arith.index_cast %swap3A_719 : i32 to index
    %swap3A_721 = arith.constant 112 : index
    %swap3A_722 = tpu.vector_load %arg13[%swap3A_720, %swap3A_721] {strides = array<i32>} : memref<16x128xf32, #tpu.memory_space<vmem>>, vector<16xf32>,
    tpu.vector_store %arg13[%swap3A_720, %swap3A_721], %broadcast_in_dim3A_718 {strides = array<i32>} : memref<16x128xf32, #tpu.memory_space<vmem>>, vector<16xf32>,
    %broadcast_in_dim3A_723 = arith.constant 1.000000e+00 : f32
    %broadcast_in_dim3A_724 = vector.broadcast %broadcast_in_dim3A_723 : f32 to vector<16xf32>
    %swap3A_725 = arith.constant 15 : i32
    %swap3A_726 = arith.index_cast %swap3A_725 : i32 to index
    %swap3A_727 = arith.constant 0 : index
    %swap3A_728 = tpu.vector_load %arg13[%swap3A_726, %swap3A_727] {strides = array<i32>} : memref<16x128xf32, #tpu.memory_space<vmem>>, vector<16xf32>,
    tpu.vector_store %arg13[%swap3A_726, %swap3A_727], %broadcast_in_dim3A_724 {strides = array<i32>} : memref<16x128xf32, #tpu.memory_space<vmem>>, vector<16xf32>,
    %broadcast_in_dim3A_729 = arith.constant 1.000000e+00 : f32
    %broadcast_in_dim3A_730 = vector.broadcast %broadcast_in_dim3A_729 : f32 to vector<16xf32>
    %swap3A_731 = arith.constant 15 : i32
    %swap3A_732 = arith.index_cast %swap3A_731 : i32 to index
    %swap3A_733 = arith.constant 16 : index
    %swap3A_734 = tpu.vector_load %arg13[%swap3A_732, %swap3A_733] {strides = array<i32>} : memref<16x128xf32, #tpu.memory_space<vmem>>, vector<16xf32>,
    tpu.vector_store %arg13[%swap3A_732, %swap3A_733], %broadcast_in_dim3A_730 {strides = array<i32>} : memref<16x128xf32, #tpu.memory_space<vmem>>, vector<16xf32>,
    %broadcast_in_dim3A_735 = arith.constant 1.000000e+00 : f32
    %broadcast_in_dim3A_736 = vector.broadcast %broadcast_in_dim3A_735 : f32 to vector<16xf32>
    %swap3A_737 = arith.constant 15 : i32
    %swap3A_738 = arith.index_cast %swap3A_737 : i32 to index
    %swap3A_739 = arith.constant 32 : index
    %swap3A_740 = tpu.vector_load %arg13[%swap3A_738, %swap3A_739] {strides = array<i32>} : memref<16x128xf32, #tpu.memory_space<vmem>>, vector<16xf32>,
    tpu.vector_store %arg13[%swap3A_738, %swap3A_739], %broadcast_in_dim3A_736 {strides = array<i32>} : memref<16x128xf32, #tpu.memory_space<vmem>>, vector<16xf32>,
    %broadcast_in_dim3A_741 = arith.constant 1.000000e+00 : f32
    %broadcast_in_dim3A_742 = vector.broadcast %broadcast_in_dim3A_741 : f32 to vector<16xf32>
    %swap3A_743 = arith.constant 15 : i32
    %swap3A_744 = arith.index_cast %swap3A_743 : i32 to index
    %swap3A_745 = arith.constant 48 : index
    %swap3A_746 = tpu.vector_load %arg13[%swap3A_744, %swap3A_745] {strides = array<i32>} : memref<16x128xf32, #tpu.memory_space<vmem>>, vector<16xf32>,
    tpu.vector_store %arg13[%swap3A_744, %swap3A_745], %broadcast_in_dim3A_742 {strides = array<i32>} : memref<16x128xf32, #tpu.memory_space<vmem>>, vector<16xf32>,
    %broadcast_in_dim3A_747 = arith.constant 1.000000e+00 : f32
    %broadcast_in_dim3A_748 = vector.broadcast %broadcast_in_dim3A_747 : f32 to vector<16xf32>
    %swap3A_749 = arith.constant 15 : i32
    %swap3A_750 = arith.index_cast %swap3A_749 : i32 to index
    %swap3A_751 = arith.constant 64 : index
    %swap3A_752 = tpu.vector_load %arg13[%swap3A_750, %swap3A_751] {strides = array<i32>} : memref<16x128xf32, #tpu.memory_space<vmem>>, vector<16xf32>,
    tpu.vector_store %arg13[%swap3A_750, %swap3A_751], %broadcast_in_dim3A_748 {strides = array<i32>} : memref<16x128xf32, #tpu.memory_space<vmem>>, vector<16xf32>,
    %broadcast_in_dim3A_753 = arith.constant 1.000000e+00 : f32
    %broadcast_in_dim3A_754 = vector.broadcast %broadcast_in_dim3A_753 : f32 to vector<16xf32>
    %swap3A_755 = arith.constant 15 : i32
    %swap3A_756 = arith.index_cast %swap3A_755 : i32 to index
    %swap3A_757 = arith.constant 80 : index
    %swap3A_758 = tpu.vector_load %arg13[%swap3A_756, %swap3A_757] {strides = array<i32>} : memref<16x128xf32, #tpu.memory_space<vmem>>, vector<16xf32>,
    tpu.vector_store %arg13[%swap3A_756, %swap3A_757], %broadcast_in_dim3A_754 {strides = array<i32>} : memref<16x128xf32, #tpu.memory_space<vmem>>, vector<16xf32>,
    %broadcast_in_dim3A_759 = arith.constant 1.000000e+00 : f32
    %broadcast_in_dim3A_760 = vector.broadcast %broadcast_in_dim3A_759 : f32 to vector<16xf32>
    %swap3A_761 = arith.constant 15 : i32
    %swap3A_762 = arith.index_cast %swap3A_761 : i32 to index
    %swap3A_763 = arith.constant 96 : index
    %swap3A_764 = tpu.vector_load %arg13[%swap3A_762, %swap3A_763] {strides = array<i32>} : memref<16x128xf32, #tpu.memory_space<vmem>>, vector<16xf32>,
    tpu.vector_store %arg13[%swap3A_762, %swap3A_763], %broadcast_in_dim3A_760 {strides = array<i32>} : memref<16x128xf32, #tpu.memory_space<vmem>>, vector<16xf32>,
    %broadcast_in_dim3A_765 = arith.constant 1.000000e+00 : f32
    %broadcast_in_dim3A_766 = vector.broadcast %broadcast_in_dim3A_765 : f32 to vector<16xf32>
    %swap3A_767 = arith.constant 15 : i32
    %swap3A_768 = arith.index_cast %swap3A_767 : i32 to index
    %swap3A_769 = arith.constant 112 : index
    %swap3A_770 = tpu.vector_load %arg13[%swap3A_768, %swap3A_769] {strides = array<i32>} : memref<16x128xf32, #tpu.memory_space<vmem>>, vector<16xf32>,
    tpu.vector_store %arg13[%swap3A_768, %swap3A_769], %broadcast_in_dim3A_766 {strides = array<i32>} : memref<16x128xf32, #tpu.memory_space<vmem>>, vector<16xf32>,
    %broadcast_in_dim3A_771 = arith.constant 0.000000e+00 : f32
    %broadcast_in_dim3A_772 = vector.broadcast %broadcast_in_dim3A_771 : f32 to vector<16xf32>
    %swap3A_773 = arith.constant 0 : i32
    %swap3A_774 = arith.index_cast %swap3A_773 : i32 to index
    %swap3A_775 = arith.constant 0 : index
    %swap3A_776 = tpu.vector_load %arg14[%swap3A_774, %swap3A_775] {strides = array<i32>} : memref<8x128xf32, #tpu.memory_space<vmem>>, vector<16xf32>,
    tpu.vector_store %arg14[%swap3A_774, %swap3A_775], %broadcast_in_dim3A_772 {strides = array<i32>} : memref<8x128xf32, #tpu.memory_space<vmem>>, vector<16xf32>,
    %broadcast_in_dim3A_777 = arith.constant 0.000000e+00 : f32
    %broadcast_in_dim3A_778 = vector.broadcast %broadcast_in_dim3A_777 : f32 to vector<16xf32>
    %swap3A_779 = arith.constant 0 : i32
    %swap3A_780 = arith.index_cast %swap3A_779 : i32 to index
    %swap3A_781 = arith.constant 16 : index
    %swap3A_782 = tpu.vector_load %arg14[%swap3A_780, %swap3A_781] {strides = array<i32>} : memref<8x128xf32, #tpu.memory_space<vmem>>, vector<16xf32>,
    tpu.vector_store %arg14[%swap3A_780, %swap3A_781], %broadcast_in_dim3A_778 {strides = array<i32>} : memref<8x128xf32, #tpu.memory_space<vmem>>, vector<16xf32>,
    %broadcast_in_dim3A_783 = arith.constant 0.000000e+00 : f32
    %broadcast_in_dim3A_784 = vector.broadcast %broadcast_in_dim3A_783 : f32 to vector<16xf32>
    %swap3A_785 = arith.constant 0 : i32
    %swap3A_786 = arith.index_cast %swap3A_785 : i32 to index
    %swap3A_787 = arith.constant 32 : index
    %swap3A_788 = tpu.vector_load %arg14[%swap3A_786, %swap3A_787] {strides = array<i32>} : memref<8x128xf32, #tpu.memory_space<vmem>>, vector<16xf32>,
    tpu.vector_store %arg14[%swap3A_786, %swap3A_787], %broadcast_in_dim3A_784 {strides = array<i32>} : memref<8x128xf32, #tpu.memory_space<vmem>>, vector<16xf32>,
    %broadcast_in_dim3A_789 = arith.constant 0.000000e+00 : f32
    %broadcast_in_dim3A_790 = vector.broadcast %broadcast_in_dim3A_789 : f32 to vector<16xf32>
    %swap3A_791 = arith.constant 0 : i32
    %swap3A_792 = arith.index_cast %swap3A_791 : i32 to index
    %swap3A_793 = arith.constant 48 : index
    %swap3A_794 = tpu.vector_load %arg14[%swap3A_792, %swap3A_793] {strides = array<i32>} : memref<8x128xf32, #tpu.memory_space<vmem>>, vector<16xf32>,
    tpu.vector_store %arg14[%swap3A_792, %swap3A_793], %broadcast_in_dim3A_790 {strides = array<i32>} : memref<8x128xf32, #tpu.memory_space<vmem>>, vector<16xf32>,
    %broadcast_in_dim3A_795 = arith.constant 0.000000e+00 : f32
    %broadcast_in_dim3A_796 = vector.broadcast %broadcast_in_dim3A_795 : f32 to vector<16xf32>
    %swap3A_797 = arith.constant 0 : i32
    %swap3A_798 = arith.index_cast %swap3A_797 : i32 to index
    %swap3A_799 = arith.constant 64 : index
    %swap3A_800 = tpu.vector_load %arg14[%swap3A_798, %swap3A_799] {strides = array<i32>} : memref<8x128xf32, #tpu.memory_space<vmem>>, vector<16xf32>,
    tpu.vector_store %arg14[%swap3A_798, %swap3A_799], %broadcast_in_dim3A_796 {strides = array<i32>} : memref<8x128xf32, #tpu.memory_space<vmem>>, vector<16xf32>,
    %broadcast_in_dim3A_801 = arith.constant 0.000000e+00 : f32
    %broadcast_in_dim3A_802 = vector.broadcast %broadcast_in_dim3A_801 : f32 to vector<16xf32>
    %swap3A_803 = arith.constant 0 : i32
    %swap3A_804 = arith.index_cast %swap3A_803 : i32 to index
    %swap3A_805 = arith.constant 80 : index
    %swap3A_806 = tpu.vector_load %arg14[%swap3A_804, %swap3A_805] {strides = array<i32>} : memref<8x128xf32, #tpu.memory_space<vmem>>, vector<16xf32>,
    tpu.vector_store %arg14[%swap3A_804, %swap3A_805], %broadcast_in_dim3A_802 {strides = array<i32>} : memref<8x128xf32, #tpu.memory_space<vmem>>, vector<16xf32>,
    %broadcast_in_dim3A_807 = arith.constant 0.000000e+00 : f32
    %broadcast_in_dim3A_808 = vector.broadcast %broadcast_in_dim3A_807 : f32 to vector<16xf32>
    %swap3A_809 = arith.constant 0 : i32
    %swap3A_810 = arith.index_cast %swap3A_809 : i32 to index
    %swap3A_811 = arith.constant 96 : index
    %swap3A_812 = tpu.vector_load %arg14[%swap3A_810, %swap3A_811] {strides = array<i32>} : memref<8x128xf32, #tpu.memory_space<vmem>>, vector<16xf32>,
    tpu.vector_store %arg14[%swap3A_810, %swap3A_811], %broadcast_in_dim3A_808 {strides = array<i32>} : memref<8x128xf32, #tpu.memory_space<vmem>>, vector<16xf32>,
    %broadcast_in_dim3A_813 = arith.constant 0.000000e+00 : f32
    %broadcast_in_dim3A_814 = vector.broadcast %broadcast_in_dim3A_813 : f32 to vector<16xf32>
    %swap3A_815 = arith.constant 0 : i32
    %swap3A_816 = arith.index_cast %swap3A_815 : i32 to index
    %swap3A_817 = arith.constant 112 : index
    %swap3A_818 = tpu.vector_load %arg14[%swap3A_816, %swap3A_817] {strides = array<i32>} : memref<8x128xf32, #tpu.memory_space<vmem>>, vector<16xf32>,
    tpu.vector_store %arg14[%swap3A_816, %swap3A_817], %broadcast_in_dim3A_814 {strides = array<i32>} : memref<8x128xf32, #tpu.memory_space<vmem>>, vector<16xf32>,
    %broadcast_in_dim3A_819 = arith.constant 0.000000e+00 : f32
    %broadcast_in_dim3A_820 = vector.broadcast %broadcast_in_dim3A_819 : f32 to vector<16xf32>
    %swap3A_821 = arith.constant 0 : i32
    %swap3A_822 = arith.index_cast %swap3A_821 : i32 to index
    %swap3A_823 = arith.constant 0 : index
    %swap3A_824 = tpu.vector_load %arg15[%swap3A_822, %swap3A_823] {strides = array<i32>} : memref<8x128xf32, #tpu.memory_space<vmem>>, vector<16xf32>,
    tpu.vector_store %arg15[%swap3A_822, %swap3A_823], %broadcast_in_dim3A_820 {strides = array<i32>} : memref<8x128xf32, #tpu.memory_space<vmem>>, vector<16xf32>,
    %broadcast_in_dim3A_825 = arith.constant 0.000000e+00 : f32
    %broadcast_in_dim3A_826 = vector.broadcast %broadcast_in_dim3A_825 : f32 to vector<16xf32>
    %swap3A_827 = arith.constant 0 : i32
    %swap3A_828 = arith.index_cast %swap3A_827 : i32 to index
    %swap3A_829 = arith.constant 16 : index
    %swap3A_830 = tpu.vector_load %arg15[%swap3A_828, %swap3A_829] {strides = array<i32>} : memref<8x128xf32, #tpu.memory_space<vmem>>, vector<16xf32>,
    tpu.vector_store %arg15[%swap3A_828, %swap3A_829], %broadcast_in_dim3A_826 {strides = array<i32>} : memref<8x128xf32, #tpu.memory_space<vmem>>, vector<16xf32>,
    %broadcast_in_dim3A_831 = arith.constant 0.000000e+00 : f32
    %broadcast_in_dim3A_832 = vector.broadcast %broadcast_in_dim3A_831 : f32 to vector<16xf32>
    %swap3A_833 = arith.constant 0 : i32
    %swap3A_834 = arith.index_cast %swap3A_833 : i32 to index
    %swap3A_835 = arith.constant 32 : index
    %swap3A_836 = tpu.vector_load %arg15[%swap3A_834, %swap3A_835] {strides = array<i32>} : memref<8x128xf32, #tpu.memory_space<vmem>>, vector<16xf32>,
    tpu.vector_store %arg15[%swap3A_834, %swap3A_835], %broadcast_in_dim3A_832 {strides = array<i32>} : memref<8x128xf32, #tpu.memory_space<vmem>>, vector<16xf32>,
    %broadcast_in_dim3A_837 = arith.constant 0.000000e+00 : f32
    %broadcast_in_dim3A_838 = vector.broadcast %broadcast_in_dim3A_837 : f32 to vector<16xf32>
    %swap3A_839 = arith.constant 0 : i32
    %swap3A_840 = arith.index_cast %swap3A_839 : i32 to index
    %swap3A_841 = arith.constant 48 : index
    %swap3A_842 = tpu.vector_load %arg15[%swap3A_840, %swap3A_841] {strides = array<i32>} : memref<8x128xf32, #tpu.memory_space<vmem>>, vector<16xf32>,
    tpu.vector_store %arg15[%swap3A_840, %swap3A_841], %broadcast_in_dim3A_838 {strides = array<i32>} : memref<8x128xf32, #tpu.memory_space<vmem>>, vector<16xf32>,
    %broadcast_in_dim3A_843 = arith.constant 0.000000e+00 : f32
    %broadcast_in_dim3A_844 = vector.broadcast %broadcast_in_dim3A_843 : f32 to vector<16xf32>
    %swap3A_845 = arith.constant 0 : i32
    %swap3A_846 = arith.index_cast %swap3A_845 : i32 to index
    %swap3A_847 = arith.constant 64 : index
    %swap3A_848 = tpu.vector_load %arg15[%swap3A_846, %swap3A_847] {strides = array<i32>} : memref<8x128xf32, #tpu.memory_space<vmem>>, vector<16xf32>,
    tpu.vector_store %arg15[%swap3A_846, %swap3A_847], %broadcast_in_dim3A_844 {strides = array<i32>} : memref<8x128xf32, #tpu.memory_space<vmem>>, vector<16xf32>,
    %broadcast_in_dim3A_849 = arith.constant 0.000000e+00 : f32
    %broadcast_in_dim3A_850 = vector.broadcast %broadcast_in_dim3A_849 : f32 to vector<16xf32>
    %swap3A_851 = arith.constant 0 : i32
    %swap3A_852 = arith.index_cast %swap3A_851 : i32 to index
    %swap3A_853 = arith.constant 80 : index
    %swap3A_854 = tpu.vector_load %arg15[%swap3A_852, %swap3A_853] {strides = array<i32>} : memref<8x128xf32, #tpu.memory_space<vmem>>, vector<16xf32>,
    tpu.vector_store %arg15[%swap3A_852, %swap3A_853], %broadcast_in_dim3A_850 {strides = array<i32>} : memref<8x128xf32, #tpu.memory_space<vmem>>, vector<16xf32>,
    %broadcast_in_dim3A_855 = arith.constant 0.000000e+00 : f32
    %broadcast_in_dim3A_856 = vector.broadcast %broadcast_in_dim3A_855 : f32 to vector<16xf32>
    %swap3A_857 = arith.constant 0 : i32
    %swap3A_858 = arith.index_cast %swap3A_857 : i32 to index
    %swap3A_859 = arith.constant 96 : index
    %swap3A_860 = tpu.vector_load %arg15[%swap3A_858, %swap3A_859] {strides = array<i32>} : memref<8x128xf32, #tpu.memory_space<vmem>>, vector<16xf32>,
    tpu.vector_store %arg15[%swap3A_858, %swap3A_859], %broadcast_in_dim3A_856 {strides = array<i32>} : memref<8x128xf32, #tpu.memory_space<vmem>>, vector<16xf32>,
    %broadcast_in_dim3A_861 = arith.constant 0.000000e+00 : f32
    %broadcast_in_dim3A_862 = vector.broadcast %broadcast_in_dim3A_861 : f32 to vector<16xf32>
    %swap3A_863 = arith.constant 0 : i32
    %swap3A_864 = arith.index_cast %swap3A_863 : i32 to index
    %swap3A_865 = arith.constant 112 : index
    %swap3A_866 = tpu.vector_load %arg15[%swap3A_864, %swap3A_865] {strides = array<i32>} : memref<8x128xf32, #tpu.memory_space<vmem>>, vector<16xf32>,
    tpu.vector_store %arg15[%swap3A_864, %swap3A_865], %broadcast_in_dim3A_862 {strides = array<i32>} : memref<8x128xf32, #tpu.memory_space<vmem>>, vector<16xf32>,
    %broadcast_in_dim3A_867 = arith.constant 0.000000e+00 : f32
    %broadcast_in_dim3A_868 = vector.broadcast %broadcast_in_dim3A_867 : f32 to vector<16xf32>
    %swap3A_869 = arith.constant 1 : i32
    %swap3A_870 = arith.index_cast %swap3A_869 : i32 to index
    %swap3A_871 = arith.constant 0 : index
    %swap3A_872 = tpu.vector_load %arg14[%swap3A_870, %swap3A_871] {strides = array<i32>} : memref<8x128xf32, #tpu.memory_space<vmem>>, vector<16xf32>,
    tpu.vector_store %arg14[%swap3A_870, %swap3A_871], %broadcast_in_dim3A_868 {strides = array<i32>} : memref<8x128xf32, #tpu.memory_space<vmem>>, vector<16xf32>,
    %broadcast_in_dim3A_873 = arith.constant 0.000000e+00 : f32
    %broadcast_in_dim3A_874 = vector.broadcast %broadcast_in_dim3A_873 : f32 to vector<16xf32>
    %swap3A_875 = arith.constant 1 : i32
    %swap3A_876 = arith.index_cast %swap3A_875 : i32 to index
    %swap3A_877 = arith.constant 16 : index
    %swap3A_878 = tpu.vector_load %arg14[%swap3A_876, %swap3A_877] {strides = array<i32>} : memref<8x128xf32, #tpu.memory_space<vmem>>, vector<16xf32>,
    tpu.vector_store %arg14[%swap3A_876, %swap3A_877], %broadcast_in_dim3A_874 {strides = array<i32>} : memref<8x128xf32, #tpu.memory_space<vmem>>, vector<16xf32>,
    %broadcast_in_dim3A_879 = arith.constant 0.000000e+00 : f32
    %broadcast_in_dim3A_880 = vector.broadcast %broadcast_in_dim3A_879 : f32 to vector<16xf32>
    %swap3A_881 = arith.constant 1 : i32
    %swap3A_882 = arith.index_cast %swap3A_881 : i32 to index
    %swap3A_883 = arith.constant 32 : index
    %swap3A_884 = tpu.vector_load %arg14[%swap3A_882, %swap3A_883] {strides = array<i32>} : memref<8x128xf32, #tpu.memory_space<vmem>>, vector<16xf32>,
    tpu.vector_store %arg14[%swap3A_882, %swap3A_883], %broadcast_in_dim3A_880 {strides = array<i32>} : memref<8x128xf32, #tpu.memory_space<vmem>>, vector<16xf32>,
    %broadcast_in_dim3A_885 = arith.constant 0.000000e+00 : f32
    %broadcast_in_dim3A_886 = vector.broadcast %broadcast_in_dim3A_885 : f32 to vector<16xf32>
    %swap3A_887 = arith.constant 1 : i32
    %swap3A_888 = arith.index_cast %swap3A_887 : i32 to index
    %swap3A_889 = arith.constant 48 : index
    %swap3A_890 = tpu.vector_load %arg14[%swap3A_888, %swap3A_889] {strides = array<i32>} : memref<8x128xf32, #tpu.memory_space<vmem>>, vector<16xf32>,
    tpu.vector_store %arg14[%swap3A_888, %swap3A_889], %broadcast_in_dim3A_886 {strides = array<i32>} : memref<8x128xf32, #tpu.memory_space<vmem>>, vector<16xf32>,
    %broadcast_in_dim3A_891 = arith.constant 0.000000e+00 : f32
    %broadcast_in_dim3A_892 = vector.broadcast %broadcast_in_dim3A_891 : f32 to vector<16xf32>
    %swap3A_893 = arith.constant 1 : i32
    %swap3A_894 = arith.index_cast %swap3A_893 : i32 to index
    %swap3A_895 = arith.constant 64 : index
    %swap3A_896 = tpu.vector_load %arg14[%swap3A_894, %swap3A_895] {strides = array<i32>} : memref<8x128xf32, #tpu.memory_space<vmem>>, vector<16xf32>,
    tpu.vector_store %arg14[%swap3A_894, %swap3A_895], %broadcast_in_dim3A_892 {strides = array<i32>} : memref<8x128xf32, #tpu.memory_space<vmem>>, vector<16xf32>,
    %broadcast_in_dim3A_897 = arith.constant 0.000000e+00 : f32
    %broadcast_in_dim3A_898 = vector.broadcast %broadcast_in_dim3A_897 : f32 to vector<16xf32>
    %swap3A_899 = arith.constant 1 : i32
    %swap3A_900 = arith.index_cast %swap3A_899 : i32 to index
    %swap3A_901 = arith.constant 80 : index
    %swap3A_902 = tpu.vector_load %arg14[%swap3A_900, %swap3A_901] {strides = array<i32>} : memref<8x128xf32, #tpu.memory_space<vmem>>, vector<16xf32>,
    tpu.vector_store %arg14[%swap3A_900, %swap3A_901], %broadcast_in_dim3A_898 {strides = array<i32>} : memref<8x128xf32, #tpu.memory_space<vmem>>, vector<16xf32>,
    %broadcast_in_dim3A_903 = arith.constant 0.000000e+00 : f32
    %broadcast_in_dim3A_904 = vector.broadcast %broadcast_in_dim3A_903 : f32 to vector<16xf32>
    %swap3A_905 = arith.constant 1 : i32
    %swap3A_906 = arith.index_cast %swap3A_905 : i32 to index
    %swap3A_907 = arith.constant 96 : index
    %swap3A_908 = tpu.vector_load %arg14[%swap3A_906, %swap3A_907] {strides = array<i32>} : memref<8x128xf32, #tpu.memory_space<vmem>>, vector<16xf32>,
    tpu.vector_store %arg14[%swap3A_906, %swap3A_907], %broadcast_in_dim3A_904 {strides = array<i32>} : memref<8x128xf32, #tpu.memory_space<vmem>>, vector<16xf32>,
    %broadcast_in_dim3A_909 = arith.constant 0.000000e+00 : f32
    %broadcast_in_dim3A_910 = vector.broadcast %broadcast_in_dim3A_909 : f32 to vector<16xf32>
    %swap3A_911 = arith.constant 1 : i32
    %swap3A_912 = arith.index_cast %swap3A_911 : i32 to index
    %swap3A_913 = arith.constant 112 : index
    %swap3A_914 = tpu.vector_load %arg14[%swap3A_912, %swap3A_913] {strides = array<i32>} : memref<8x128xf32, #tpu.memory_space<vmem>>, vector<16xf32>,
    tpu.vector_store %arg14[%swap3A_912, %swap3A_913], %broadcast_in_dim3A_910 {strides = array<i32>} : memref<8x128xf32, #tpu.memory_space<vmem>>, vector<16xf32>,
    %broadcast_in_dim3A_915 = arith.constant 0.000000e+00 : f32
    %broadcast_in_dim3A_916 = vector.broadcast %broadcast_in_dim3A_915 : f32 to vector<16xf32>
    %swap3A_917 = arith.constant 1 : i32
    %swap3A_918 = arith.index_cast %swap3A_917 : i32 to index
    %swap3A_919 = arith.constant 0 : index
    %swap3A_920 = tpu.vector_load %arg15[%swap3A_918, %swap3A_919] {strides = array<i32>} : memref<8x128xf32, #tpu.memory_space<vmem>>, vector<16xf32>,
    tpu.vector_store %arg15[%swap3A_918, %swap3A_919], %broadcast_in_dim3A_916 {strides = array<i32>} : memref<8x128xf32, #tpu.memory_space<vmem>>, vector<16xf32>,
    %broadcast_in_dim3A_921 = arith.constant 0.000000e+00 : f32
    %broadcast_in_dim3A_922 = vector.broadcast %broadcast_in_dim3A_921 : f32 to vector<16xf32>
    %swap3A_923 = arith.constant 1 : i32
    %swap3A_924 = arith.index_cast %swap3A_923 : i32 to index
    %swap3A_925 = arith.constant 16 : index
    %swap3A_926 = tpu.vector_load %arg15[%swap3A_924, %swap3A_925] {strides = array<i32>} : memref<8x128xf32, #tpu.memory_space<vmem>>, vector<16xf32>,
    tpu.vector_store %arg15[%swap3A_924, %swap3A_925], %broadcast_in_dim3A_922 {strides = array<i32>} : memref<8x128xf32, #tpu.memory_space<vmem>>, vector<16xf32>,
    %broadcast_in_dim3A_927 = arith.constant 0.000000e+00 : f32
    %broadcast_in_dim3A_928 = vector.broadcast %broadcast_in_dim3A_927 : f32 to vector<16xf32>
    %swap3A_929 = arith.constant 1 : i32
    %swap3A_930 = arith.index_cast %swap3A_929 : i32 to index
    %swap3A_931 = arith.constant 32 : index
    %swap3A_932 = tpu.vector_load %arg15[%swap3A_930, %swap3A_931] {strides = array<i32>} : memref<8x128xf32, #tpu.memory_space<vmem>>, vector<16xf32>,
    tpu.vector_store %arg15[%swap3A_930, %swap3A_931], %broadcast_in_dim3A_928 {strides = array<i32>} : memref<8x128xf32, #tpu.memory_space<vmem>>, vector<16xf32>,
    %broadcast_in_dim3A_933 = arith.constant 0.000000e+00 : f32
    %broadcast_in_dim3A_934 = vector.broadcast %broadcast_in_dim3A_933 : f32 to vector<16xf32>
    %swap3A_935 = arith.constant 1 : i32
    %swap3A_936 = arith.index_cast %swap3A_935 : i32 to index
    %swap3A_937 = arith.constant 48 : index
    %swap3A_938 = tpu.vector_load %arg15[%swap3A_936, %swap3A_937] {strides = array<i32>} : memref<8x128xf32, #tpu.memory_space<vmem>>, vector<16xf32>,
    tpu.vector_store %arg15[%swap3A_936, %swap3A_937], %broadcast_in_dim3A_934 {strides = array<i32>} : memref<8x128xf32, #tpu.memory_space<vmem>>, vector<16xf32>,
    %broadcast_in_dim3A_939 = arith.constant 0.000000e+00 : f32
    %broadcast_in_dim3A_940 = vector.broadcast %broadcast_in_dim3A_939 : f32 to vector<16xf32>
    %swap3A_941 = arith.constant 1 : i32
    %swap3A_942 = arith.index_cast %swap3A_941 : i32 to index
    %swap3A_943 = arith.constant 64 : index
    %swap3A_944 = tpu.vector_load %arg15[%swap3A_942, %swap3A_943] {strides = array<i32>} : memref<8x128xf32, #tpu.memory_space<vmem>>, vector<16xf32>,
    tpu.vector_store %arg15[%swap3A_942, %swap3A_943], %broadcast_in_dim3A_940 {strides = array<i32>} : memref<8x128xf32, #tpu.memory_space<vmem>>, vector<16xf32>,
    %broadcast_in_dim3A_945 = arith.constant 0.000000e+00 : f32
    %broadcast_in_dim3A_946 = vector.broadcast %broadcast_in_dim3A_945 : f32 to vector<16xf32>
    %swap3A_947 = arith.constant 1 : i32
    %swap3A_948 = arith.index_cast %swap3A_947 : i32 to index
    %swap3A_949 = arith.constant 80 : index
    %swap3A_950 = tpu.vector_load %arg15[%swap3A_948, %swap3A_949] {strides = array<i32>} : memref<8x128xf32, #tpu.memory_space<vmem>>, vector<16xf32>,
    tpu.vector_store %arg15[%swap3A_948, %swap3A_949], %broadcast_in_dim3A_946 {strides = array<i32>} : memref<8x128xf32, #tpu.memory_space<vmem>>, vector<16xf32>,
    %broadcast_in_dim3A_951 = arith.constant 0.000000e+00 : f32
    %broadcast_in_dim3A_952 = vector.broadcast %broadcast_in_dim3A_951 : f32 to vector<16xf32>
    %swap3A_953 = arith.constant 1 : i32
    %swap3A_954 = arith.index_cast %swap3A_953 : i32 to index
    %swap3A_955 = arith.constant 96 : index
    %swap3A_956 = tpu.vector_load %arg15[%swap3A_954, %swap3A_955] {strides = array<i32>} : memref<8x128xf32, #tpu.memory_space<vmem>>, vector<16xf32>,
    tpu.vector_store %arg15[%swap3A_954, %swap3A_955], %broadcast_in_dim3A_952 {strides = array<i32>} : memref<8x128xf32, #tpu.memory_space<vmem>>, vector<16xf32>,
    %broadcast_in_dim3A_957 = arith.constant 0.000000e+00 : f32
    %broadcast_in_dim3A_958 = vector.broadcast %broadcast_in_dim3A_957 : f32 to vector<16xf32>
    %swap3A_959 = arith.constant 1 : i32
    %swap3A_960 = arith.index_cast %swap3A_959 : i32 to index
    %swap3A_961 = arith.constant 112 : index
    %swap3A_962 = tpu.vector_load %arg15[%swap3A_960, %swap3A_961] {strides = array<i32>} : memref<8x128xf32, #tpu.memory_space<vmem>>, vector<16xf32>,
    tpu.vector_store %arg15[%swap3A_960, %swap3A_961], %broadcast_in_dim3A_958 {strides = array<i32>} : memref<8x128xf32, #tpu.memory_space<vmem>>, vector<16xf32>,
    %broadcast_in_dim3A_963 = arith.constant 0.000000e+00 : f32
    %broadcast_in_dim3A_964 = vector.broadcast %broadcast_in_dim3A_963 : f32 to vector<16xf32>
    %swap3A_965 = arith.constant 2 : i32
    %swap3A_966 = arith.index_cast %swap3A_965 : i32 to index
    %swap3A_967 = arith.constant 0 : index
    %swap3A_968 = tpu.vector_load %arg14[%swap3A_966, %swap3A_967] {strides = array<i32>} : memref<8x128xf32, #tpu.memory_space<vmem>>, vector<16xf32>,
    tpu.vector_store %arg14[%swap3A_966, %swap3A_967], %broadcast_in_dim3A_964 {strides = array<i32>} : memref<8x128xf32, #tpu.memory_space<vmem>>, vector<16xf32>,
    %broadcast_in_dim3A_969 = arith.constant 0.000000e+00 : f32
    %broadcast_in_dim3A_970 = vector.broadcast %broadcast_in_dim3A_969 : f32 to vector<16xf32>
    %swap3A_971 = arith.constant 2 : i32
    %swap3A_972 = arith.index_cast %swap3A_971 : i32 to index
    %swap3A_973 = arith.constant 16 : index
    %swap3A_974 = tpu.vector_load %arg14[%swap3A_972, %swap3A_973] {strides = array<i32>} : memref<8x128xf32, #tpu.memory_space<vmem>>, vector<16xf32>,
    tpu.vector_store %arg14[%swap3A_972, %swap3A_973], %broadcast_in_dim3A_970 {strides = array<i32>} : memref<8x128xf32, #tpu.memory_space<vmem>>, vector<16xf32>,
    %broadcast_in_dim3A_975 = arith.constant 0.000000e+00 : f32
    %broadcast_in_dim3A_976 = vector.broadcast %broadcast_in_dim3A_975 : f32 to vector<16xf32>
    %swap3A_977 = arith.constant 2 : i32
    %swap3A_978 = arith.index_cast %swap3A_977 : i32 to index
    %swap3A_979 = arith.constant 32 : index
    %swap3A_980 = tpu.vector_load %arg14[%swap3A_978, %swap3A_979] {strides = array<i32>} : memref<8x128xf32, #tpu.memory_space<vmem>>, vector<16xf32>,
    tpu.vector_store %arg14[%swap3A_978, %swap3A_979], %broadcast_in_dim3A_976 {strides = array<i32>} : memref<8x128xf32, #tpu.memory_space<vmem>>, vector<16xf32>,
    %broadcast_in_dim3A_981 = arith.constant 0.000000e+00 : f32
    %broadcast_in_dim3A_982 = vector.broadcast %broadcast_in_dim3A_981 : f32 to vector<16xf32>
    %swap3A_983 = arith.constant 2 : i32
    %swap3A_984 = arith.index_cast %swap3A_983 : i32 to index
    %swap3A_985 = arith.constant 48 : index
    %swap3A_986 = tpu.vector_load %arg14[%swap3A_984, %swap3A_985] {strides = array<i32>} : memref<8x128xf32, #tpu.memory_space<vmem>>, vector<16xf32>,
    tpu.vector_store %arg14[%swap3A_984, %swap3A_985], %broadcast_in_dim3A_982 {strides = array<i32>} : memref<8x128xf32, #tpu.memory_space<vmem>>, vector<16xf32>,
    %broadcast_in_dim3A_987 = arith.constant 0.000000e+00 : f32
    %broadcast_in_dim3A_988 = vector.broadcast %broadcast_in_dim3A_987 : f32 to vector<16xf32>
    %swap3A_989 = arith.constant 2 : i32
    %swap3A_990 = arith.index_cast %swap3A_989 : i32 to index
    %swap3A_991 = arith.constant 64 : index
    %swap3A_992 = tpu.vector_load %arg14[%swap3A_990, %swap3A_991] {strides = array<i32>} : memref<8x128xf32, #tpu.memory_space<vmem>>, vector<16xf32>,
    tpu.vector_store %arg14[%swap3A_990, %swap3A_991], %broadcast_in_dim3A_988 {strides = array<i32>} : memref<8x128xf32, #tpu.memory_space<vmem>>, vector<16xf32>,
    %broadcast_in_dim3A_993 = arith.constant 0.000000e+00 : f32
    %broadcast_in_dim3A_994 = vector.broadcast %broadcast_in_dim3A_993 : f32 to vector<16xf32>
    %swap3A_995 = arith.constant 2 : i32
    %swap3A_996 = arith.index_cast %swap3A_995 : i32 to index
    %swap3A_997 = arith.constant 80 : index
    %swap3A_998 = tpu.vector_load %arg14[%swap3A_996, %swap3A_997] {strides = array<i32>} : memref<8x128xf32, #tpu.memory_space<vmem>>, vector<16xf32>,
    tpu.vector_store %arg14[%swap3A_996, %swap3A_997], %broadcast_in_dim3A_994 {strides = array<i32>} : memref<8x128xf32, #tpu.memory_space<vmem>>, vector<16xf32>,
    %broadcast_in_dim3A_999 = arith.constant 0.000000e+00 : f32
    %broadcast_in_dim3A_1000 = vector.broadcast %broadcast_in_dim3A_999 : f32 to vector<16xf32>
    %swap3A_1001 = arith.constant 2 : i32
    %swap3A_1002 = arith.index_cast %swap3A_1001 : i32 to index
    %swap3A_1003 = arith.constant 96 : index
    %swap3A_1004 = tpu.vector_load %arg14[%swap3A_1002, %swap3A_1003] {strides = array<i32>} : memref<8x128xf32, #tpu.memory_space<vmem>>, vector<16xf32>,
    tpu.vector_store %arg14[%swap3A_1002, %swap3A_1003], %broadcast_in_dim3A_1000 {strides = array<i32>} : memref<8x128xf32, #tpu.memory_space<vmem>>, vector<16xf32>,
    %broadcast_in_dim3A_1005 = arith.constant 0.000000e+00 : f32
    %broadcast_in_dim3A_1006 = vector.broadcast %broadcast_in_dim3A_1005 : f32 to vector<16xf32>
    %swap3A_1007 = arith.constant 2 : i32
    %swap3A_1008 = arith.index_cast %swap3A_1007 : i32 to index
    %swap3A_1009 = arith.constant 112 : index
    %swap3A_1010 = tpu.vector_load %arg14[%swap3A_1008, %swap3A_1009] {strides = array<i32>} : memref<8x128xf32, #tpu.memory_space<vmem>>, vector<16xf32>,
    tpu.vector_store %arg14[%swap3A_1008, %swap3A_1009], %broadcast_in_dim3A_1006 {strides = array<i32>} : memref<8x128xf32, #tpu.memory_space<vmem>>, vector<16xf32>,
    %broadcast_in_dim3A_1011 = arith.constant 0.000000e+00 : f32
    %broadcast_in_dim3A_1012 = vector.broadcast %broadcast_in_dim3A_1011 : f32 to vector<16xf32>
    %swap3A_1013 = arith.constant 2 : i32
    %swap3A_1014 = arith.index_cast %swap3A_1013 : i32 to index
    %swap3A_1015 = arith.constant 0 : index
    %swap3A_1016 = tpu.vector_load %arg15[%swap3A_1014, %swap3A_1015] {strides = array<i32>} : memref<8x128xf32, #tpu.memory_space<vmem>>, vector<16xf32>,
    tpu.vector_store %arg15[%swap3A_1014, %swap3A_1015], %broadcast_in_dim3A_1012 {strides = array<i32>} : memref<8x128xf32, #tpu.memory_space<vmem>>, vector<16xf32>,
    %broadcast_in_dim3A_1017 = arith.constant 0.000000e+00 : f32
    %broadcast_in_dim3A_1018 = vector.broadcast %broadcast_in_dim3A_1017 : f32 to vector<16xf32>
    %swap3A_1019 = arith.constant 2 : i32
    %swap3A_1020 = arith.index_cast %swap3A_1019 : i32 to index
    %swap3A_1021 = arith.constant 16 : index
    %swap3A_1022 = tpu.vector_load %arg15[%swap3A_1020, %swap3A_1021] {strides = array<i32>} : memref<8x128xf32, #tpu.memory_space<vmem>>, vector<16xf32>,
    tpu.vector_store %arg15[%swap3A_1020, %swap3A_1021], %broadcast_in_dim3A_1018 {strides = array<i32>} : memref<8x128xf32, #tpu.memory_space<vmem>>, vector<16xf32>,
    %broadcast_in_dim3A_1023 = arith.constant 0.000000e+00 : f32
    %broadcast_in_dim3A_1024 = vector.broadcast %broadcast_in_dim3A_1023 : f32 to vector<16xf32>
    %swap3A_1025 = arith.constant 2 : i32
    %swap3A_1026 = arith.index_cast %swap3A_1025 : i32 to index
    %swap3A_1027 = arith.constant 32 : index
    %swap3A_1028 = tpu.vector_load %arg15[%swap3A_1026, %swap3A_1027] {strides = array<i32>} : memref<8x128xf32, #tpu.memory_space<vmem>>, vector<16xf32>,
    tpu.vector_store %arg15[%swap3A_1026, %swap3A_1027], %broadcast_in_dim3A_1024 {strides = array<i32>} : memref<8x128xf32, #tpu.memory_space<vmem>>, vector<16xf32>,
    %broadcast_in_dim3A_1029 = arith.constant 0.000000e+00 : f32
    %broadcast_in_dim3A_1030 = vector.broadcast %broadcast_in_dim3A_1029 : f32 to vector<16xf32>
    %swap3A_1031 = arith.constant 2 : i32
    %swap3A_1032 = arith.index_cast %swap3A_1031 : i32 to index
    %swap3A_1033 = arith.constant 48 : index
    %swap3A_1034 = tpu.vector_load %arg15[%swap3A_1032, %swap3A_1033] {strides = array<i32>} : memref<8x128xf32, #tpu.memory_space<vmem>>, vector<16xf32>,
    tpu.vector_store %arg15[%swap3A_1032, %swap3A_1033], %broadcast_in_dim3A_1030 {strides = array<i32>} : memref<8x128xf32, #tpu.memory_space<vmem>>, vector<16xf32>,
    %broadcast_in_dim3A_1035 = arith.constant 0.000000e+00 : f32
    %broadcast_in_dim3A_1036 = vector.broadcast %broadcast_in_dim3A_1035 : f32 to vector<16xf32>
    %swap3A_1037 = arith.constant 2 : i32
    %swap3A_1038 = arith.index_cast %swap3A_1037 : i32 to index
    %swap3A_1039 = arith.constant 64 : index
    %swap3A_1040 = tpu.vector_load %arg15[%swap3A_1038, %swap3A_1039] {strides = array<i32>} : memref<8x128xf32, #tpu.memory_space<vmem>>, vector<16xf32>,
    tpu.vector_store %arg15[%swap3A_1038, %swap3A_1039], %broadcast_in_dim3A_1036 {strides = array<i32>} : memref<8x128xf32, #tpu.memory_space<vmem>>, vector<16xf32>,
    %broadcast_in_dim3A_1041 = arith.constant 0.000000e+00 : f32
    %broadcast_in_dim3A_1042 = vector.broadcast %broadcast_in_dim3A_1041 : f32 to vector<16xf32>
    %swap3A_1043 = arith.constant 2 : i32
    %swap3A_1044 = arith.index_cast %swap3A_1043 : i32 to index
    %swap3A_1045 = arith.constant 80 : index
    %swap3A_1046 = tpu.vector_load %arg15[%swap3A_1044, %swap3A_1045] {strides = array<i32>} : memref<8x128xf32, #tpu.memory_space<vmem>>, vector<16xf32>,
    tpu.vector_store %arg15[%swap3A_1044, %swap3A_1045], %broadcast_in_dim3A_1042 {strides = array<i32>} : memref<8x128xf32, #tpu.memory_space<vmem>>, vector<16xf32>,
    %broadcast_in_dim3A_1047 = arith.constant 0.000000e+00 : f32
    %broadcast_in_dim3A_1048 = vector.broadcast %broadcast_in_dim3A_1047 : f32 to vector<16xf32>
    %swap3A_1049 = arith.constant 2 : i32
    %swap3A_1050 = arith.index_cast %swap3A_1049 : i32 to index
    %swap3A_1051 = arith.constant 96 : index
    %swap3A_1052 = tpu.vector_load %arg15[%swap3A_1050, %swap3A_1051] {strides = array<i32>} : memref<8x128xf32, #tpu.memory_space<vmem>>, vector<16xf32>,
    tpu.vector_store %arg15[%swap3A_1050, %swap3A_1051], %broadcast_in_dim3A_1048 {strides = array<i32>} : memref<8x128xf32, #tpu.memory_space<vmem>>, vector<16xf32>,
    %broadcast_in_dim3A_1053 = arith.constant 0.000000e+00 : f32
    %broadcast_in_dim3A_1054 = vector.broadcast %broadcast_in_dim3A_1053 : f32 to vector<16xf32>
    %swap3A_1055 = arith.constant 2 : i32
    %swap3A_1056 = arith.index_cast %swap3A_1055 : i32 to index
    %swap3A_1057 = arith.constant 112 : index
    %swap3A_1058 = tpu.vector_load %arg15[%swap3A_1056, %swap3A_1057] {strides = array<i32>} : memref<8x128xf32, #tpu.memory_space<vmem>>, vector<16xf32>,
    tpu.vector_store %arg15[%swap3A_1056, %swap3A_1057], %broadcast_in_dim3A_1054 {strides = array<i32>} : memref<8x128xf32, #tpu.memory_space<vmem>>, vector<16xf32>,
    %broadcast_in_dim3A_1059 = arith.constant 0.000000e+00 : f32
    %broadcast_in_dim3A_1060 = vector.broadcast %broadcast_in_dim3A_1059 : f32 to vector<16xf32>
    %swap3A_1061 = arith.constant 3 : i32
    %swap3A_1062 = arith.index_cast %swap3A_1061 : i32 to index
    %swap3A_1063 = arith.constant 0 : index
    %swap3A_1064 = tpu.vector_load %arg14[%swap3A_1062, %swap3A_1063] {strides = array<i32>} : memref<8x128xf32, #tpu.memory_space<vmem>>, vector<16xf32>,
    tpu.vector_store %arg14[%swap3A_1062, %swap3A_1063], %broadcast_in_dim3A_1060 {strides = array<i32>} : memref<8x128xf32, #tpu.memory_space<vmem>>, vector<16xf32>,
    %broadcast_in_dim3A_1065 = arith.constant 0.000000e+00 : f32
    %broadcast_in_dim3A_1066 = vector.broadcast %broadcast_in_dim3A_1065 : f32 to vector<16xf32>
    %swap3A_1067 = arith.constant 3 : i32
    %swap3A_1068 = arith.index_cast %swap3A_1067 : i32 to index
    %swap3A_1069 = arith.constant 16 : index
    %swap3A_1070 = tpu.vector_load %arg14[%swap3A_1068, %swap3A_1069] {strides = array<i32>} : memref<8x128xf32, #tpu.memory_space<vmem>>, vector<16xf32>,
    tpu.vector_store %arg14[%swap3A_1068, %swap3A_1069], %broadcast_in_dim3A_1066 {strides = array<i32>} : memref<8x128xf32, #tpu.memory_space<vmem>>, vector<16xf32>,
    %broadcast_in_dim3A_1071 = arith.constant 0.000000e+00 : f32
    %broadcast_in_dim3A_1072 = vector.broadcast %broadcast_in_dim3A_1071 : f32 to vector<16xf32>
    %swap3A_1073 = arith.constant 3 : i32
    %swap3A_1074 = arith.index_cast %swap3A_1073 : i32 to index
    %swap3A_1075 = arith.constant 32 : index
    %swap3A_1076 = tpu.vector_load %arg14[%swap3A_1074, %swap3A_1075] {strides = array<i32>} : memref<8x128xf32, #tpu.memory_space<vmem>>, vector<16xf32>,
    tpu.vector_store %arg14[%swap3A_1074, %swap3A_1075], %broadcast_in_dim3A_1072 {strides = array<i32>} : memref<8x128xf32, #tpu.memory_space<vmem>>, vector<16xf32>,
    %broadcast_in_dim3A_1077 = arith.constant 0.000000e+00 : f32
    %broadcast_in_dim3A_1078 = vector.broadcast %broadcast_in_dim3A_1077 : f32 to vector<16xf32>
    %swap3A_1079 = arith.constant 3 : i32
    %swap3A_1080 = arith.index_cast %swap3A_1079 : i32 to index
    %swap3A_1081 = arith.constant 48 : index
    %swap3A_1082 = tpu.vector_load %arg14[%swap3A_1080, %swap3A_1081] {strides = array<i32>} : memref<8x128xf32, #tpu.memory_space<vmem>>, vector<16xf32>,
    tpu.vector_store %arg14[%swap3A_1080, %swap3A_1081], %broadcast_in_dim3A_1078 {strides = array<i32>} : memref<8x128xf32, #tpu.memory_space<vmem>>, vector<16xf32>,
    %broadcast_in_dim3A_1083 = arith.constant 0.000000e+00 : f32
    %broadcast_in_dim3A_1084 = vector.broadcast %broadcast_in_dim3A_1083 : f32 to vector<16xf32>
    %swap3A_1085 = arith.constant 3 : i32
    %swap3A_1086 = arith.index_cast %swap3A_1085 : i32 to index
    %swap3A_1087 = arith.constant 64 : index
    %swap3A_1088 = tpu.vector_load %arg14[%swap3A_1086, %swap3A_1087] {strides = array<i32>} : memref<8x128xf32, #tpu.memory_space<vmem>>, vector<16xf32>,
    tpu.vector_store %arg14[%swap3A_1086, %swap3A_1087], %broadcast_in_dim3A_1084 {strides = array<i32>} : memref<8x128xf32, #tpu.memory_space<vmem>>, vector<16xf32>,
    %broadcast_in_dim3A_1089 = arith.constant 0.000000e+00 : f32
    %broadcast_in_dim3A_1090 = vector.broadcast %broadcast_in_dim3A_1089 : f32 to vector<16xf32>
    %swap3A_1091 = arith.constant 3 : i32
    %swap3A_1092 = arith.index_cast %swap3A_1091 : i32 to index
    %swap3A_1093 = arith.constant 80 : index
    %swap3A_1094 = tpu.vector_load %arg14[%swap3A_1092, %swap3A_1093] {strides = array<i32>} : memref<8x128xf32, #tpu.memory_space<vmem>>, vector<16xf32>,
    tpu.vector_store %arg14[%swap3A_1092, %swap3A_1093], %broadcast_in_dim3A_1090 {strides = array<i32>} : memref<8x128xf32, #tpu.memory_space<vmem>>, vector<16xf32>,
    %broadcast_in_dim3A_1095 = arith.constant 0.000000e+00 : f32
    %broadcast_in_dim3A_1096 = vector.broadcast %broadcast_in_dim3A_1095 : f32 to vector<16xf32>
    %swap3A_1097 = arith.constant 3 : i32
    %swap3A_1098 = arith.index_cast %swap3A_1097 : i32 to index
    %swap3A_1099 = arith.constant 96 : index
    %swap3A_1100 = tpu.vector_load %arg14[%swap3A_1098, %swap3A_1099] {strides = array<i32>} : memref<8x128xf32, #tpu.memory_space<vmem>>, vector<16xf32>,
    tpu.vector_store %arg14[%swap3A_1098, %swap3A_1099], %broadcast_in_dim3A_1096 {strides = array<i32>} : memref<8x128xf32, #tpu.memory_space<vmem>>, vector<16xf32>,
    %broadcast_in_dim3A_1101 = arith.constant 0.000000e+00 : f32
    %broadcast_in_dim3A_1102 = vector.broadcast %broadcast_in_dim3A_1101 : f32 to vector<16xf32>
    %swap3A_1103 = arith.constant 3 : i32
    %swap3A_1104 = arith.index_cast %swap3A_1103 : i32 to index
    %swap3A_1105 = arith.constant 112 : index
    %swap3A_1106 = tpu.vector_load %arg14[%swap3A_1104, %swap3A_1105] {strides = array<i32>} : memref<8x128xf32, #tpu.memory_space<vmem>>, vector<16xf32>,
    tpu.vector_store %arg14[%swap3A_1104, %swap3A_1105], %broadcast_in_dim3A_1102 {strides = array<i32>} : memref<8x128xf32, #tpu.memory_space<vmem>>, vector<16xf32>,
    %broadcast_in_dim3A_1107 = arith.constant 0.000000e+00 : f32
    %broadcast_in_dim3A_1108 = vector.broadcast %broadcast_in_dim3A_1107 : f32 to vector<16xf32>
    %swap3A_1109 = arith.constant 3 : i32
    %swap3A_1110 = arith.index_cast %swap3A_1109 : i32 to index
    %swap3A_1111 = arith.constant 0 : index
    %swap3A_1112 = tpu.vector_load %arg15[%swap3A_1110, %swap3A_1111] {strides = array<i32>} : memref<8x128xf32, #tpu.memory_space<vmem>>, vector<16xf32>,
    tpu.vector_store %arg15[%swap3A_1110, %swap3A_1111], %broadcast_in_dim3A_1108 {strides = array<i32>} : memref<8x128xf32, #tpu.memory_space<vmem>>, vector<16xf32>,
    %broadcast_in_dim3A_1113 = arith.constant 0.000000e+00 : f32
    %broadcast_in_dim3A_1114 = vector.broadcast %broadcast_in_dim3A_1113 : f32 to vector<16xf32>
    %swap3A_1115 = arith.constant 3 : i32
    %swap3A_1116 = arith.index_cast %swap3A_1115 : i32 to index
    %swap3A_1117 = arith.constant 16 : index
    %swap3A_1118 = tpu.vector_load %arg15[%swap3A_1116, %swap3A_1117] {strides = array<i32>} : memref<8x128xf32, #tpu.memory_space<vmem>>, vector<16xf32>,
    tpu.vector_store %arg15[%swap3A_1116, %swap3A_1117], %broadcast_in_dim3A_1114 {strides = array<i32>} : memref<8x128xf32, #tpu.memory_space<vmem>>, vector<16xf32>,
    %broadcast_in_dim3A_1119 = arith.constant 0.000000e+00 : f32
    %broadcast_in_dim3A_1120 = vector.broadcast %broadcast_in_dim3A_1119 : f32 to vector<16xf32>
    %swap3A_1121 = arith.constant 3 : i32
    %swap3A_1122 = arith.index_cast %swap3A_1121 : i32 to index
    %swap3A_1123 = arith.constant 32 : index
    %swap3A_1124 = tpu.vector_load %arg15[%swap3A_1122, %swap3A_1123] {strides = array<i32>} : memref<8x128xf32, #tpu.memory_space<vmem>>, vector<16xf32>,
    tpu.vector_store %arg15[%swap3A_1122, %swap3A_1123], %broadcast_in_dim3A_1120 {strides = array<i32>} : memref<8x128xf32, #tpu.memory_space<vmem>>, vector<16xf32>,
    %broadcast_in_dim3A_1125 = arith.constant 0.000000e+00 : f32
    %broadcast_in_dim3A_1126 = vector.broadcast %broadcast_in_dim3A_1125 : f32 to vector<16xf32>
    %swap3A_1127 = arith.constant 3 : i32
    %swap3A_1128 = arith.index_cast %swap3A_1127 : i32 to index
    %swap3A_1129 = arith.constant 48 : index
    %swap3A_1130 = tpu.vector_load %arg15[%swap3A_1128, %swap3A_1129] {strides = array<i32>} : memref<8x128xf32, #tpu.memory_space<vmem>>, vector<16xf32>,
    tpu.vector_store %arg15[%swap3A_1128, %swap3A_1129], %broadcast_in_dim3A_1126 {strides = array<i32>} : memref<8x128xf32, #tpu.memory_space<vmem>>, vector<16xf32>,
    %broadcast_in_dim3A_1131 = arith.constant 0.000000e+00 : f32
    %broadcast_in_dim3A_1132 = vector.broadcast %broadcast_in_dim3A_1131 : f32 to vector<16xf32>
    %swap3A_1133 = arith.constant 3 : i32
    %swap3A_1134 = arith.index_cast %swap3A_1133 : i32 to index
    %swap3A_1135 = arith.constant 64 : index
    %swap3A_1136 = tpu.vector_load %arg15[%swap3A_1134, %swap3A_1135] {strides = array<i32>} : memref<8x128xf32, #tpu.memory_space<vmem>>, vector<16xf32>,
    tpu.vector_store %arg15[%swap3A_1134, %swap3A_1135], %broadcast_in_dim3A_1132 {strides = array<i32>} : memref<8x128xf32, #tpu.memory_space<vmem>>, vector<16xf32>,
    %broadcast_in_dim3A_1137 = arith.constant 0.000000e+00 : f32
    %broadcast_in_dim3A_1138 = vector.broadcast %broadcast_in_dim3A_1137 : f32 to vector<16xf32>
    %swap3A_1139 = arith.constant 3 : i32
    %swap3A_1140 = arith.index_cast %swap3A_1139 : i32 to index
    %swap3A_1141 = arith.constant 80 : index
    %swap3A_1142 = tpu.vector_load %arg15[%swap3A_1140, %swap3A_1141] {strides = array<i32>} : memref<8x128xf32, #tpu.memory_space<vmem>>, vector<16xf32>,
    tpu.vector_store %arg15[%swap3A_1140, %swap3A_1141], %broadcast_in_dim3A_1138 {strides = array<i32>} : memref<8x128xf32, #tpu.memory_space<vmem>>, vector<16xf32>,
    %broadcast_in_dim3A_1143 = arith.constant 0.000000e+00 : f32
    %broadcast_in_dim3A_1144 = vector.broadcast %broadcast_in_dim3A_1143 : f32 to vector<16xf32>
    %swap3A_1145 = arith.constant 3 : i32
    %swap3A_1146 = arith.index_cast %swap3A_1145 : i32 to index
    %swap3A_1147 = arith.constant 96 : index
    %swap3A_1148 = tpu.vector_load %arg15[%swap3A_1146, %swap3A_1147] {strides = array<i32>} : memref<8x128xf32, #tpu.memory_space<vmem>>, vector<16xf32>,
    tpu.vector_store %arg15[%swap3A_1146, %swap3A_1147], %broadcast_in_dim3A_1144 {strides = array<i32>} : memref<8x128xf32, #tpu.memory_space<vmem>>, vector<16xf32>,
    %broadcast_in_dim3A_1149 = arith.constant 0.000000e+00 : f32
    %broadcast_in_dim3A_1150 = vector.broadcast %broadcast_in_dim3A_1149 : f32 to vector<16xf32>
    %swap3A_1151 = arith.constant 3 : i32
    %swap3A_1152 = arith.index_cast %swap3A_1151 : i32 to index
    %swap3A_1153 = arith.constant 112 : index
    %swap3A_1154 = tpu.vector_load %arg15[%swap3A_1152, %swap3A_1153] {strides = array<i32>} : memref<8x128xf32, #tpu.memory_space<vmem>>, vector<16xf32>,
    tpu.vector_store %arg15[%swap3A_1152, %swap3A_1153], %broadcast_in_dim3A_1150 {strides = array<i32>} : memref<8x128xf32, #tpu.memory_space<vmem>>, vector<16xf32>,
    %broadcast_in_dim3A_1155 = arith.constant 0.000000e+00 : f32
    %broadcast_in_dim3A_1156 = vector.broadcast %broadcast_in_dim3A_1155 : f32 to vector<16xf32>
    %swap3A_1157 = arith.constant 4 : i32
    %swap3A_1158 = arith.index_cast %swap3A_1157 : i32 to index
    %swap3A_1159 = arith.constant 0 : index
    %swap3A_1160 = tpu.vector_load %arg14[%swap3A_1158, %swap3A_1159] {strides = array<i32>} : memref<8x128xf32, #tpu.memory_space<vmem>>, vector<16xf32>,
    tpu.vector_store %arg14[%swap3A_1158, %swap3A_1159], %broadcast_in_dim3A_1156 {strides = array<i32>} : memref<8x128xf32, #tpu.memory_space<vmem>>, vector<16xf32>,
    %broadcast_in_dim3A_1161 = arith.constant 0.000000e+00 : f32
    %broadcast_in_dim3A_1162 = vector.broadcast %broadcast_in_dim3A_1161 : f32 to vector<16xf32>
    %swap3A_1163 = arith.constant 4 : i32
    %swap3A_1164 = arith.index_cast %swap3A_1163 : i32 to index
    %swap3A_1165 = arith.constant 16 : index
    %swap3A_1166 = tpu.vector_load %arg14[%swap3A_1164, %swap3A_1165] {strides = array<i32>} : memref<8x128xf32, #tpu.memory_space<vmem>>, vector<16xf32>,
    tpu.vector_store %arg14[%swap3A_1164, %swap3A_1165], %broadcast_in_dim3A_1162 {strides = array<i32>} : memref<8x128xf32, #tpu.memory_space<vmem>>, vector<16xf32>,
    %broadcast_in_dim3A_1167 = arith.constant 0.000000e+00 : f32
    %broadcast_in_dim3A_1168 = vector.broadcast %broadcast_in_dim3A_1167 : f32 to vector<16xf32>
    %swap3A_1169 = arith.constant 4 : i32
    %swap3A_1170 = arith.index_cast %swap3A_1169 : i32 to index
    %swap3A_1171 = arith.constant 32 : index
    %swap3A_1172 = tpu.vector_load %arg14[%swap3A_1170, %swap3A_1171] {strides = array<i32>} : memref<8x128xf32, #tpu.memory_space<vmem>>, vector<16xf32>,
    tpu.vector_store %arg14[%swap3A_1170, %swap3A_1171], %broadcast_in_dim3A_1168 {strides = array<i32>} : memref<8x128xf32, #tpu.memory_space<vmem>>, vector<16xf32>,
    %broadcast_in_dim3A_1173 = arith.constant 0.000000e+00 : f32
    %broadcast_in_dim3A_1174 = vector.broadcast %broadcast_in_dim3A_1173 : f32 to vector<16xf32>
    %swap3A_1175 = arith.constant 4 : i32
    %swap3A_1176 = arith.index_cast %swap3A_1175 : i32 to index
    %swap3A_1177 = arith.constant 48 : index
    %swap3A_1178 = tpu.vector_load %arg14[%swap3A_1176, %swap3A_1177] {strides = array<i32>} : memref<8x128xf32, #tpu.memory_space<vmem>>, vector<16xf32>,
    tpu.vector_store %arg14[%swap3A_1176, %swap3A_1177], %broadcast_in_dim3A_1174 {strides = array<i32>} : memref<8x128xf32, #tpu.memory_space<vmem>>, vector<16xf32>,
    %broadcast_in_dim3A_1179 = arith.constant 0.000000e+00 : f32
    %broadcast_in_dim3A_1180 = vector.broadcast %broadcast_in_dim3A_1179 : f32 to vector<16xf32>
    %swap3A_1181 = arith.constant 4 : i32
    %swap3A_1182 = arith.index_cast %swap3A_1181 : i32 to index
    %swap3A_1183 = arith.constant 64 : index
    %swap3A_1184 = tpu.vector_load %arg14[%swap3A_1182, %swap3A_1183] {strides = array<i32>} : memref<8x128xf32, #tpu.memory_space<vmem>>, vector<16xf32>,
    tpu.vector_store %arg14[%swap3A_1182, %swap3A_1183], %broadcast_in_dim3A_1180 {strides = array<i32>} : memref<8x128xf32, #tpu.memory_space<vmem>>, vector<16xf32>,
    %broadcast_in_dim3A_1185 = arith.constant 0.000000e+00 : f32
    %broadcast_in_dim3A_1186 = vector.broadcast %broadcast_in_dim3A_1185 : f32 to vector<16xf32>
    %swap3A_1187 = arith.constant 4 : i32
    %swap3A_1188 = arith.index_cast %swap3A_1187 : i32 to index
    %swap3A_1189 = arith.constant 80 : index
    %swap3A_1190 = tpu.vector_load %arg14[%swap3A_1188, %swap3A_1189] {strides = array<i32>} : memref<8x128xf32, #tpu.memory_space<vmem>>, vector<16xf32>,
    tpu.vector_store %arg14[%swap3A_1188, %swap3A_1189], %broadcast_in_dim3A_1186 {strides = array<i32>} : memref<8x128xf32, #tpu.memory_space<vmem>>, vector<16xf32>,
    %broadcast_in_dim3A_1191 = arith.constant 0.000000e+00 : f32
    %broadcast_in_dim3A_1192 = vector.broadcast %broadcast_in_dim3A_1191 : f32 to vector<16xf32>
    %swap3A_1193 = arith.constant 4 : i32
    %swap3A_1194 = arith.index_cast %swap3A_1193 : i32 to index
    %swap3A_1195 = arith.constant 96 : index
    %swap3A_1196 = tpu.vector_load %arg14[%swap3A_1194, %swap3A_1195] {strides = array<i32>} : memref<8x128xf32, #tpu.memory_space<vmem>>, vector<16xf32>,
    tpu.vector_store %arg14[%swap3A_1194, %swap3A_1195], %broadcast_in_dim3A_1192 {strides = array<i32>} : memref<8x128xf32, #tpu.memory_space<vmem>>, vector<16xf32>,
    %broadcast_in_dim3A_1197 = arith.constant 0.000000e+00 : f32
    %broadcast_in_dim3A_1198 = vector.broadcast %broadcast_in_dim3A_1197 : f32 to vector<16xf32>
    %swap3A_1199 = arith.constant 4 : i32
    %swap3A_1200 = arith.index_cast %swap3A_1199 : i32 to index
    %swap3A_1201 = arith.constant 112 : index
    %swap3A_1202 = tpu.vector_load %arg14[%swap3A_1200, %swap3A_1201] {strides = array<i32>} : memref<8x128xf32, #tpu.memory_space<vmem>>, vector<16xf32>,
    tpu.vector_store %arg14[%swap3A_1200, %swap3A_1201], %broadcast_in_dim3A_1198 {strides = array<i32>} : memref<8x128xf32, #tpu.memory_space<vmem>>, vector<16xf32>,
    %broadcast_in_dim3A_1203 = arith.constant 0.000000e+00 : f32
    %broadcast_in_dim3A_1204 = vector.broadcast %broadcast_in_dim3A_1203 : f32 to vector<16xf32>
    %swap3A_1205 = arith.constant 4 : i32
    %swap3A_1206 = arith.index_cast %swap3A_1205 : i32 to index
    %swap3A_1207 = arith.constant 0 : index
    %swap3A_1208 = tpu.vector_load %arg15[%swap3A_1206, %swap3A_1207] {strides = array<i32>} : memref<8x128xf32, #tpu.memory_space<vmem>>, vector<16xf32>,
    tpu.vector_store %arg15[%swap3A_1206, %swap3A_1207], %broadcast_in_dim3A_1204 {strides = array<i32>} : memref<8x128xf32, #tpu.memory_space<vmem>>, vector<16xf32>,
    %broadcast_in_dim3A_1209 = arith.constant 0.000000e+00 : f32
    %broadcast_in_dim3A_1210 = vector.broadcast %broadcast_in_dim3A_1209 : f32 to vector<16xf32>
    %swap3A_1211 = arith.constant 4 : i32
    %swap3A_1212 = arith.index_cast %swap3A_1211 : i32 to index
    %swap3A_1213 = arith.constant 16 : index
    %swap3A_1214 = tpu.vector_load %arg15[%swap3A_1212, %swap3A_1213] {strides = array<i32>} : memref<8x128xf32, #tpu.memory_space<vmem>>, vector<16xf32>,
    tpu.vector_store %arg15[%swap3A_1212, %swap3A_1213], %broadcast_in_dim3A_1210 {strides = array<i32>} : memref<8x128xf32, #tpu.memory_space<vmem>>, vector<16xf32>,
    %broadcast_in_dim3A_1215 = arith.constant 0.000000e+00 : f32
    %broadcast_in_dim3A_1216 = vector.broadcast %broadcast_in_dim3A_1215 : f32 to vector<16xf32>
    %swap3A_1217 = arith.constant 4 : i32
    %swap3A_1218 = arith.index_cast %swap3A_1217 : i32 to index
    %swap3A_1219 = arith.constant 32 : index
    %swap3A_1220 = tpu.vector_load %arg15[%swap3A_1218, %swap3A_1219] {strides = array<i32>} : memref<8x128xf32, #tpu.memory_space<vmem>>, vector<16xf32>,
    tpu.vector_store %arg15[%swap3A_1218, %swap3A_1219], %broadcast_in_dim3A_1216 {strides = array<i32>} : memref<8x128xf32, #tpu.memory_space<vmem>>, vector<16xf32>,
    %broadcast_in_dim3A_1221 = arith.constant 0.000000e+00 : f32
    %broadcast_in_dim3A_1222 = vector.broadcast %broadcast_in_dim3A_1221 : f32 to vector<16xf32>
    %swap3A_1223 = arith.constant 4 : i32
    %swap3A_1224 = arith.index_cast %swap3A_1223 : i32 to index
    %swap3A_1225 = arith.constant 48 : index
    %swap3A_1226 = tpu.vector_load %arg15[%swap3A_1224, %swap3A_1225] {strides = array<i32>} : memref<8x128xf32, #tpu.memory_space<vmem>>, vector<16xf32>,
    tpu.vector_store %arg15[%swap3A_1224, %swap3A_1225], %broadcast_in_dim3A_1222 {strides = array<i32>} : memref<8x128xf32, #tpu.memory_space<vmem>>, vector<16xf32>,
    %broadcast_in_dim3A_1227 = arith.constant 0.000000e+00 : f32
    %broadcast_in_dim3A_1228 = vector.broadcast %broadcast_in_dim3A_1227 : f32 to vector<16xf32>
    %swap3A_1229 = arith.constant 4 : i32
    %swap3A_1230 = arith.index_cast %swap3A_1229 : i32 to index
    %swap3A_1231 = arith.constant 64 : index
    %swap3A_1232 = tpu.vector_load %arg15[%swap3A_1230, %swap3A_1231] {strides = array<i32>} : memref<8x128xf32, #tpu.memory_space<vmem>>, vector<16xf32>,
    tpu.vector_store %arg15[%swap3A_1230, %swap3A_1231], %broadcast_in_dim3A_1228 {strides = array<i32>} : memref<8x128xf32, #tpu.memory_space<vmem>>, vector<16xf32>,
    %broadcast_in_dim3A_1233 = arith.constant 0.000000e+00 : f32
    %broadcast_in_dim3A_1234 = vector.broadcast %broadcast_in_dim3A_1233 : f32 to vector<16xf32>
    %swap3A_1235 = arith.constant 4 : i32
    %swap3A_1236 = arith.index_cast %swap3A_1235 : i32 to index
    %swap3A_1237 = arith.constant 80 : index
    %swap3A_1238 = tpu.vector_load %arg15[%swap3A_1236, %swap3A_1237] {strides = array<i32>} : memref<8x128xf32, #tpu.memory_space<vmem>>, vector<16xf32>,
    tpu.vector_store %arg15[%swap3A_1236, %swap3A_1237], %broadcast_in_dim3A_1234 {strides = array<i32>} : memref<8x128xf32, #tpu.memory_space<vmem>>, vector<16xf32>,
    %broadcast_in_dim3A_1239 = arith.constant 0.000000e+00 : f32
    %broadcast_in_dim3A_1240 = vector.broadcast %broadcast_in_dim3A_1239 : f32 to vector<16xf32>
    %swap3A_1241 = arith.constant 4 : i32
    %swap3A_1242 = arith.index_cast %swap3A_1241 : i32 to index
    %swap3A_1243 = arith.constant 96 : index
    %swap3A_1244 = tpu.vector_load %arg15[%swap3A_1242, %swap3A_1243] {strides = array<i32>} : memref<8x128xf32, #tpu.memory_space<vmem>>, vector<16xf32>,
    tpu.vector_store %arg15[%swap3A_1242, %swap3A_1243], %broadcast_in_dim3A_1240 {strides = array<i32>} : memref<8x128xf32, #tpu.memory_space<vmem>>, vector<16xf32>,
    %broadcast_in_dim3A_1245 = arith.constant 0.000000e+00 : f32
    %broadcast_in_dim3A_1246 = vector.broadcast %broadcast_in_dim3A_1245 : f32 to vector<16xf32>
    %swap3A_1247 = arith.constant 4 : i32
    %swap3A_1248 = arith.index_cast %swap3A_1247 : i32 to index
    %swap3A_1249 = arith.constant 112 : index
    %swap3A_1250 = tpu.vector_load %arg15[%swap3A_1248, %swap3A_1249] {strides = array<i32>} : memref<8x128xf32, #tpu.memory_space<vmem>>, vector<16xf32>,
    tpu.vector_store %arg15[%swap3A_1248, %swap3A_1249], %broadcast_in_dim3A_1246 {strides = array<i32>} : memref<8x128xf32, #tpu.memory_space<vmem>>, vector<16xf32>,
    %broadcast_in_dim3A_1251 = arith.constant 0.000000e+00 : f32
    %broadcast_in_dim3A_1252 = vector.broadcast %broadcast_in_dim3A_1251 : f32 to vector<16xf32>
    %swap3A_1253 = arith.constant 5 : i32
    %swap3A_1254 = arith.index_cast %swap3A_1253 : i32 to index
    %swap3A_1255 = arith.constant 0 : index
    %swap3A_1256 = tpu.vector_load %arg14[%swap3A_1254, %swap3A_1255] {strides = array<i32>} : memref<8x128xf32, #tpu.memory_space<vmem>>, vector<16xf32>,
    tpu.vector_store %arg14[%swap3A_1254, %swap3A_1255], %broadcast_in_dim3A_1252 {strides = array<i32>} : memref<8x128xf32, #tpu.memory_space<vmem>>, vector<16xf32>,
    %broadcast_in_dim3A_1257 = arith.constant 0.000000e+00 : f32
    %broadcast_in_dim3A_1258 = vector.broadcast %broadcast_in_dim3A_1257 : f32 to vector<16xf32>
    %swap3A_1259 = arith.constant 5 : i32
    %swap3A_1260 = arith.index_cast %swap3A_1259 : i32 to index
    %swap3A_1261 = arith.constant 16 : index
    %swap3A_1262 = tpu.vector_load %arg14[%swap3A_1260, %swap3A_1261] {strides = array<i32>} : memref<8x128xf32, #tpu.memory_space<vmem>>, vector<16xf32>,
    tpu.vector_store %arg14[%swap3A_1260, %swap3A_1261], %broadcast_in_dim3A_1258 {strides = array<i32>} : memref<8x128xf32, #tpu.memory_space<vmem>>, vector<16xf32>,
    %broadcast_in_dim3A_1263 = arith.constant 0.000000e+00 : f32
    %broadcast_in_dim3A_1264 = vector.broadcast %broadcast_in_dim3A_1263 : f32 to vector<16xf32>
    %swap3A_1265 = arith.constant 5 : i32
    %swap3A_1266 = arith.index_cast %swap3A_1265 : i32 to index
    %swap3A_1267 = arith.constant 32 : index
    %swap3A_1268 = tpu.vector_load %arg14[%swap3A_1266, %swap3A_1267] {strides = array<i32>} : memref<8x128xf32, #tpu.memory_space<vmem>>, vector<16xf32>,
    tpu.vector_store %arg14[%swap3A_1266, %swap3A_1267], %broadcast_in_dim3A_1264 {strides = array<i32>} : memref<8x128xf32, #tpu.memory_space<vmem>>, vector<16xf32>,
    %broadcast_in_dim3A_1269 = arith.constant 0.000000e+00 : f32
    %broadcast_in_dim3A_1270 = vector.broadcast %broadcast_in_dim3A_1269 : f32 to vector<16xf32>
    %swap3A_1271 = arith.constant 5 : i32
    %swap3A_1272 = arith.index_cast %swap3A_1271 : i32 to index
    %swap3A_1273 = arith.constant 48 : index
    %swap3A_1274 = tpu.vector_load %arg14[%swap3A_1272, %swap3A_1273] {strides = array<i32>} : memref<8x128xf32, #tpu.memory_space<vmem>>, vector<16xf32>,
    tpu.vector_store %arg14[%swap3A_1272, %swap3A_1273], %broadcast_in_dim3A_1270 {strides = array<i32>} : memref<8x128xf32, #tpu.memory_space<vmem>>, vector<16xf32>,
    %broadcast_in_dim3A_1275 = arith.constant 0.000000e+00 : f32
    %broadcast_in_dim3A_1276 = vector.broadcast %broadcast_in_dim3A_1275 : f32 to vector<16xf32>
    %swap3A_1277 = arith.constant 5 : i32
    %swap3A_1278 = arith.index_cast %swap3A_1277 : i32 to index
    %swap3A_1279 = arith.constant 64 : index
    %swap3A_1280 = tpu.vector_load %arg14[%swap3A_1278, %swap3A_1279] {strides = array<i32>} : memref<8x128xf32, #tpu.memory_space<vmem>>, vector<16xf32>,
    tpu.vector_store %arg14[%swap3A_1278, %swap3A_1279], %broadcast_in_dim3A_1276 {strides = array<i32>} : memref<8x128xf32, #tpu.memory_space<vmem>>, vector<16xf32>,
    %broadcast_in_dim3A_1281 = arith.constant 0.000000e+00 : f32
    %broadcast_in_dim3A_1282 = vector.broadcast %broadcast_in_dim3A_1281 : f32 to vector<16xf32>
    %swap3A_1283 = arith.constant 5 : i32
    %swap3A_1284 = arith.index_cast %swap3A_1283 : i32 to index
    %swap3A_1285 = arith.constant 80 : index
    %swap3A_1286 = tpu.vector_load %arg14[%swap3A_1284, %swap3A_1285] {strides = array<i32>} : memref<8x128xf32, #tpu.memory_space<vmem>>, vector<16xf32>,
    tpu.vector_store %arg14[%swap3A_1284, %swap3A_1285], %broadcast_in_dim3A_1282 {strides = array<i32>} : memref<8x128xf32, #tpu.memory_space<vmem>>, vector<16xf32>,
    %broadcast_in_dim3A_1287 = arith.constant 0.000000e+00 : f32
    %broadcast_in_dim3A_1288 = vector.broadcast %broadcast_in_dim3A_1287 : f32 to vector<16xf32>
    %swap3A_1289 = arith.constant 5 : i32
    %swap3A_1290 = arith.index_cast %swap3A_1289 : i32 to index
    %swap3A_1291 = arith.constant 96 : index
    %swap3A_1292 = tpu.vector_load %arg14[%swap3A_1290, %swap3A_1291] {strides = array<i32>} : memref<8x128xf32, #tpu.memory_space<vmem>>, vector<16xf32>,
    tpu.vector_store %arg14[%swap3A_1290, %swap3A_1291], %broadcast_in_dim3A_1288 {strides = array<i32>} : memref<8x128xf32, #tpu.memory_space<vmem>>, vector<16xf32>,
    %broadcast_in_dim3A_1293 = arith.constant 0.000000e+00 : f32
    %broadcast_in_dim3A_1294 = vector.broadcast %broadcast_in_dim3A_1293 : f32 to vector<16xf32>
    %swap3A_1295 = arith.constant 5 : i32
    %swap3A_1296 = arith.index_cast %swap3A_1295 : i32 to index
    %swap3A_1297 = arith.constant 112 : index
    %swap3A_1298 = tpu.vector_load %arg14[%swap3A_1296, %swap3A_1297] {strides = array<i32>} : memref<8x128xf32, #tpu.memory_space<vmem>>, vector<16xf32>,
    tpu.vector_store %arg14[%swap3A_1296, %swap3A_1297], %broadcast_in_dim3A_1294 {strides = array<i32>} : memref<8x128xf32, #tpu.memory_space<vmem>>, vector<16xf32>,
    %broadcast_in_dim3A_1299 = arith.constant 0.000000e+00 : f32
    %broadcast_in_dim3A_1300 = vector.broadcast %broadcast_in_dim3A_1299 : f32 to vector<16xf32>
    %swap3A_1301 = arith.constant 5 : i32
    %swap3A_1302 = arith.index_cast %swap3A_1301 : i32 to index
    %swap3A_1303 = arith.constant 0 : index
    %swap3A_1304 = tpu.vector_load %arg15[%swap3A_1302, %swap3A_1303] {strides = array<i32>} : memref<8x128xf32, #tpu.memory_space<vmem>>, vector<16xf32>,
    tpu.vector_store %arg15[%swap3A_1302, %swap3A_1303], %broadcast_in_dim3A_1300 {strides = array<i32>} : memref<8x128xf32, #tpu.memory_space<vmem>>, vector<16xf32>,
    %broadcast_in_dim3A_1305 = arith.constant 0.000000e+00 : f32
    %broadcast_in_dim3A_1306 = vector.broadcast %broadcast_in_dim3A_1305 : f32 to vector<16xf32>
    %swap3A_1307 = arith.constant 5 : i32
    %swap3A_1308 = arith.index_cast %swap3A_1307 : i32 to index
    %swap3A_1309 = arith.constant 16 : index
    %swap3A_1310 = tpu.vector_load %arg15[%swap3A_1308, %swap3A_1309] {strides = array<i32>} : memref<8x128xf32, #tpu.memory_space<vmem>>, vector<16xf32>,
    tpu.vector_store %arg15[%swap3A_1308, %swap3A_1309], %broadcast_in_dim3A_1306 {strides = array<i32>} : memref<8x128xf32, #tpu.memory_space<vmem>>, vector<16xf32>,
    %broadcast_in_dim3A_1311 = arith.constant 0.000000e+00 : f32
    %broadcast_in_dim3A_1312 = vector.broadcast %broadcast_in_dim3A_1311 : f32 to vector<16xf32>
    %swap3A_1313 = arith.constant 5 : i32
    %swap3A_1314 = arith.index_cast %swap3A_1313 : i32 to index
    %swap3A_1315 = arith.constant 32 : index
    %swap3A_1316 = tpu.vector_load %arg15[%swap3A_1314, %swap3A_1315] {strides = array<i32>} : memref<8x128xf32, #tpu.memory_space<vmem>>, vector<16xf32>,
    tpu.vector_store %arg15[%swap3A_1314, %swap3A_1315], %broadcast_in_dim3A_1312 {strides = array<i32>} : memref<8x128xf32, #tpu.memory_space<vmem>>, vector<16xf32>,
    %broadcast_in_dim3A_1317 = arith.constant 0.000000e+00 : f32
    %broadcast_in_dim3A_1318 = vector.broadcast %broadcast_in_dim3A_1317 : f32 to vector<16xf32>
    %swap3A_1319 = arith.constant 5 : i32
    %swap3A_1320 = arith.index_cast %swap3A_1319 : i32 to index
    %swap3A_1321 = arith.constant 48 : index
    %swap3A_1322 = tpu.vector_load %arg15[%swap3A_1320, %swap3A_1321] {strides = array<i32>} : memref<8x128xf32, #tpu.memory_space<vmem>>, vector<16xf32>,
    tpu.vector_store %arg15[%swap3A_1320, %swap3A_1321], %broadcast_in_dim3A_1318 {strides = array<i32>} : memref<8x128xf32, #tpu.memory_space<vmem>>, vector<16xf32>,
    %broadcast_in_dim3A_1323 = arith.constant 0.000000e+00 : f32
    %broadcast_in_dim3A_1324 = vector.broadcast %broadcast_in_dim3A_1323 : f32 to vector<16xf32>
    %swap3A_1325 = arith.constant 5 : i32
    %swap3A_1326 = arith.index_cast %swap3A_1325 : i32 to index
    %swap3A_1327 = arith.constant 64 : index
    %swap3A_1328 = tpu.vector_load %arg15[%swap3A_1326, %swap3A_1327] {strides = array<i32>} : memref<8x128xf32, #tpu.memory_space<vmem>>, vector<16xf32>,
    tpu.vector_store %arg15[%swap3A_1326, %swap3A_1327], %broadcast_in_dim3A_1324 {strides = array<i32>} : memref<8x128xf32, #tpu.memory_space<vmem>>, vector<16xf32>,
    %broadcast_in_dim3A_1329 = arith.constant 0.000000e+00 : f32
    %broadcast_in_dim3A_1330 = vector.broadcast %broadcast_in_dim3A_1329 : f32 to vector<16xf32>
    %swap3A_1331 = arith.constant 5 : i32
    %swap3A_1332 = arith.index_cast %swap3A_1331 : i32 to index
    %swap3A_1333 = arith.constant 80 : index
    %swap3A_1334 = tpu.vector_load %arg15[%swap3A_1332, %swap3A_1333] {strides = array<i32>} : memref<8x128xf32, #tpu.memory_space<vmem>>, vector<16xf32>,
    tpu.vector_store %arg15[%swap3A_1332, %swap3A_1333], %broadcast_in_dim3A_1330 {strides = array<i32>} : memref<8x128xf32, #tpu.memory_space<vmem>>, vector<16xf32>,
    %broadcast_in_dim3A_1335 = arith.constant 0.000000e+00 : f32
    %broadcast_in_dim3A_1336 = vector.broadcast %broadcast_in_dim3A_1335 : f32 to vector<16xf32>
    %swap3A_1337 = arith.constant 5 : i32
    %swap3A_1338 = arith.index_cast %swap3A_1337 : i32 to index
    %swap3A_1339 = arith.constant 96 : index
    %swap3A_1340 = tpu.vector_load %arg15[%swap3A_1338, %swap3A_1339] {strides = array<i32>} : memref<8x128xf32, #tpu.memory_space<vmem>>, vector<16xf32>,
    tpu.vector_store %arg15[%swap3A_1338, %swap3A_1339], %broadcast_in_dim3A_1336 {strides = array<i32>} : memref<8x128xf32, #tpu.memory_space<vmem>>, vector<16xf32>,
    %broadcast_in_dim3A_1341 = arith.constant 0.000000e+00 : f32
    %broadcast_in_dim3A_1342 = vector.broadcast %broadcast_in_dim3A_1341 : f32 to vector<16xf32>
    %swap3A_1343 = arith.constant 5 : i32
    %swap3A_1344 = arith.index_cast %swap3A_1343 : i32 to index
    %swap3A_1345 = arith.constant 112 : index
    %swap3A_1346 = tpu.vector_load %arg15[%swap3A_1344, %swap3A_1345] {strides = array<i32>} : memref<8x128xf32, #tpu.memory_space<vmem>>, vector<16xf32>,
    tpu.vector_store %arg15[%swap3A_1344, %swap3A_1345], %broadcast_in_dim3A_1342 {strides = array<i32>} : memref<8x128xf32, #tpu.memory_space<vmem>>, vector<16xf32>,
    %broadcast_in_dim3A_1347 = arith.constant 0.000000e+00 : f32
    %broadcast_in_dim3A_1348 = vector.broadcast %broadcast_in_dim3A_1347 : f32 to vector<16xf32>
    %swap3A_1349 = arith.constant 6 : i32
    %swap3A_1350 = arith.index_cast %swap3A_1349 : i32 to index
    %swap3A_1351 = arith.constant 0 : index
    %swap3A_1352 = tpu.vector_load %arg14[%swap3A_1350, %swap3A_1351] {strides = array<i32>} : memref<8x128xf32, #tpu.memory_space<vmem>>, vector<16xf32>,
    tpu.vector_store %arg14[%swap3A_1350, %swap3A_1351], %broadcast_in_dim3A_1348 {strides = array<i32>} : memref<8x128xf32, #tpu.memory_space<vmem>>, vector<16xf32>,
    %broadcast_in_dim3A_1353 = arith.constant 0.000000e+00 : f32
    %broadcast_in_dim3A_1354 = vector.broadcast %broadcast_in_dim3A_1353 : f32 to vector<16xf32>
    %swap3A_1355 = arith.constant 6 : i32
    %swap3A_1356 = arith.index_cast %swap3A_1355 : i32 to index
    %swap3A_1357 = arith.constant 16 : index
    %swap3A_1358 = tpu.vector_load %arg14[%swap3A_1356, %swap3A_1357] {strides = array<i32>} : memref<8x128xf32, #tpu.memory_space<vmem>>, vector<16xf32>,
    tpu.vector_store %arg14[%swap3A_1356, %swap3A_1357], %broadcast_in_dim3A_1354 {strides = array<i32>} : memref<8x128xf32, #tpu.memory_space<vmem>>, vector<16xf32>,
    %broadcast_in_dim3A_1359 = arith.constant 0.000000e+00 : f32
    %broadcast_in_dim3A_1360 = vector.broadcast %broadcast_in_dim3A_1359 : f32 to vector<16xf32>
    %swap3A_1361 = arith.constant 6 : i32
    %swap3A_1362 = arith.index_cast %swap3A_1361 : i32 to index
    %swap3A_1363 = arith.constant 32 : index
    %swap3A_1364 = tpu.vector_load %arg14[%swap3A_1362, %swap3A_1363] {strides = array<i32>} : memref<8x128xf32, #tpu.memory_space<vmem>>, vector<16xf32>,
    tpu.vector_store %arg14[%swap3A_1362, %swap3A_1363], %broadcast_in_dim3A_1360 {strides = array<i32>} : memref<8x128xf32, #tpu.memory_space<vmem>>, vector<16xf32>,
    %broadcast_in_dim3A_1365 = arith.constant 0.000000e+00 : f32
    %broadcast_in_dim3A_1366 = vector.broadcast %broadcast_in_dim3A_1365 : f32 to vector<16xf32>
    %swap3A_1367 = arith.constant 6 : i32
    %swap3A_1368 = arith.index_cast %swap3A_1367 : i32 to index
    %swap3A_1369 = arith.constant 48 : index
    %swap3A_1370 = tpu.vector_load %arg14[%swap3A_1368, %swap3A_1369] {strides = array<i32>} : memref<8x128xf32, #tpu.memory_space<vmem>>, vector<16xf32>,
    tpu.vector_store %arg14[%swap3A_1368, %swap3A_1369], %broadcast_in_dim3A_1366 {strides = array<i32>} : memref<8x128xf32, #tpu.memory_space<vmem>>, vector<16xf32>,
    %broadcast_in_dim3A_1371 = arith.constant 0.000000e+00 : f32
    %broadcast_in_dim3A_1372 = vector.broadcast %broadcast_in_dim3A_1371 : f32 to vector<16xf32>
    %swap3A_1373 = arith.constant 6 : i32
    %swap3A_1374 = arith.index_cast %swap3A_1373 : i32 to index
    %swap3A_1375 = arith.constant 64 : index
    %swap3A_1376 = tpu.vector_load %arg14[%swap3A_1374, %swap3A_1375] {strides = array<i32>} : memref<8x128xf32, #tpu.memory_space<vmem>>, vector<16xf32>,
    tpu.vector_store %arg14[%swap3A_1374, %swap3A_1375], %broadcast_in_dim3A_1372 {strides = array<i32>} : memref<8x128xf32, #tpu.memory_space<vmem>>, vector<16xf32>,
    %broadcast_in_dim3A_1377 = arith.constant 0.000000e+00 : f32
    %broadcast_in_dim3A_1378 = vector.broadcast %broadcast_in_dim3A_1377 : f32 to vector<16xf32>
    %swap3A_1379 = arith.constant 6 : i32
    %swap3A_1380 = arith.index_cast %swap3A_1379 : i32 to index
    %swap3A_1381 = arith.constant 80 : index
    %swap3A_1382 = tpu.vector_load %arg14[%swap3A_1380, %swap3A_1381] {strides = array<i32>} : memref<8x128xf32, #tpu.memory_space<vmem>>, vector<16xf32>,
    tpu.vector_store %arg14[%swap3A_1380, %swap3A_1381], %broadcast_in_dim3A_1378 {strides = array<i32>} : memref<8x128xf32, #tpu.memory_space<vmem>>, vector<16xf32>,
    %broadcast_in_dim3A_1383 = arith.constant 0.000000e+00 : f32
    %broadcast_in_dim3A_1384 = vector.broadcast %broadcast_in_dim3A_1383 : f32 to vector<16xf32>
    %swap3A_1385 = arith.constant 6 : i32
    %swap3A_1386 = arith.index_cast %swap3A_1385 : i32 to index
    %swap3A_1387 = arith.constant 96 : index
    %swap3A_1388 = tpu.vector_load %arg14[%swap3A_1386, %swap3A_1387] {strides = array<i32>} : memref<8x128xf32, #tpu.memory_space<vmem>>, vector<16xf32>,
    tpu.vector_store %arg14[%swap3A_1386, %swap3A_1387], %broadcast_in_dim3A_1384 {strides = array<i32>} : memref<8x128xf32, #tpu.memory_space<vmem>>, vector<16xf32>,
    %broadcast_in_dim3A_1389 = arith.constant 0.000000e+00 : f32
    %broadcast_in_dim3A_1390 = vector.broadcast %broadcast_in_dim3A_1389 : f32 to vector<16xf32>
    %swap3A_1391 = arith.constant 6 : i32
    %swap3A_1392 = arith.index_cast %swap3A_1391 : i32 to index
    %swap3A_1393 = arith.constant 112 : index
    %swap3A_1394 = tpu.vector_load %arg14[%swap3A_1392, %swap3A_1393] {strides = array<i32>} : memref<8x128xf32, #tpu.memory_space<vmem>>, vector<16xf32>,
    tpu.vector_store %arg14[%swap3A_1392, %swap3A_1393], %broadcast_in_dim3A_1390 {strides = array<i32>} : memref<8x128xf32, #tpu.memory_space<vmem>>, vector<16xf32>,
    %broadcast_in_dim3A_1395 = arith.constant 0.000000e+00 : f32
    %broadcast_in_dim3A_1396 = vector.broadcast %broadcast_in_dim3A_1395 : f32 to vector<16xf32>
    %swap3A_1397 = arith.constant 6 : i32
    %swap3A_1398 = arith.index_cast %swap3A_1397 : i32 to index
    %swap3A_1399 = arith.constant 0 : index
    %swap3A_1400 = tpu.vector_load %arg15[%swap3A_1398, %swap3A_1399] {strides = array<i32>} : memref<8x128xf32, #tpu.memory_space<vmem>>, vector<16xf32>,
    tpu.vector_store %arg15[%swap3A_1398, %swap3A_1399], %broadcast_in_dim3A_1396 {strides = array<i32>} : memref<8x128xf32, #tpu.memory_space<vmem>>, vector<16xf32>,
    %broadcast_in_dim3A_1401 = arith.constant 0.000000e+00 : f32
    %broadcast_in_dim3A_1402 = vector.broadcast %broadcast_in_dim3A_1401 : f32 to vector<16xf32>
    %swap3A_1403 = arith.constant 6 : i32
    %swap3A_1404 = arith.index_cast %swap3A_1403 : i32 to index
    %swap3A_1405 = arith.constant 16 : index
    %swap3A_1406 = tpu.vector_load %arg15[%swap3A_1404, %swap3A_1405] {strides = array<i32>} : memref<8x128xf32, #tpu.memory_space<vmem>>, vector<16xf32>,
    tpu.vector_store %arg15[%swap3A_1404, %swap3A_1405], %broadcast_in_dim3A_1402 {strides = array<i32>} : memref<8x128xf32, #tpu.memory_space<vmem>>, vector<16xf32>,
    %broadcast_in_dim3A_1407 = arith.constant 0.000000e+00 : f32
    %broadcast_in_dim3A_1408 = vector.broadcast %broadcast_in_dim3A_1407 : f32 to vector<16xf32>
    %swap3A_1409 = arith.constant 6 : i32
    %swap3A_1410 = arith.index_cast %swap3A_1409 : i32 to index
    %swap3A_1411 = arith.constant 32 : index
    %swap3A_1412 = tpu.vector_load %arg15[%swap3A_1410, %swap3A_1411] {strides = array<i32>} : memref<8x128xf32, #tpu.memory_space<vmem>>, vector<16xf32>,
    tpu.vector_store %arg15[%swap3A_1410, %swap3A_1411], %broadcast_in_dim3A_1408 {strides = array<i32>} : memref<8x128xf32, #tpu.memory_space<vmem>>, vector<16xf32>,
    %broadcast_in_dim3A_1413 = arith.constant 0.000000e+00 : f32
    %broadcast_in_dim3A_1414 = vector.broadcast %broadcast_in_dim3A_1413 : f32 to vector<16xf32>
    %swap3A_1415 = arith.constant 6 : i32
    %swap3A_1416 = arith.index_cast %swap3A_1415 : i32 to index
    %swap3A_1417 = arith.constant 48 : index
    %swap3A_1418 = tpu.vector_load %arg15[%swap3A_1416, %swap3A_1417] {strides = array<i32>} : memref<8x128xf32, #tpu.memory_space<vmem>>, vector<16xf32>,
    tpu.vector_store %arg15[%swap3A_1416, %swap3A_1417], %broadcast_in_dim3A_1414 {strides = array<i32>} : memref<8x128xf32, #tpu.memory_space<vmem>>, vector<16xf32>,
    %broadcast_in_dim3A_1419 = arith.constant 0.000000e+00 : f32
    %broadcast_in_dim3A_1420 = vector.broadcast %broadcast_in_dim3A_1419 : f32 to vector<16xf32>
    %swap3A_1421 = arith.constant 6 : i32
    %swap3A_1422 = arith.index_cast %swap3A_1421 : i32 to index
    %swap3A_1423 = arith.constant 64 : index
    %swap3A_1424 = tpu.vector_load %arg15[%swap3A_1422, %swap3A_1423] {strides = array<i32>} : memref<8x128xf32, #tpu.memory_space<vmem>>, vector<16xf32>,
    tpu.vector_store %arg15[%swap3A_1422, %swap3A_1423], %broadcast_in_dim3A_1420 {strides = array<i32>} : memref<8x128xf32, #tpu.memory_space<vmem>>, vector<16xf32>,
    %broadcast_in_dim3A_1425 = arith.constant 0.000000e+00 : f32
    %broadcast_in_dim3A_1426 = vector.broadcast %broadcast_in_dim3A_1425 : f32 to vector<16xf32>
    %swap3A_1427 = arith.constant 6 : i32
    %swap3A_1428 = arith.index_cast %swap3A_1427 : i32 to index
    %swap3A_1429 = arith.constant 80 : index
    %swap3A_1430 = tpu.vector_load %arg15[%swap3A_1428, %swap3A_1429] {strides = array<i32>} : memref<8x128xf32, #tpu.memory_space<vmem>>, vector<16xf32>,
    tpu.vector_store %arg15[%swap3A_1428, %swap3A_1429], %broadcast_in_dim3A_1426 {strides = array<i32>} : memref<8x128xf32, #tpu.memory_space<vmem>>, vector<16xf32>,
    %broadcast_in_dim3A_1431 = arith.constant 0.000000e+00 : f32
    %broadcast_in_dim3A_1432 = vector.broadcast %broadcast_in_dim3A_1431 : f32 to vector<16xf32>
    %swap3A_1433 = arith.constant 6 : i32
    %swap3A_1434 = arith.index_cast %swap3A_1433 : i32 to index
    %swap3A_1435 = arith.constant 96 : index
    %swap3A_1436 = tpu.vector_load %arg15[%swap3A_1434, %swap3A_1435] {strides = array<i32>} : memref<8x128xf32, #tpu.memory_space<vmem>>, vector<16xf32>,
    tpu.vector_store %arg15[%swap3A_1434, %swap3A_1435], %broadcast_in_dim3A_1432 {strides = array<i32>} : memref<8x128xf32, #tpu.memory_space<vmem>>, vector<16xf32>,
    %broadcast_in_dim3A_1437 = arith.constant 0.000000e+00 : f32
    %broadcast_in_dim3A_1438 = vector.broadcast %broadcast_in_dim3A_1437 : f32 to vector<16xf32>
    %swap3A_1439 = arith.constant 6 : i32
    %swap3A_1440 = arith.index_cast %swap3A_1439 : i32 to index
    %swap3A_1441 = arith.constant 112 : index
    %swap3A_1442 = tpu.vector_load %arg15[%swap3A_1440, %swap3A_1441] {strides = array<i32>} : memref<8x128xf32, #tpu.memory_space<vmem>>, vector<16xf32>,
    tpu.vector_store %arg15[%swap3A_1440, %swap3A_1441], %broadcast_in_dim3A_1438 {strides = array<i32>} : memref<8x128xf32, #tpu.memory_space<vmem>>, vector<16xf32>,
    %broadcast_in_dim3A_1443 = arith.constant 0.000000e+00 : f32
    %broadcast_in_dim3A_1444 = vector.broadcast %broadcast_in_dim3A_1443 : f32 to vector<16xf32>
    %swap3A_1445 = arith.constant 7 : i32
    %swap3A_1446 = arith.index_cast %swap3A_1445 : i32 to index
    %swap3A_1447 = arith.constant 0 : index
    %swap3A_1448 = tpu.vector_load %arg14[%swap3A_1446, %swap3A_1447] {strides = array<i32>} : memref<8x128xf32, #tpu.memory_space<vmem>>, vector<16xf32>,
    tpu.vector_store %arg14[%swap3A_1446, %swap3A_1447], %broadcast_in_dim3A_1444 {strides = array<i32>} : memref<8x128xf32, #tpu.memory_space<vmem>>, vector<16xf32>,
    %broadcast_in_dim3A_1449 = arith.constant 0.000000e+00 : f32
    %broadcast_in_dim3A_1450 = vector.broadcast %broadcast_in_dim3A_1449 : f32 to vector<16xf32>
    %swap3A_1451 = arith.constant 7 : i32
    %swap3A_1452 = arith.index_cast %swap3A_1451 : i32 to index
    %swap3A_1453 = arith.constant 16 : index
    %swap3A_1454 = tpu.vector_load %arg14[%swap3A_1452, %swap3A_1453] {strides = array<i32>} : memref<8x128xf32, #tpu.memory_space<vmem>>, vector<16xf32>,
    tpu.vector_store %arg14[%swap3A_1452, %swap3A_1453], %broadcast_in_dim3A_1450 {strides = array<i32>} : memref<8x128xf32, #tpu.memory_space<vmem>>, vector<16xf32>,
    %broadcast_in_dim3A_1455 = arith.constant 0.000000e+00 : f32
    %broadcast_in_dim3A_1456 = vector.broadcast %broadcast_in_dim3A_1455 : f32 to vector<16xf32>
    %swap3A_1457 = arith.constant 7 : i32
    %swap3A_1458 = arith.index_cast %swap3A_1457 : i32 to index
    %swap3A_1459 = arith.constant 32 : index
    %swap3A_1460 = tpu.vector_load %arg14[%swap3A_1458, %swap3A_1459] {strides = array<i32>} : memref<8x128xf32, #tpu.memory_space<vmem>>, vector<16xf32>,
    tpu.vector_store %arg14[%swap3A_1458, %swap3A_1459], %broadcast_in_dim3A_1456 {strides = array<i32>} : memref<8x128xf32, #tpu.memory_space<vmem>>, vector<16xf32>,
    %broadcast_in_dim3A_1461 = arith.constant 0.000000e+00 : f32
    %broadcast_in_dim3A_1462 = vector.broadcast %broadcast_in_dim3A_1461 : f32 to vector<16xf32>
    %swap3A_1463 = arith.constant 7 : i32
    %swap3A_1464 = arith.index_cast %swap3A_1463 : i32 to index
    %swap3A_1465 = arith.constant 48 : index
    %swap3A_1466 = tpu.vector_load %arg14[%swap3A_1464, %swap3A_1465] {strides = array<i32>} : memref<8x128xf32, #tpu.memory_space<vmem>>, vector<16xf32>,
    tpu.vector_store %arg14[%swap3A_1464, %swap3A_1465], %broadcast_in_dim3A_1462 {strides = array<i32>} : memref<8x128xf32, #tpu.memory_space<vmem>>, vector<16xf32>,
    %broadcast_in_dim3A_1467 = arith.constant 0.000000e+00 : f32
    %broadcast_in_dim3A_1468 = vector.broadcast %broadcast_in_dim3A_1467 : f32 to vector<16xf32>
    %swap3A_1469 = arith.constant 7 : i32
    %swap3A_1470 = arith.index_cast %swap3A_1469 : i32 to index
    %swap3A_1471 = arith.constant 64 : index
    %swap3A_1472 = tpu.vector_load %arg14[%swap3A_1470, %swap3A_1471] {strides = array<i32>} : memref<8x128xf32, #tpu.memory_space<vmem>>, vector<16xf32>,
    tpu.vector_store %arg14[%swap3A_1470, %swap3A_1471], %broadcast_in_dim3A_1468 {strides = array<i32>} : memref<8x128xf32, #tpu.memory_space<vmem>>, vector<16xf32>,
    %broadcast_in_dim3A_1473 = arith.constant 0.000000e+00 : f32
    %broadcast_in_dim3A_1474 = vector.broadcast %broadcast_in_dim3A_1473 : f32 to vector<16xf32>
    %swap3A_1475 = arith.constant 7 : i32
    %swap3A_1476 = arith.index_cast %swap3A_1475 : i32 to index
    %swap3A_1477 = arith.constant 80 : index
    %swap3A_1478 = tpu.vector_load %arg14[%swap3A_1476, %swap3A_1477] {strides = array<i32>} : memref<8x128xf32, #tpu.memory_space<vmem>>, vector<16xf32>,
    tpu.vector_store %arg14[%swap3A_1476, %swap3A_1477], %broadcast_in_dim3A_1474 {strides = array<i32>} : memref<8x128xf32, #tpu.memory_space<vmem>>, vector<16xf32>,
    %broadcast_in_dim3A_1479 = arith.constant 0.000000e+00 : f32
    %broadcast_in_dim3A_1480 = vector.broadcast %broadcast_in_dim3A_1479 : f32 to vector<16xf32>
    %swap3A_1481 = arith.constant 7 : i32
    %swap3A_1482 = arith.index_cast %swap3A_1481 : i32 to index
    %swap3A_1483 = arith.constant 96 : index
    %swap3A_1484 = tpu.vector_load %arg14[%swap3A_1482, %swap3A_1483] {strides = array<i32>} : memref<8x128xf32, #tpu.memory_space<vmem>>, vector<16xf32>,
    tpu.vector_store %arg14[%swap3A_1482, %swap3A_1483], %broadcast_in_dim3A_1480 {strides = array<i32>} : memref<8x128xf32, #tpu.memory_space<vmem>>, vector<16xf32>,
    %broadcast_in_dim3A_1485 = arith.constant 0.000000e+00 : f32
    %broadcast_in_dim3A_1486 = vector.broadcast %broadcast_in_dim3A_1485 : f32 to vector<16xf32>
    %swap3A_1487 = arith.constant 7 : i32
    %swap3A_1488 = arith.index_cast %swap3A_1487 : i32 to index
    %swap3A_1489 = arith.constant 112 : index
    %swap3A_1490 = tpu.vector_load %arg14[%swap3A_1488, %swap3A_1489] {strides = array<i32>} : memref<8x128xf32, #tpu.memory_space<vmem>>, vector<16xf32>,
    tpu.vector_store %arg14[%swap3A_1488, %swap3A_1489], %broadcast_in_dim3A_1486 {strides = array<i32>} : memref<8x128xf32, #tpu.memory_space<vmem>>, vector<16xf32>,
    %broadcast_in_dim3A_1491 = arith.constant 0.000000e+00 : f32
    %broadcast_in_dim3A_1492 = vector.broadcast %broadcast_in_dim3A_1491 : f32 to vector<16xf32>
    %swap3A_1493 = arith.constant 7 : i32
    %swap3A_1494 = arith.index_cast %swap3A_1493 : i32 to index
    %swap3A_1495 = arith.constant 0 : index
    %swap3A_1496 = tpu.vector_load %arg15[%swap3A_1494, %swap3A_1495] {strides = array<i32>} : memref<8x128xf32, #tpu.memory_space<vmem>>, vector<16xf32>,
    tpu.vector_store %arg15[%swap3A_1494, %swap3A_1495], %broadcast_in_dim3A_1492 {strides = array<i32>} : memref<8x128xf32, #tpu.memory_space<vmem>>, vector<16xf32>,
    %broadcast_in_dim3A_1497 = arith.constant 0.000000e+00 : f32
    %broadcast_in_dim3A_1498 = vector.broadcast %broadcast_in_dim3A_1497 : f32 to vector<16xf32>
    %swap3A_1499 = arith.constant 7 : i32
    %swap3A_1500 = arith.index_cast %swap3A_1499 : i32 to index
    %swap3A_1501 = arith.constant 16 : index
    %swap3A_1502 = tpu.vector_load %arg15[%swap3A_1500, %swap3A_1501] {strides = array<i32>} : memref<8x128xf32, #tpu.memory_space<vmem>>, vector<16xf32>,
    tpu.vector_store %arg15[%swap3A_1500, %swap3A_1501], %broadcast_in_dim3A_1498 {strides = array<i32>} : memref<8x128xf32, #tpu.memory_space<vmem>>, vector<16xf32>,
    %broadcast_in_dim3A_1503 = arith.constant 0.000000e+00 : f32
    %broadcast_in_dim3A_1504 = vector.broadcast %broadcast_in_dim3A_1503 : f32 to vector<16xf32>
    %swap3A_1505 = arith.constant 7 : i32
    %swap3A_1506 = arith.index_cast %swap3A_1505 : i32 to index
    %swap3A_1507 = arith.constant 32 : index
    %swap3A_1508 = tpu.vector_load %arg15[%swap3A_1506, %swap3A_1507] {strides = array<i32>} : memref<8x128xf32, #tpu.memory_space<vmem>>, vector<16xf32>,
    tpu.vector_store %arg15[%swap3A_1506, %swap3A_1507], %broadcast_in_dim3A_1504 {strides = array<i32>} : memref<8x128xf32, #tpu.memory_space<vmem>>, vector<16xf32>,
    %broadcast_in_dim3A_1509 = arith.constant 0.000000e+00 : f32
    %broadcast_in_dim3A_1510 = vector.broadcast %broadcast_in_dim3A_1509 : f32 to vector<16xf32>
    %swap3A_1511 = arith.constant 7 : i32
    %swap3A_1512 = arith.index_cast %swap3A_1511 : i32 to index
    %swap3A_1513 = arith.constant 48 : index
    %swap3A_1514 = tpu.vector_load %arg15[%swap3A_1512, %swap3A_1513] {strides = array<i32>} : memref<8x128xf32, #tpu.memory_space<vmem>>, vector<16xf32>,
    tpu.vector_store %arg15[%swap3A_1512, %swap3A_1513], %broadcast_in_dim3A_1510 {strides = array<i32>} : memref<8x128xf32, #tpu.memory_space<vmem>>, vector<16xf32>,
    %broadcast_in_dim3A_1515 = arith.constant 0.000000e+00 : f32
    %broadcast_in_dim3A_1516 = vector.broadcast %broadcast_in_dim3A_1515 : f32 to vector<16xf32>
    %swap3A_1517 = arith.constant 7 : i32
    %swap3A_1518 = arith.index_cast %swap3A_1517 : i32 to index
    %swap3A_1519 = arith.constant 64 : index
    %swap3A_1520 = tpu.vector_load %arg15[%swap3A_1518, %swap3A_1519] {strides = array<i32>} : memref<8x128xf32, #tpu.memory_space<vmem>>, vector<16xf32>,
    tpu.vector_store %arg15[%swap3A_1518, %swap3A_1519], %broadcast_in_dim3A_1516 {strides = array<i32>} : memref<8x128xf32, #tpu.memory_space<vmem>>, vector<16xf32>,
    %broadcast_in_dim3A_1521 = arith.constant 0.000000e+00 : f32
    %broadcast_in_dim3A_1522 = vector.broadcast %broadcast_in_dim3A_1521 : f32 to vector<16xf32>
    %swap3A_1523 = arith.constant 7 : i32
    %swap3A_1524 = arith.index_cast %swap3A_1523 : i32 to index
    %swap3A_1525 = arith.constant 80 : index
    %swap3A_1526 = tpu.vector_load %arg15[%swap3A_1524, %swap3A_1525] {strides = array<i32>} : memref<8x128xf32, #tpu.memory_space<vmem>>, vector<16xf32>,
    tpu.vector_store %arg15[%swap3A_1524, %swap3A_1525], %broadcast_in_dim3A_1522 {strides = array<i32>} : memref<8x128xf32, #tpu.memory_space<vmem>>, vector<16xf32>,
    %broadcast_in_dim3A_1527 = arith.constant 0.000000e+00 : f32
    %broadcast_in_dim3A_1528 = vector.broadcast %broadcast_in_dim3A_1527 : f32 to vector<16xf32>
    %swap3A_1529 = arith.constant 7 : i32
    %swap3A_1530 = arith.index_cast %swap3A_1529 : i32 to index
    %swap3A_1531 = arith.constant 96 : index
    %swap3A_1532 = tpu.vector_load %arg15[%swap3A_1530, %swap3A_1531] {strides = array<i32>} : memref<8x128xf32, #tpu.memory_space<vmem>>, vector<16xf32>,
    tpu.vector_store %arg15[%swap3A_1530, %swap3A_1531], %broadcast_in_dim3A_1528 {strides = array<i32>} : memref<8x128xf32, #tpu.memory_space<vmem>>, vector<16xf32>,
    %broadcast_in_dim3A_1533 = arith.constant 0.000000e+00 : f32
    %broadcast_in_dim3A_1534 = vector.broadcast %broadcast_in_dim3A_1533 : f32 to vector<16xf32>
    %swap3A_1535 = arith.constant 7 : i32
    %swap3A_1536 = arith.index_cast %swap3A_1535 : i32 to index
    %swap3A_1537 = arith.constant 112 : index
    %swap3A_1538 = tpu.vector_load %arg15[%swap3A_1536, %swap3A_1537] {strides = array<i32>} : memref<8x128xf32, #tpu.memory_space<vmem>>, vector<16xf32>,
    tpu.vector_store %arg15[%swap3A_1536, %swap3A_1537], %broadcast_in_dim3A_1534 {strides = array<i32>} : memref<8x128xf32, #tpu.memory_space<vmem>>, vector<16xf32>,
    %eq3A = arith.constant 0 : i32
    %eq3A_1539 = arith.cmpi eq, %arg1, %eq3A : i32
    %convert_element_type3A = arith.extui %eq3A_1539 : i1 to i32
    %cond3A = arith.constant 0 : i32
    %cond3A_1540 = arith.cmpi ne, %convert_element_type3A, %cond3A : i32
    scf.if %cond3A_1540 {
      "tpu.region"() ({
        %run_scoped3A = tpu.sem_alloc : memref<!tpu.dma_semaphore, #tpu.memory_space<semaphore_mem>>
        tpu.enqueue_dma source(%arg14 : memref<8x128xf32, #tpu.memory_space<vmem>>) target(%arg16 : memref<8x128xf32, #tpu.memory_space<vmem_shared>>) target_semaphore(%run_scoped3A : memref<!tpu.dma_semaphore, #tpu.memory_space<semaphore_mem>>)
        tpu.wait_dma2 semaphore(%run_scoped3A : memref<!tpu.dma_semaphore, #tpu.memory_space<semaphore_mem>>) src(%arg14 : memref<8x128xf32, #tpu.memory_space<vmem>>) dst(%arg16 : memref<8x128xf32, #tpu.memory_space<vmem_shared>>)
        tpu.yield
      }) : () -> ()
      "tpu.region"() ({
        %run_scoped3A = tpu.sem_alloc : memref<!tpu.dma_semaphore, #tpu.memory_space<semaphore_mem>>
        tpu.enqueue_dma source(%arg15 : memref<8x128xf32, #tpu.memory_space<vmem>>) target(%arg17 : memref<8x128xf32, #tpu.memory_space<vmem_shared>>) target_semaphore(%run_scoped3A : memref<!tpu.dma_semaphore, #tpu.memory_space<semaphore_mem>>)
        tpu.wait_dma2 semaphore(%run_scoped3A : memref<!tpu.dma_semaphore, #tpu.memory_space<semaphore_mem>>) src(%arg15 : memref<8x128xf32, #tpu.memory_space<vmem>>) dst(%arg17 : memref<8x128xf32, #tpu.memory_space<vmem_shared>>)
        tpu.yield
      }) : () -> ()
    } else {
    }
    %barrier3A = arith.constant 0 : index
    tpu.barrier barrier_id(%barrier3A)
    %scan3A = arith.constant 0 : i32
    %scan3A_1541 = arith.constant 0 : i32
    %scan3A_1542 = arith.constant 50 : i32
    %scan3A_1543 = arith.addi %scan3A_1541, %scan3A_1542 : i32
    %scan3A_1544 = arith.constant 1 : i32
    scf.for %scan3A_1552 = %scan3A_1541 to %scan3A_1543 step %scan3A_1544  : i32 {
      %mul3A_1553 = arith.constant 25 : i32
      %mul3A_1554 = arith.muli %scan3A_1552, %mul3A_1553 : i32
      %mul3A_1555 = arith.constant 16 : i32
      %mul3A_1556 = arith.muli %mul3A_1554, %mul3A_1555 : i32
      %get3A = arith.index_cast %mul3A_1556 : i32 to index
      %get3A_1557 = tpu.vector_load %arg7[%get3A] {strides = array<i32>} : memref<20000xi32, #tpu.memory_space<vmem>>, vector<16xi32>,
      %add3A_1558 = arith.constant 1 : i32
      %add3A_1559 = arith.addi %mul3A_1554, %add3A_1558 : i32
      %mul3A_1560 = arith.constant 16 : i32
      %mul3A_1561 = arith.muli %add3A_1559, %mul3A_1560 : i32
      %get3A_1562 = arith.index_cast %mul3A_1561 : i32 to index
      %get3A_1563 = tpu.vector_load %arg7[%get3A_1562] {strides = array<i32>} : memref<20000xi32, #tpu.memory_space<vmem>>, vector<16xi32>,
      %min3A = arith.minsi %get3A_1557, %get3A_1563 : vector<16xi32>
      %add3A_1564 = arith.constant 2 : i32
      %add3A_1565 = arith.addi %mul3A_1554, %add3A_1564 : i32
      %mul3A_1566 = arith.constant 16 : i32
      %mul3A_1567 = arith.muli %add3A_1565, %mul3A_1566 : i32
      %get3A_1568 = arith.index_cast %mul3A_1567 : i32 to index
      %get3A_1569 = tpu.vector_load %arg7[%get3A_1568] {strides = array<i32>} : memref<20000xi32, #tpu.memory_space<vmem>>, vector<16xi32>,
      %min3A_1570 = arith.minsi %min3A, %get3A_1569 : vector<16xi32>
      %add3A_1571 = arith.constant 3 : i32
      %add3A_1572 = arith.addi %mul3A_1554, %add3A_1571 : i32
      %mul3A_1573 = arith.constant 16 : i32
      %mul3A_1574 = arith.muli %add3A_1572, %mul3A_1573 : i32
      %get3A_1575 = arith.index_cast %mul3A_1574 : i32 to index
      %get3A_1576 = tpu.vector_load %arg7[%get3A_1575] {strides = array<i32>} : memref<20000xi32, #tpu.memory_space<vmem>>, vector<16xi32>,
      %min3A_1577 = arith.minsi %min3A_1570, %get3A_1576 : vector<16xi32>
      %add3A_1578 = arith.constant 4 : i32
      %add3A_1579 = arith.addi %mul3A_1554, %add3A_1578 : i32
      %mul3A_1580 = arith.constant 16 : i32
      %mul3A_1581 = arith.muli %add3A_1579, %mul3A_1580 : i32
      %get3A_1582 = arith.index_cast %mul3A_1581 : i32 to index
      %get3A_1583 = tpu.vector_load %arg7[%get3A_1582] {strides = array<i32>} : memref<20000xi32, #tpu.memory_space<vmem>>, vector<16xi32>,
      %min3A_1584 = arith.minsi %min3A_1577, %get3A_1583 : vector<16xi32>
      %add3A_1585 = arith.constant 5 : i32
      %add3A_1586 = arith.addi %mul3A_1554, %add3A_1585 : i32
      %mul3A_1587 = arith.constant 16 : i32
      %mul3A_1588 = arith.muli %add3A_1586, %mul3A_1587 : i32
      %get3A_1589 = arith.index_cast %mul3A_1588 : i32 to index
      %get3A_1590 = tpu.vector_load %arg7[%get3A_1589] {strides = array<i32>} : memref<20000xi32, #tpu.memory_space<vmem>>, vector<16xi32>,
      %min3A_1591 = arith.minsi %min3A_1584, %get3A_1590 : vector<16xi32>
      %add3A_1592 = arith.constant 6 : i32
      %add3A_1593 = arith.addi %mul3A_1554, %add3A_1592 : i32
      %mul3A_1594 = arith.constant 16 : i32
      %mul3A_1595 = arith.muli %add3A_1593, %mul3A_1594 : i32
      %get3A_1596 = arith.index_cast %mul3A_1595 : i32 to index
      %get3A_1597 = tpu.vector_load %arg7[%get3A_1596] {strides = array<i32>} : memref<20000xi32, #tpu.memory_space<vmem>>, vector<16xi32>,
      %min3A_1598 = arith.minsi %min3A_1591, %get3A_1597 : vector<16xi32>
      %add3A_1599 = arith.constant 7 : i32
      %add3A_1600 = arith.addi %mul3A_1554, %add3A_1599 : i32
      %mul3A_1601 = arith.constant 16 : i32
      %mul3A_1602 = arith.muli %add3A_1600, %mul3A_1601 : i32
      %get3A_1603 = arith.index_cast %mul3A_1602 : i32 to index
      %get3A_1604 = tpu.vector_load %arg7[%get3A_1603] {strides = array<i32>} : memref<20000xi32, #tpu.memory_space<vmem>>, vector<16xi32>,
      %min3A_1605 = arith.minsi %min3A_1598, %get3A_1604 : vector<16xi32>
      %add3A_1606 = arith.constant 8 : i32
      %add3A_1607 = arith.addi %mul3A_1554, %add3A_1606 : i32
      %mul3A_1608 = arith.constant 16 : i32
      %mul3A_1609 = arith.muli %add3A_1607, %mul3A_1608 : i32
      %get3A_1610 = arith.index_cast %mul3A_1609 : i32 to index
      %get3A_1611 = tpu.vector_load %arg7[%get3A_1610] {strides = array<i32>} : memref<20000xi32, #tpu.memory_space<vmem>>, vector<16xi32>,
      %min3A_1612 = arith.minsi %min3A_1605, %get3A_1611 : vector<16xi32>
      %add3A_1613 = arith.constant 9 : i32
      %add3A_1614 = arith.addi %mul3A_1554, %add3A_1613 : i32
      %mul3A_1615 = arith.constant 16 : i32
      %mul3A_1616 = arith.muli %add3A_1614, %mul3A_1615 : i32
      %get3A_1617 = arith.index_cast %mul3A_1616 : i32 to index
      %get3A_1618 = tpu.vector_load %arg7[%get3A_1617] {strides = array<i32>} : memref<20000xi32, #tpu.memory_space<vmem>>, vector<16xi32>,
      %min3A_1619 = arith.minsi %min3A_1612, %get3A_1618 : vector<16xi32>
      %add3A_1620 = arith.constant 10 : i32
      %add3A_1621 = arith.addi %mul3A_1554, %add3A_1620 : i32
      %mul3A_1622 = arith.constant 16 : i32
      %mul3A_1623 = arith.muli %add3A_1621, %mul3A_1622 : i32
      %get3A_1624 = arith.index_cast %mul3A_1623 : i32 to index
      %get3A_1625 = tpu.vector_load %arg7[%get3A_1624] {strides = array<i32>} : memref<20000xi32, #tpu.memory_space<vmem>>, vector<16xi32>,
      %min3A_1626 = arith.minsi %min3A_1619, %get3A_1625 : vector<16xi32>
      %add3A_1627 = arith.constant 11 : i32
      %add3A_1628 = arith.addi %mul3A_1554, %add3A_1627 : i32
      %mul3A_1629 = arith.constant 16 : i32
      %mul3A_1630 = arith.muli %add3A_1628, %mul3A_1629 : i32
      %get3A_1631 = arith.index_cast %mul3A_1630 : i32 to index
      %get3A_1632 = tpu.vector_load %arg7[%get3A_1631] {strides = array<i32>} : memref<20000xi32, #tpu.memory_space<vmem>>, vector<16xi32>,
      %min3A_1633 = arith.minsi %min3A_1626, %get3A_1632 : vector<16xi32>
      %add3A_1634 = arith.constant 12 : i32
      %add3A_1635 = arith.addi %mul3A_1554, %add3A_1634 : i32
      %mul3A_1636 = arith.constant 16 : i32
      %mul3A_1637 = arith.muli %add3A_1635, %mul3A_1636 : i32
      %get3A_1638 = arith.index_cast %mul3A_1637 : i32 to index
      %get3A_1639 = tpu.vector_load %arg7[%get3A_1638] {strides = array<i32>} : memref<20000xi32, #tpu.memory_space<vmem>>, vector<16xi32>,
      %min3A_1640 = arith.minsi %min3A_1633, %get3A_1639 : vector<16xi32>
      %add3A_1641 = arith.constant 13 : i32
      %add3A_1642 = arith.addi %mul3A_1554, %add3A_1641 : i32
      %mul3A_1643 = arith.constant 16 : i32
      %mul3A_1644 = arith.muli %add3A_1642, %mul3A_1643 : i32
      %get3A_1645 = arith.index_cast %mul3A_1644 : i32 to index
      %get3A_1646 = tpu.vector_load %arg7[%get3A_1645] {strides = array<i32>} : memref<20000xi32, #tpu.memory_space<vmem>>, vector<16xi32>,
      %min3A_1647 = arith.minsi %min3A_1640, %get3A_1646 : vector<16xi32>
      %add3A_1648 = arith.constant 14 : i32
      %add3A_1649 = arith.addi %mul3A_1554, %add3A_1648 : i32
      %mul3A_1650 = arith.constant 16 : i32
      %mul3A_1651 = arith.muli %add3A_1649, %mul3A_1650 : i32
      %get3A_1652 = arith.index_cast %mul3A_1651 : i32 to index
      %get3A_1653 = tpu.vector_load %arg7[%get3A_1652] {strides = array<i32>} : memref<20000xi32, #tpu.memory_space<vmem>>, vector<16xi32>,
      %min3A_1654 = arith.minsi %min3A_1647, %get3A_1653 : vector<16xi32>
      %add3A_1655 = arith.constant 15 : i32
      %add3A_1656 = arith.addi %mul3A_1554, %add3A_1655 : i32
      %mul3A_1657 = arith.constant 16 : i32
      %mul3A_1658 = arith.muli %add3A_1656, %mul3A_1657 : i32
      %get3A_1659 = arith.index_cast %mul3A_1658 : i32 to index
      %get3A_1660 = tpu.vector_load %arg7[%get3A_1659] {strides = array<i32>} : memref<20000xi32, #tpu.memory_space<vmem>>, vector<16xi32>,
      %min3A_1661 = arith.minsi %min3A_1654, %get3A_1660 : vector<16xi32>
      %add3A_1662 = arith.constant 16 : i32
      %add3A_1663 = arith.addi %mul3A_1554, %add3A_1662 : i32
      %mul3A_1664 = arith.constant 16 : i32
      %mul3A_1665 = arith.muli %add3A_1663, %mul3A_1664 : i32
      %get3A_1666 = arith.index_cast %mul3A_1665 : i32 to index
      %get3A_1667 = tpu.vector_load %arg7[%get3A_1666] {strides = array<i32>} : memref<20000xi32, #tpu.memory_space<vmem>>, vector<16xi32>,
      %min3A_1668 = arith.minsi %min3A_1661, %get3A_1667 : vector<16xi32>
      %add3A_1669 = arith.constant 17 : i32
      %add3A_1670 = arith.addi %mul3A_1554, %add3A_1669 : i32
      %mul3A_1671 = arith.constant 16 : i32
      %mul3A_1672 = arith.muli %add3A_1670, %mul3A_1671 : i32
      %get3A_1673 = arith.index_cast %mul3A_1672 : i32 to index
      %get3A_1674 = tpu.vector_load %arg7[%get3A_1673] {strides = array<i32>} : memref<20000xi32, #tpu.memory_space<vmem>>, vector<16xi32>,
      %min3A_1675 = arith.minsi %min3A_1668, %get3A_1674 : vector<16xi32>
      %add3A_1676 = arith.constant 18 : i32
      %add3A_1677 = arith.addi %mul3A_1554, %add3A_1676 : i32
      %mul3A_1678 = arith.constant 16 : i32
      %mul3A_1679 = arith.muli %add3A_1677, %mul3A_1678 : i32
      %get3A_1680 = arith.index_cast %mul3A_1679 : i32 to index
      %get3A_1681 = tpu.vector_load %arg7[%get3A_1680] {strides = array<i32>} : memref<20000xi32, #tpu.memory_space<vmem>>, vector<16xi32>,
      %min3A_1682 = arith.minsi %min3A_1675, %get3A_1681 : vector<16xi32>
      %add3A_1683 = arith.constant 19 : i32
      %add3A_1684 = arith.addi %mul3A_1554, %add3A_1683 : i32
      %mul3A_1685 = arith.constant 16 : i32
      %mul3A_1686 = arith.muli %add3A_1684, %mul3A_1685 : i32
      %get3A_1687 = arith.index_cast %mul3A_1686 : i32 to index
      %get3A_1688 = tpu.vector_load %arg7[%get3A_1687] {strides = array<i32>} : memref<20000xi32, #tpu.memory_space<vmem>>, vector<16xi32>,
      %min3A_1689 = arith.minsi %min3A_1682, %get3A_1688 : vector<16xi32>
      %add3A_1690 = arith.constant 20 : i32
      %add3A_1691 = arith.addi %mul3A_1554, %add3A_1690 : i32
      %mul3A_1692 = arith.constant 16 : i32
      %mul3A_1693 = arith.muli %add3A_1691, %mul3A_1692 : i32
      %get3A_1694 = arith.index_cast %mul3A_1693 : i32 to index
      %get3A_1695 = tpu.vector_load %arg7[%get3A_1694] {strides = array<i32>} : memref<20000xi32, #tpu.memory_space<vmem>>, vector<16xi32>,
      %min3A_1696 = arith.minsi %min3A_1689, %get3A_1695 : vector<16xi32>
      %add3A_1697 = arith.constant 21 : i32
      %add3A_1698 = arith.addi %mul3A_1554, %add3A_1697 : i32
      %mul3A_1699 = arith.constant 16 : i32
      %mul3A_1700 = arith.muli %add3A_1698, %mul3A_1699 : i32
      %get3A_1701 = arith.index_cast %mul3A_1700 : i32 to index
      %get3A_1702 = tpu.vector_load %arg7[%get3A_1701] {strides = array<i32>} : memref<20000xi32, #tpu.memory_space<vmem>>, vector<16xi32>,
      %min3A_1703 = arith.minsi %min3A_1696, %get3A_1702 : vector<16xi32>
      %add3A_1704 = arith.constant 22 : i32
      %add3A_1705 = arith.addi %mul3A_1554, %add3A_1704 : i32
      %mul3A_1706 = arith.constant 16 : i32
      %mul3A_1707 = arith.muli %add3A_1705, %mul3A_1706 : i32
      %get3A_1708 = arith.index_cast %mul3A_1707 : i32 to index
      %get3A_1709 = tpu.vector_load %arg7[%get3A_1708] {strides = array<i32>} : memref<20000xi32, #tpu.memory_space<vmem>>, vector<16xi32>,
      %min3A_1710 = arith.minsi %min3A_1703, %get3A_1709 : vector<16xi32>
      %add3A_1711 = arith.constant 23 : i32
      %add3A_1712 = arith.addi %mul3A_1554, %add3A_1711 : i32
      %mul3A_1713 = arith.constant 16 : i32
      %mul3A_1714 = arith.muli %add3A_1712, %mul3A_1713 : i32
      %get3A_1715 = arith.index_cast %mul3A_1714 : i32 to index
      %get3A_1716 = tpu.vector_load %arg7[%get3A_1715] {strides = array<i32>} : memref<20000xi32, #tpu.memory_space<vmem>>, vector<16xi32>,
      %min3A_1717 = arith.minsi %min3A_1710, %get3A_1716 : vector<16xi32>
      %add3A_1718 = arith.constant 24 : i32
      %add3A_1719 = arith.addi %mul3A_1554, %add3A_1718 : i32
      %mul3A_1720 = arith.constant 16 : i32
      %mul3A_1721 = arith.muli %add3A_1719, %mul3A_1720 : i32
      %get3A_1722 = arith.index_cast %mul3A_1721 : i32 to index
      %get3A_1723 = tpu.vector_load %arg7[%get3A_1722] {strides = array<i32>} : memref<20000xi32, #tpu.memory_space<vmem>>, vector<16xi32>,
      %min3A_1724 = arith.minsi %min3A_1717, %get3A_1723 : vector<16xi32>
      %eq3A_1725 = arith.constant 0 : i32
      %eq3A_1726 = vector.broadcast %eq3A_1725 : i32 to vector<16xi32>
      %eq3A_1727 = arith.cmpi eq, %min3A_1724, %eq3A_1726 : vector<16xi32>
      %all_reduce_population_count3A = tpu.all_reduce %eq3A_1727 {dim = 0 : i64, kind = #tpu.reduction_kind<sum>} : vector<16xi1> -> vector<16xi32>
      %reduce_max3A = arith.constant true
      %reduce_max3A_1728 = vector.broadcast %reduce_max3A : i1 to vector<16xi1>
      %reduce_max3A_1729 = arith.constant -2147483648 : i32
      %reduce_max3A_1730 = vector.broadcast %reduce_max3A_1729 : i32 to vector<16xi32>
      %reduce_max3A_1731 = arith.xori %all_reduce_population_count3A, %reduce_max3A_1730 : vector<16xi32>
      %reduce_max3A_1732 = tpu.scan <max>, %reduce_max3A_1731 masked %reduce_max3A_1728 : vector<16xi32>, vector<16xi1> -> vector<16xi32>
      %reduce_max3A_1733 = arith.xori %reduce_max3A_1732, %reduce_max3A_1730 : vector<16xi32>
      %reduce_max3A_1734 = vector.extract %reduce_max3A_1733[15] : i32 from vector<16xi32>
      %gt3A = arith.constant 0 : i32
      %gt3A_1735 = arith.cmpi sgt, %reduce_max3A_1734, %gt3A : i32
      %convert_element_type3A_1736 = arith.extui %gt3A_1735 : i1 to i32
      %cond3A_1737 = arith.constant 0 : i32
      %cond3A_1738 = arith.cmpi ne, %convert_element_type3A_1736, %cond3A_1737 : i32
      scf.if %cond3A_1738 {
        %add3A_1739 = arith.constant 25 : i32
        %add3A_1740 = arith.addi %mul3A_1554, %add3A_1739 : i32
        %while3A = arith.constant 0 : i32
        %while3A_1741 = arith.subi %add3A_1740, %mul3A_1554 : i32
        %while3A_1742 = arith.addi %mul3A_1554, %while3A_1741 : i32
        %while3A_1743 = arith.constant 1 : i32
        %while3A_1744 = arith.divsi %while3A_1741, %while3A_1743 : i32
        %while3A_1745 = arith.muli %while3A_1744, %while3A_1743 : i32
        %while3A_1746 = arith.addi %mul3A_1554, %while3A_1745 : i32
        %while3A_1747 = arith.constant 1 : i32
        scf.for %while3A_1749 = %mul3A_1554 to %while3A_1746 step %while3A_1747  : i32 {
          %mul3A_1750 = arith.constant 16 : i32
          %mul3A_1751 = arith.muli %while3A_1749, %mul3A_1750 : i32
          %get3A_1752 = arith.index_cast %mul3A_1751 : i32 to index
          %get3A_1753 = tpu.vector_load %arg7[%get3A_1752] {strides = array<i32>} : memref<20000xi32, #tpu.memory_space<vmem>>, vector<16xi32>,
          %eq3A_1754 = arith.constant 0 : i32
          %eq3A_1755 = vector.broadcast %eq3A_1754 : i32 to vector<16xi32>
          %eq3A_1756 = arith.cmpi eq, %get3A_1753, %eq3A_1755 : vector<16xi32>
          %all_reduce_population_count3A_1757 = tpu.all_reduce %eq3A_1756 {dim = 0 : i64, kind = #tpu.reduction_kind<sum>} : vector<16xi1> -> vector<16xi32>
          %reduce_max3A_1758 = arith.constant true
          %reduce_max3A_1759 = vector.broadcast %reduce_max3A_1758 : i1 to vector<16xi1>
          %reduce_max3A_1760 = arith.constant -2147483648 : i32
          %reduce_max3A_1761 = vector.broadcast %reduce_max3A_1760 : i32 to vector<16xi32>
          %reduce_max3A_1762 = arith.xori %all_reduce_population_count3A_1757, %reduce_max3A_1761 : vector<16xi32>
          %reduce_max3A_1763 = tpu.scan <max>, %reduce_max3A_1762 masked %reduce_max3A_1759 : vector<16xi32>, vector<16xi1> -> vector<16xi32>
          %reduce_max3A_1764 = arith.xori %reduce_max3A_1763, %reduce_max3A_1761 : vector<16xi32>
          %reduce_max3A_1765 = vector.extract %reduce_max3A_1764[15] : i32 from vector<16xi32>
          %gt3A_1766 = arith.constant 0 : i32
          %gt3A_1767 = arith.cmpi sgt, %reduce_max3A_1765, %gt3A_1766 : i32
          %convert_element_type3A_1768 = arith.extui %gt3A_1767 : i1 to i32
          %cond3A_1769 = arith.constant 0 : i32
          %cond3A_1770 = arith.cmpi ne, %convert_element_type3A_1768, %cond3A_1769 : i32
          scf.if %cond3A_1770 {
            %mul3A_1771 = arith.constant 16 : i32
            %mul3A_1772 = arith.muli %while3A_1749, %mul3A_1771 : i32
            %add3A_1773 = arith.addi %mul3A_2, %mul3A_1772 : i32
            "tpu.region"() ({
              %run_scoped3A = tpu.sem_alloc : memref<!tpu.dma_semaphore, #tpu.memory_space<semaphore_mem>>
              %dma_start3A_1790 = tpu.memref_slice %arg2[%add3A_1773] : memref<640000xi32, #tpu.memory_space<hbm>> -> memref<16xi32, #tpu.memory_space<hbm>>
              %dma_start3A_1791 = tpu.memref_slice %arg2[%add3A_1773] : memref<640000xi32, #tpu.memory_space<hbm>> -> memref<16xi32, #tpu.memory_space<hbm>>
              tpu.enqueue_dma source(%dma_start3A_1791 : memref<16xi32, #tpu.memory_space<hbm>>) target(%arg8 : memref<16xi32, #tpu.memory_space<vmem>>) target_semaphore(%run_scoped3A : memref<!tpu.dma_semaphore, #tpu.memory_space<semaphore_mem>>)
              %dma_wait3A_1792 = tpu.memref_slice %arg2[%add3A_1773] : memref<640000xi32, #tpu.memory_space<hbm>> -> memref<16xi32, #tpu.memory_space<hbm>>
              %dma_wait3A_1793 = tpu.memref_slice %arg2[%add3A_1773] : memref<640000xi32, #tpu.memory_space<hbm>> -> memref<16xi32, #tpu.memory_space<hbm>>
              tpu.wait_dma2 semaphore(%run_scoped3A : memref<!tpu.dma_semaphore, #tpu.memory_space<semaphore_mem>>) src(%dma_wait3A_1793 : memref<16xi32, #tpu.memory_space<hbm>>) dst(%arg8 : memref<16xi32, #tpu.memory_space<vmem>>)
              tpu.yield
            }) : () -> ()
            "tpu.region"() ({
              %run_scoped3A = tpu.sem_alloc : memref<!tpu.dma_semaphore, #tpu.memory_space<semaphore_mem>>
              %dma_start3A_1790 = tpu.memref_slice %arg3[%add3A_1773] : memref<320000xi32, #tpu.memory_space<hbm>> -> memref<16xi32, #tpu.memory_space<hbm>>
              %dma_start3A_1791 = tpu.memref_slice %arg3[%add3A_1773] : memref<320000xi32, #tpu.memory_space<hbm>> -> memref<16xi32, #tpu.memory_space<hbm>>
              tpu.enqueue_dma source(%dma_start3A_1791 : memref<16xi32, #tpu.memory_space<hbm>>) target(%arg9 : memref<16xi32, #tpu.memory_space<vmem>>) target_semaphore(%run_scoped3A : memref<!tpu.dma_semaphore, #tpu.memory_space<semaphore_mem>>)
              %dma_wait3A_1792 = tpu.memref_slice %arg3[%add3A_1773] : memref<320000xi32, #tpu.memory_space<hbm>> -> memref<16xi32, #tpu.memory_space<hbm>>
              %dma_wait3A_1793 = tpu.memref_slice %arg3[%add3A_1773] : memref<320000xi32, #tpu.memory_space<hbm>> -> memref<16xi32, #tpu.memory_space<hbm>>
              tpu.wait_dma2 semaphore(%run_scoped3A : memref<!tpu.dma_semaphore, #tpu.memory_space<semaphore_mem>>) src(%dma_wait3A_1793 : memref<16xi32, #tpu.memory_space<hbm>>) dst(%arg9 : memref<16xi32, #tpu.memory_space<vmem>>)
              tpu.yield
            }) : () -> ()
            %get3A_1774 = arith.constant 0 : index
            %get3A_1775 = tpu.vector_load %arg8[%get3A_1774] {strides = array<i32>} : memref<16xi32, #tpu.memory_space<vmem>>, vector<16xi32>,
            %jit3A = arith.constant 0 : i32
            %broadcast_in_dim3A_1776 = vector.broadcast %jit3A : i32 to vector<16xi32>
            %select_n3A = arith.select %eq3A_1756, %get3A_1775, %broadcast_in_dim3A_1776 : vector<16xi1>, vector<16xi32>
            %swap3A_1777 = arith.constant 0 : index
            %swap3A_1778 = tpu.vector_load %arg10[%swap3A_1777] {strides = array<i32>} : memref<16xi32, #tpu.memory_space<vmem>>, vector<16xi32>,
            tpu.vector_store %arg10[%swap3A_1777], %select_n3A {strides = array<i32>} : memref<16xi32, #tpu.memory_space<vmem>>, vector<16xi32>,
            %get3A_1779 = arith.constant 0 : index
            %get3A_1780 = tpu.vector_load %arg9[%get3A_1779] {strides = array<i32>} : memref<16xi32, #tpu.memory_space<vmem>>, vector<16xi32>,
            %jit3A_1781 = arith.constant 5 : i32
            %broadcast_in_dim3A_1782 = vector.broadcast %jit3A_1781 : i32 to vector<16xi32>
            %select_n3A_1783 = arith.select %eq3A_1756, %get3A_1780, %broadcast_in_dim3A_1782 : vector<16xi1>, vector<16xi32>
            %swap3A_1784 = arith.constant 0 : index
            %swap3A_1785 = tpu.vector_load %arg11[%swap3A_1784] {strides = array<i32>} : memref<16xi32, #tpu.memory_space<vmem>>, vector<16xi32>,
            tpu.vector_store %arg11[%swap3A_1784], %select_n3A_1783 {strides = array<i32>} : memref<16xi32, #tpu.memory_space<vmem>>, vector<16xi32>,
            %dma_start3A = arith.constant 0 : i32
            %dma_start3A_1786 = arith.constant 0 : i32
            %dma_start3A_1787 = tpu.memref_slice %arg4[%dma_start3A, %dma_start3A_1786] : memref<10000x128xf32, #tpu.memory_space<hbm>> -> memref<10000x128xf32, #tpu.memory_space<hbm>>
            tpu.enqueue_indirect_dma source(%dma_start3A_1787 : memref<10000x128xf32, #tpu.memory_space<hbm>>) target(%arg12 : memref<16x128xf32, #tpu.memory_space<vmem>>) offsets(%arg10 : memref<16xi32, #tpu.memory_space<vmem>>) semaphore(%arg18 : memref<!tpu.dma_semaphore, #tpu.memory_space<semaphore_mem>>)
            %dma_wait3A = arith.constant 0 : i32
            %dma_wait3A_1788 = arith.constant 0 : i32
            %dma_wait3A_1789 = tpu.memref_slice %arg4[%dma_wait3A, %dma_wait3A_1788] : memref<10000x128xf32, #tpu.memory_space<hbm>> -> memref<10000x128xf32, #tpu.memory_space<hbm>>
            tpu.wait_indirect_dma semaphore(%arg18 : memref<!tpu.dma_semaphore, #tpu.memory_space<semaphore_mem>>) src(%dma_wait3A_1789 : memref<10000x128xf32, #tpu.memory_space<hbm>>) dst(%arg12 : memref<16x128xf32, #tpu.memory_space<vmem>>)
            "tpu.region"() ({
              %run_scoped3A = tpu.sem_alloc : memref<!tpu.dma_semaphore, #tpu.memory_space<semaphore_mem>>
              %dma_start3A_1790 = arith.constant 0 : i32
              %dma_start3A_1791 = arith.constant 0 : i32
              %dma_start3A_1792 = tpu.memref_slice %arg16[%dma_start3A_1790, %dma_start3A_1791] : memref<8x128xf32, #tpu.memory_space<vmem_shared>> -> memref<8x128xf32, #tpu.memory_space<vmem_shared>>
              tpu.enqueue_indirect_dma source(%arg12 : memref<16x128xf32, #tpu.memory_space<vmem>>) target(%dma_start3A_1792 : memref<8x128xf32, #tpu.memory_space<vmem_shared>>) offsets(%arg11 : memref<16xi32, #tpu.memory_space<vmem>>) semaphore(%run_scoped3A : memref<!tpu.dma_semaphore, #tpu.memory_space<semaphore_mem>>) {add = true}
              %dma_wait3A_1793 = arith.constant 0 : i32
              %dma_wait3A_1794 = arith.constant 0 : i32
              %dma_wait3A_1795 = tpu.memref_slice %arg16[%dma_wait3A_1793, %dma_wait3A_1794] : memref<8x128xf32, #tpu.memory_space<vmem_shared>> -> memref<8x128xf32, #tpu.memory_space<vmem_shared>>
              tpu.wait_indirect_dma semaphore(%run_scoped3A : memref<!tpu.dma_semaphore, #tpu.memory_space<semaphore_mem>>) src(%arg12 : memref<16x128xf32, #tpu.memory_space<vmem>>) dst(%dma_wait3A_1795 : memref<8x128xf32, #tpu.memory_space<vmem_shared>>)
              tpu.yield
            }) : () -> ()
            "tpu.region"() ({
              %run_scoped3A = tpu.sem_alloc : memref<!tpu.dma_semaphore, #tpu.memory_space<semaphore_mem>>
              %dma_start3A_1790 = arith.constant 0 : i32
              %dma_start3A_1791 = arith.constant 0 : i32
              %dma_start3A_1792 = tpu.memref_slice %arg17[%dma_start3A_1790, %dma_start3A_1791] : memref<8x128xf32, #tpu.memory_space<vmem_shared>> -> memref<8x128xf32, #tpu.memory_space<vmem_shared>>
              tpu.enqueue_indirect_dma source(%arg13 : memref<16x128xf32, #tpu.memory_space<vmem>>) target(%dma_start3A_1792 : memref<8x128xf32, #tpu.memory_space<vmem_shared>>) offsets(%arg11 : memref<16xi32, #tpu.memory_space<vmem>>) semaphore(%run_scoped3A : memref<!tpu.dma_semaphore, #tpu.memory_space<semaphore_mem>>) {add = true}
              %dma_wait3A_1793 = arith.constant 0 : i32
              %dma_wait3A_1794 = arith.constant 0 : i32
              %dma_wait3A_1795 = tpu.memref_slice %arg17[%dma_wait3A_1793, %dma_wait3A_1794] : memref<8x128xf32, #tpu.memory_space<vmem_shared>> -> memref<8x128xf32, #tpu.memory_space<vmem_shared>>
              tpu.wait_indirect_dma semaphore(%run_scoped3A : memref<!tpu.dma_semaphore, #tpu.memory_space<semaphore_mem>>) src(%arg13 : memref<16x128xf32, #tpu.memory_space<vmem>>) dst(%dma_wait3A_1795 : memref<8x128xf32, #tpu.memory_space<vmem_shared>>)
              tpu.yield
            }) : () -> ()
          } else {
          }
        }
        %while3A_1748 = arith.constant 1 : i32
        scf.for %while3A_1749 = %while3A_1746 to %while3A_1742 step %while3A_1748  : i32 {
          %mul3A_1750 = arith.constant 16 : i32
          %mul3A_1751 = arith.muli %while3A_1749, %mul3A_1750 : i32
          %get3A_1752 = arith.index_cast %mul3A_1751 : i32 to index
          %get3A_1753 = tpu.vector_load %arg7[%get3A_1752] {strides = array<i32>} : memref<20000xi32, #tpu.memory_space<vmem>>, vector<16xi32>,
          %eq3A_1754 = arith.constant 0 : i32
          %eq3A_1755 = vector.broadcast %eq3A_1754 : i32 to vector<16xi32>
          %eq3A_1756 = arith.cmpi eq, %get3A_1753, %eq3A_1755 : vector<16xi32>
          %all_reduce_population_count3A_1757 = tpu.all_reduce %eq3A_1756 {dim = 0 : i64, kind = #tpu.reduction_kind<sum>} : vector<16xi1> -> vector<16xi32>
          %reduce_max3A_1758 = arith.constant true
          %reduce_max3A_1759 = vector.broadcast %reduce_max3A_1758 : i1 to vector<16xi1>
          %reduce_max3A_1760 = arith.constant -2147483648 : i32
          %reduce_max3A_1761 = vector.broadcast %reduce_max3A_1760 : i32 to vector<16xi32>
          %reduce_max3A_1762 = arith.xori %all_reduce_population_count3A_1757, %reduce_max3A_1761 : vector<16xi32>
          %reduce_max3A_1763 = tpu.scan <max>, %reduce_max3A_1762 masked %reduce_max3A_1759 : vector<16xi32>, vector<16xi1> -> vector<16xi32>
          %reduce_max3A_1764 = arith.xori %reduce_max3A_1763, %reduce_max3A_1761 : vector<16xi32>
          %reduce_max3A_1765 = vector.extract %reduce_max3A_1764[15] : i32 from vector<16xi32>
          %gt3A_1766 = arith.constant 0 : i32
          %gt3A_1767 = arith.cmpi sgt, %reduce_max3A_1765, %gt3A_1766 : i32
          %convert_element_type3A_1768 = arith.extui %gt3A_1767 : i1 to i32
          %cond3A_1769 = arith.constant 0 : i32
          %cond3A_1770 = arith.cmpi ne, %convert_element_type3A_1768, %cond3A_1769 : i32
          scf.if %cond3A_1770 {
            %mul3A_1771 = arith.constant 16 : i32
            %mul3A_1772 = arith.muli %while3A_1749, %mul3A_1771 : i32
            %add3A_1773 = arith.addi %mul3A_2, %mul3A_1772 : i32
            "tpu.region"() ({
              %run_scoped3A = tpu.sem_alloc : memref<!tpu.dma_semaphore, #tpu.memory_space<semaphore_mem>>
              %dma_start3A_1790 = tpu.memref_slice %arg2[%add3A_1773] : memref<640000xi32, #tpu.memory_space<hbm>> -> memref<16xi32, #tpu.memory_space<hbm>>
              %dma_start3A_1791 = tpu.memref_slice %arg2[%add3A_1773] : memref<640000xi32, #tpu.memory_space<hbm>> -> memref<16xi32, #tpu.memory_space<hbm>>
              tpu.enqueue_dma source(%dma_start3A_1791 : memref<16xi32, #tpu.memory_space<hbm>>) target(%arg8 : memref<16xi32, #tpu.memory_space<vmem>>) target_semaphore(%run_scoped3A : memref<!tpu.dma_semaphore, #tpu.memory_space<semaphore_mem>>)
              %dma_wait3A_1792 = tpu.memref_slice %arg2[%add3A_1773] : memref<640000xi32, #tpu.memory_space<hbm>> -> memref<16xi32, #tpu.memory_space<hbm>>
              %dma_wait3A_1793 = tpu.memref_slice %arg2[%add3A_1773] : memref<640000xi32, #tpu.memory_space<hbm>> -> memref<16xi32, #tpu.memory_space<hbm>>
              tpu.wait_dma2 semaphore(%run_scoped3A : memref<!tpu.dma_semaphore, #tpu.memory_space<semaphore_mem>>) src(%dma_wait3A_1793 : memref<16xi32, #tpu.memory_space<hbm>>) dst(%arg8 : memref<16xi32, #tpu.memory_space<vmem>>)
              tpu.yield
            }) : () -> ()
            "tpu.region"() ({
              %run_scoped3A = tpu.sem_alloc : memref<!tpu.dma_semaphore, #tpu.memory_space<semaphore_mem>>
              %dma_start3A_1790 = tpu.memref_slice %arg3[%add3A_1773] : memref<320000xi32, #tpu.memory_space<hbm>> -> memref<16xi32, #tpu.memory_space<hbm>>
              %dma_start3A_1791 = tpu.memref_slice %arg3[%add3A_1773] : memref<320000xi32, #tpu.memory_space<hbm>> -> memref<16xi32, #tpu.memory_space<hbm>>
              tpu.enqueue_dma source(%dma_start3A_1791 : memref<16xi32, #tpu.memory_space<hbm>>) target(%arg9 : memref<16xi32, #tpu.memory_space<vmem>>) target_semaphore(%run_scoped3A : memref<!tpu.dma_semaphore, #tpu.memory_space<semaphore_mem>>)
              %dma_wait3A_1792 = tpu.memref_slice %arg3[%add3A_1773] : memref<320000xi32, #tpu.memory_space<hbm>> -> memref<16xi32, #tpu.memory_space<hbm>>
              %dma_wait3A_1793 = tpu.memref_slice %arg3[%add3A_1773] : memref<320000xi32, #tpu.memory_space<hbm>> -> memref<16xi32, #tpu.memory_space<hbm>>
              tpu.wait_dma2 semaphore(%run_scoped3A : memref<!tpu.dma_semaphore, #tpu.memory_space<semaphore_mem>>) src(%dma_wait3A_1793 : memref<16xi32, #tpu.memory_space<hbm>>) dst(%arg9 : memref<16xi32, #tpu.memory_space<vmem>>)
              tpu.yield
            }) : () -> ()
            %get3A_1774 = arith.constant 0 : index
            %get3A_1775 = tpu.vector_load %arg8[%get3A_1774] {strides = array<i32>} : memref<16xi32, #tpu.memory_space<vmem>>, vector<16xi32>,
            %jit3A = arith.constant 0 : i32
            %broadcast_in_dim3A_1776 = vector.broadcast %jit3A : i32 to vector<16xi32>
            %select_n3A = arith.select %eq3A_1756, %get3A_1775, %broadcast_in_dim3A_1776 : vector<16xi1>, vector<16xi32>
            %swap3A_1777 = arith.constant 0 : index
            %swap3A_1778 = tpu.vector_load %arg10[%swap3A_1777] {strides = array<i32>} : memref<16xi32, #tpu.memory_space<vmem>>, vector<16xi32>,
            tpu.vector_store %arg10[%swap3A_1777], %select_n3A {strides = array<i32>} : memref<16xi32, #tpu.memory_space<vmem>>, vector<16xi32>,
            %get3A_1779 = arith.constant 0 : index
            %get3A_1780 = tpu.vector_load %arg9[%get3A_1779] {strides = array<i32>} : memref<16xi32, #tpu.memory_space<vmem>>, vector<16xi32>,
            %jit3A_1781 = arith.constant 5 : i32
            %broadcast_in_dim3A_1782 = vector.broadcast %jit3A_1781 : i32 to vector<16xi32>
            %select_n3A_1783 = arith.select %eq3A_1756, %get3A_1780, %broadcast_in_dim3A_1782 : vector<16xi1>, vector<16xi32>
            %swap3A_1784 = arith.constant 0 : index
            %swap3A_1785 = tpu.vector_load %arg11[%swap3A_1784] {strides = array<i32>} : memref<16xi32, #tpu.memory_space<vmem>>, vector<16xi32>,
            tpu.vector_store %arg11[%swap3A_1784], %select_n3A_1783 {strides = array<i32>} : memref<16xi32, #tpu.memory_space<vmem>>, vector<16xi32>,
            %dma_start3A = arith.constant 0 : i32
            %dma_start3A_1786 = arith.constant 0 : i32
            %dma_start3A_1787 = tpu.memref_slice %arg4[%dma_start3A, %dma_start3A_1786] : memref<10000x128xf32, #tpu.memory_space<hbm>> -> memref<10000x128xf32, #tpu.memory_space<hbm>>
            tpu.enqueue_indirect_dma source(%dma_start3A_1787 : memref<10000x128xf32, #tpu.memory_space<hbm>>) target(%arg12 : memref<16x128xf32, #tpu.memory_space<vmem>>) offsets(%arg10 : memref<16xi32, #tpu.memory_space<vmem>>) semaphore(%arg18 : memref<!tpu.dma_semaphore, #tpu.memory_space<semaphore_mem>>)
            %dma_wait3A = arith.constant 0 : i32
            %dma_wait3A_1788 = arith.constant 0 : i32
            %dma_wait3A_1789 = tpu.memref_slice %arg4[%dma_wait3A, %dma_wait3A_1788] : memref<10000x128xf32, #tpu.memory_space<hbm>> -> memref<10000x128xf32, #tpu.memory_space<hbm>>
            tpu.wait_indirect_dma semaphore(%arg18 : memref<!tpu.dma_semaphore, #tpu.memory_space<semaphore_mem>>) src(%dma_wait3A_1789 : memref<10000x128xf32, #tpu.memory_space<hbm>>) dst(%arg12 : memref<16x128xf32, #tpu.memory_space<vmem>>)
            "tpu.region"() ({
              %run_scoped3A = tpu.sem_alloc : memref<!tpu.dma_semaphore, #tpu.memory_space<semaphore_mem>>
              %dma_start3A_1790 = arith.constant 0 : i32
              %dma_start3A_1791 = arith.constant 0 : i32
              %dma_start3A_1792 = tpu.memref_slice %arg16[%dma_start3A_1790, %dma_start3A_1791] : memref<8x128xf32, #tpu.memory_space<vmem_shared>> -> memref<8x128xf32, #tpu.memory_space<vmem_shared>>
              tpu.enqueue_indirect_dma source(%arg12 : memref<16x128xf32, #tpu.memory_space<vmem>>) target(%dma_start3A_1792 : memref<8x128xf32, #tpu.memory_space<vmem_shared>>) offsets(%arg11 : memref<16xi32, #tpu.memory_space<vmem>>) semaphore(%run_scoped3A : memref<!tpu.dma_semaphore, #tpu.memory_space<semaphore_mem>>) {add = true}
              %dma_wait3A_1793 = arith.constant 0 : i32
              %dma_wait3A_1794 = arith.constant 0 : i32
              %dma_wait3A_1795 = tpu.memref_slice %arg16[%dma_wait3A_1793, %dma_wait3A_1794] : memref<8x128xf32, #tpu.memory_space<vmem_shared>> -> memref<8x128xf32, #tpu.memory_space<vmem_shared>>
              tpu.wait_indirect_dma semaphore(%run_scoped3A : memref<!tpu.dma_semaphore, #tpu.memory_space<semaphore_mem>>) src(%arg12 : memref<16x128xf32, #tpu.memory_space<vmem>>) dst(%dma_wait3A_1795 : memref<8x128xf32, #tpu.memory_space<vmem_shared>>)
              tpu.yield
            }) : () -> ()
            "tpu.region"() ({
              %run_scoped3A = tpu.sem_alloc : memref<!tpu.dma_semaphore, #tpu.memory_space<semaphore_mem>>
              %dma_start3A_1790 = arith.constant 0 : i32
              %dma_start3A_1791 = arith.constant 0 : i32
              %dma_start3A_1792 = tpu.memref_slice %arg17[%dma_start3A_1790, %dma_start3A_1791] : memref<8x128xf32, #tpu.memory_space<vmem_shared>> -> memref<8x128xf32, #tpu.memory_space<vmem_shared>>
              tpu.enqueue_indirect_dma source(%arg13 : memref<16x128xf32, #tpu.memory_space<vmem>>) target(%dma_start3A_1792 : memref<8x128xf32, #tpu.memory_space<vmem_shared>>) offsets(%arg11 : memref<16xi32, #tpu.memory_space<vmem>>) semaphore(%run_scoped3A : memref<!tpu.dma_semaphore, #tpu.memory_space<semaphore_mem>>) {add = true}
              %dma_wait3A_1793 = arith.constant 0 : i32
              %dma_wait3A_1794 = arith.constant 0 : i32
              %dma_wait3A_1795 = tpu.memref_slice %arg17[%dma_wait3A_1793, %dma_wait3A_1794] : memref<8x128xf32, #tpu.memory_space<vmem_shared>> -> memref<8x128xf32, #tpu.memory_space<vmem_shared>>
              tpu.wait_indirect_dma semaphore(%run_scoped3A : memref<!tpu.dma_semaphore, #tpu.memory_space<semaphore_mem>>) src(%arg13 : memref<16x128xf32, #tpu.memory_space<vmem>>) dst(%dma_wait3A_1795 : memref<8x128xf32, #tpu.memory_space<vmem_shared>>)
              tpu.yield
            }) : () -> ()
          } else {
          }
        }
      } else {
      }
    }
    %scan3A_1545 = arith.constant 50 : i32
    %barrier3A_1546 = arith.constant 0 : index
    tpu.barrier barrier_id(%barrier3A_1546)
    %eq3A_1547 = arith.constant 0 : i32
    %eq3A_1548 = arith.cmpi eq, %arg1, %eq3A_1547 : i32
    %convert_element_type3A_1549 = arith.extui %eq3A_1548 : i1 to i32
    %cond3A_1550 = arith.constant 0 : i32
    %cond3A_1551 = arith.cmpi ne, %convert_element_type3A_1549, %cond3A_1550 : i32
    scf.if %cond3A_1551 {
      "tpu.region"() ({
        %run_scoped3A = tpu.sem_alloc : memref<!tpu.dma_semaphore, #tpu.memory_space<semaphore_mem>>
        tpu.enqueue_dma source(%arg16 : memref<8x128xf32, #tpu.memory_space<vmem_shared>>) target(%arg14 : memref<8x128xf32, #tpu.memory_space<vmem>>) target_semaphore(%run_scoped3A : memref<!tpu.dma_semaphore, #tpu.memory_space<semaphore_mem>>)
        tpu.wait_dma2 semaphore(%run_scoped3A : memref<!tpu.dma_semaphore, #tpu.memory_space<semaphore_mem>>) src(%arg16 : memref<8x128xf32, #tpu.memory_space<vmem_shared>>) dst(%arg14 : memref<8x128xf32, #tpu.memory_space<vmem>>)
        tpu.yield
      }) : () -> ()
      "tpu.region"() ({
        %run_scoped3A = tpu.sem_alloc : memref<!tpu.dma_semaphore, #tpu.memory_space<semaphore_mem>>
        %dma_start3A = arith.constant 0 : i32
        %dma_start3A_1552 = arith.constant 0 : i32
        %dma_start3A_1553 = tpu.memref_slice %arg5[%arg0, %dma_start3A, %dma_start3A_1552] : memref<1x8x128xf32, #tpu.memory_space<hbm>> -> memref<1x8x128xf32, #tpu.memory_space<hbm>>
        %dma_start3A_1554 = tpu.memref_squeeze %dma_start3A_1553 : memref<1x8x128xf32, #tpu.memory_space<hbm>> -> memref<8x128xf32, #tpu.memory_space<hbm>>
        %dma_start3A_1555 = arith.constant 0 : i32
        %dma_start3A_1556 = arith.constant 0 : i32
        %dma_start3A_1557 = tpu.memref_slice %arg5[%arg0, %dma_start3A_1555, %dma_start3A_1556] : memref<1x8x128xf32, #tpu.memory_space<hbm>> -> memref<1x8x128xf32, #tpu.memory_space<hbm>>
        %dma_start3A_1558 = tpu.memref_squeeze %dma_start3A_1557 : memref<1x8x128xf32, #tpu.memory_space<hbm>> -> memref<8x128xf32, #tpu.memory_space<hbm>>
        tpu.enqueue_dma source(%arg14 : memref<8x128xf32, #tpu.memory_space<vmem>>) target(%dma_start3A_1558 : memref<8x128xf32, #tpu.memory_space<hbm>>) target_semaphore(%run_scoped3A : memref<!tpu.dma_semaphore, #tpu.memory_space<semaphore_mem>>)
        %dma_wait3A = arith.constant 0 : i32
        %dma_wait3A_1559 = arith.constant 0 : i32
        %dma_wait3A_1560 = tpu.memref_slice %arg5[%arg0, %dma_wait3A, %dma_wait3A_1559] : memref<1x8x128xf32, #tpu.memory_space<hbm>> -> memref<1x8x128xf32, #tpu.memory_space<hbm>>
        %dma_wait3A_1561 = tpu.memref_squeeze %dma_wait3A_1560 : memref<1x8x128xf32, #tpu.memory_space<hbm>> -> memref<8x128xf32, #tpu.memory_space<hbm>>
        %dma_wait3A_1562 = arith.constant 0 : i32
        %dma_wait3A_1563 = arith.constant 0 : i32
        %dma_wait3A_1564 = tpu.memref_slice %arg5[%arg0, %dma_wait3A_1562, %dma_wait3A_1563] : memref<1x8x128xf32, #tpu.memory_space<hbm>> -> memref<1x8x128xf32, #tpu.memory_space<hbm>>
        %dma_wait3A_1565 = tpu.memref_squeeze %dma_wait3A_1564 : memref<1x8x128xf32, #tpu.memory_space<hbm>> -> memref<8x128xf32, #tpu.memory_space<hbm>>
        tpu.wait_dma2 semaphore(%run_scoped3A : memref<!tpu.dma_semaphore, #tpu.memory_space<semaphore_mem>>) src(%arg14 : memref<8x128xf32, #tpu.memory_space<vmem>>) dst(%dma_wait3A_1565 : memref<8x128xf32, #tpu.memory_space<hbm>>)
        tpu.yield
      }) : () -> ()
      "tpu.region"() ({
        %run_scoped3A = tpu.sem_alloc : memref<!tpu.dma_semaphore, #tpu.memory_space<semaphore_mem>>
        tpu.enqueue_dma source(%arg17 : memref<8x128xf32, #tpu.memory_space<vmem_shared>>) target(%arg15 : memref<8x128xf32, #tpu.memory_space<vmem>>) target_semaphore(%run_scoped3A : memref<!tpu.dma_semaphore, #tpu.memory_space<semaphore_mem>>)
        tpu.wait_dma2 semaphore(%run_scoped3A : memref<!tpu.dma_semaphore, #tpu.memory_space<semaphore_mem>>) src(%arg17 : memref<8x128xf32, #tpu.memory_space<vmem_shared>>) dst(%arg15 : memref<8x128xf32, #tpu.memory_space<vmem>>)
        tpu.yield
      }) : () -> ()
      "tpu.region"() ({
        %run_scoped3A = tpu.sem_alloc : memref<!tpu.dma_semaphore, #tpu.memory_space<semaphore_mem>>
        %dma_start3A = arith.constant 0 : i32
        %dma_start3A_1552 = arith.constant 0 : i32
        %dma_start3A_1553 = tpu.memref_slice %arg6[%arg0, %dma_start3A, %dma_start3A_1552] : memref<1x8x128xf32, #tpu.memory_space<hbm>> -> memref<1x8x128xf32, #tpu.memory_space<hbm>>
        %dma_start3A_1554 = tpu.memref_squeeze %dma_start3A_1553 : memref<1x8x128xf32, #tpu.memory_space<hbm>> -> memref<8x128xf32, #tpu.memory_space<hbm>>
        %dma_start3A_1555 = arith.constant 0 : i32
        %dma_start3A_1556 = arith.constant 0 : i32
        %dma_start3A_1557 = tpu.memref_slice %arg6[%arg0, %dma_start3A_1555, %dma_start3A_1556] : memref<1x8x128xf32, #tpu.memory_space<hbm>> -> memref<1x8x128xf32, #tpu.memory_space<hbm>>
        %dma_start3A_1558 = tpu.memref_squeeze %dma_start3A_1557 : memref<1x8x128xf32, #tpu.memory_space<hbm>> -> memref<8x128xf32, #tpu.memory_space<hbm>>
        tpu.enqueue_dma source(%arg15 : memref<8x128xf32, #tpu.memory_space<vmem>>) target(%dma_start3A_1558 : memref<8x128xf32, #tpu.memory_space<hbm>>) target_semaphore(%run_scoped3A : memref<!tpu.dma_semaphore, #tpu.memory_space<semaphore_mem>>)
        %dma_wait3A = arith.constant 0 : i32
        %dma_wait3A_1559 = arith.constant 0 : i32
        %dma_wait3A_1560 = tpu.memref_slice %arg6[%arg0, %dma_wait3A, %dma_wait3A_1559] : memref<1x8x128xf32, #tpu.memory_space<hbm>> -> memref<1x8x128xf32, #tpu.memory_space<hbm>>
        %dma_wait3A_1561 = tpu.memref_squeeze %dma_wait3A_1560 : memref<1x8x128xf32, #tpu.memory_space<hbm>> -> memref<8x128xf32, #tpu.memory_space<hbm>>
        %dma_wait3A_1562 = arith.constant 0 : i32
        %dma_wait3A_1563 = arith.constant 0 : i32
        %dma_wait3A_1564 = tpu.memref_slice %arg6[%arg0, %dma_wait3A_1562, %dma_wait3A_1563] : memref<1x8x128xf32, #tpu.memory_space<hbm>> -> memref<1x8x128xf32, #tpu.memory_space<hbm>>
        %dma_wait3A_1565 = tpu.memref_squeeze %dma_wait3A_1564 : memref<1x8x128xf32, #tpu.memory_space<hbm>> -> memref<8x128xf32, #tpu.memory_space<hbm>>
        tpu.wait_dma2 semaphore(%run_scoped3A : memref<!tpu.dma_semaphore, #tpu.memory_space<semaphore_mem>>) src(%arg15 : memref<8x128xf32, #tpu.memory_space<vmem>>) dst(%dma_wait3A_1565 : memref<8x128xf32, #tpu.memory_space<hbm>>)
        tpu.yield
      }) : () -> ()
    } else {
    }
    return
  }
}

module attributes {stable_mosaic.version = 14 : i64} {
  func.func @_tc_dense(%arg0: memref<1x8x128xf32, #tpu.memory_space<vmem>>, %arg1: memref<1x8x128xf32, #tpu.memory_space<vmem>>, %arg2: memref<5x5xf32, #tpu.memory_space<vmem>>, %arg3: memref<5x128x128xf32, #tpu.memory_space<vmem>>, %arg4: memref<128x128xf32, #tpu.memory_space<vmem>>, %arg5: memref<1x128xf32, #tpu.memory_space<vmem>>, %arg6: memref<1x128xf32, #tpu.memory_space<vmem>>, %arg7: memref<10000x128xf32, #tpu.memory_space<vmem>>, %arg8: memref<1x10000xf32, #tpu.memory_space<vmem>>, %arg9: memref<25000x128xf32, #tpu.memory_space<vmem>>, %arg10: memref<1x25000xf32, #tpu.memory_space<vmem>>, %arg11: memref<1x10000xf32, #tpu.memory_space<vmem>>, %arg12: memref<1x25000xf32, #tpu.memory_space<vmem>>) attributes {dimension_semantics = [], scalar_prefetch = 0 : i64, scratch_operands = 0 : i64, tpu.core_type = #tpu.core_type<tc>} {
    %get3A = arith.constant 0 : index
    %get3A_0 = arith.constant 0 : index
    %get3A_1 = arith.constant 0 : index
    %get3A_2 = vector.load %arg0[%get3A, %get3A_0, %get3A_1] : memref<1x8x128xf32, #tpu.memory_space<vmem>>, vector<1x8x128xf32>
    %reduce_sum3A = arith.constant dense<0.000000e+00> : vector<8x128xf32>
    %reduce_sum3A_3 = vector.multi_reduction <add>, %get3A_2, %reduce_sum3A [0] : vector<1x8x128xf32> to vector<8x128xf32>
    %get3A_4 = arith.constant 0 : index
    %get3A_5 = arith.constant 0 : index
    %get3A_6 = arith.constant 0 : index
    %get3A_7 = vector.load %arg1[%get3A_4, %get3A_5, %get3A_6] : memref<1x8x128xf32, #tpu.memory_space<vmem>>, vector<1x8x128xf32>
    %reduce_sum3A_8 = arith.constant dense<0.000000e+00> : vector<8x128xf32>
    %reduce_sum3A_9 = vector.multi_reduction <add>, %get3A_7, %reduce_sum3A_8 [0] : vector<1x8x128xf32> to vector<8x128xf32>
    %reduce_max3A = arith.constant dense<0xFF800000> : vector<8xf32>
    %reduce_max3A_10 = vector.multi_reduction <maximumf>, %reduce_sum3A_9, %reduce_max3A [1] : vector<8x128xf32> to vector<8xf32>
    %broadcast_in_dim3A = vector.shape_cast %reduce_max3A_10 : vector<8xf32> to vector<8x1xf32>
    %max3A = arith.constant 1.000000e+00 : f32
    %max3A_11 = vector.broadcast %max3A : f32 to vector<8x1xf32>
    %max3A_12 = arith.maximumf %broadcast_in_dim3A, %max3A_11 : vector<8x1xf32>
    %div3A = vector.broadcast %max3A_12 : vector<8x1xf32> to vector<8x128xf32>
    %div3A_13 = arith.divf %reduce_sum3A_3, %div3A : vector<8x128xf32>
    %slice3A = vector.extract_strided_slice %div3A_13 {offsets = [0, 0], sizes = [5, 128], strides = [1, 1]} : vector<8x128xf32> to vector<5x128xf32>
    %get3A_14 = arith.constant 0 : index
    %get3A_15 = arith.constant 0 : index
    %get3A_16 = vector.load %arg2[%get3A_14, %get3A_15] : memref<5x5xf32, #tpu.memory_space<vmem>>, vector<5x5xf32>
    %dot_general3A = arith.constant dense<0.000000e+00> : vector<5x128xf32>
    %dot_general3A_17 = tpu.matmul %get3A_16, %slice3A, %dot_general3A {dimension_numbers = #tpu.dot_dimension_numbers<[0], [0], [1], [1], [0, 1, 1, 1], [], []>, transpose_lhs_hint = false} : vector<5x5xf32>, vector<5x128xf32>, vector<5x128xf32> -> vector<5x128xf32>
    %broadcast_in_dim3A_18 = arith.constant 0.000000e+00 : f32
    %broadcast_in_dim3A_19 = vector.broadcast %broadcast_in_dim3A_18 : f32 to vector<1x128xf32>
    %slice3A_20 = vector.extract_strided_slice %dot_general3A_17 {offsets = [0, 0], sizes = [1, 128], strides = [1, 1]} : vector<5x128xf32> to vector<1x128xf32>
    %get3A_21 = arith.constant 0 : index
    %get3A_22 = arith.constant 0 : index
    %get3A_23 = arith.constant 0 : index
    %get3A_24 = vector.load %arg3[%get3A_21, %get3A_22, %get3A_23] : memref<5x128x128xf32, #tpu.memory_space<vmem>>, vector<1x128x128xf32>
    %get3A_25 = vector.shape_cast %get3A_24 : vector<1x128x128xf32> to vector<128x128xf32>
    %dot_general3A_26 = arith.constant dense<0.000000e+00> : vector<1x128xf32>
    %dot_general3A_27 = tpu.matmul %slice3A_20, %get3A_25, %dot_general3A_26 {dimension_numbers = #tpu.dot_dimension_numbers<[1], [0], [0], [1], [0, 0, 1, 1], [], []>, transpose_lhs_hint = false} : vector<1x128xf32>, vector<128x128xf32>, vector<1x128xf32> -> vector<1x128xf32>
    %add3A = arith.addf %broadcast_in_dim3A_19, %dot_general3A_27 : vector<1x128xf32>
    %slice3A_28 = vector.extract_strided_slice %dot_general3A_17 {offsets = [1, 0], sizes = [1, 128], strides = [1, 1]} : vector<5x128xf32> to vector<1x128xf32>
    %get3A_29 = arith.constant 1 : index
    %get3A_30 = arith.constant 0 : index
    %get3A_31 = arith.constant 0 : index
    %get3A_32 = vector.load %arg3[%get3A_29, %get3A_30, %get3A_31] : memref<5x128x128xf32, #tpu.memory_space<vmem>>, vector<1x128x128xf32>
    %get3A_33 = vector.shape_cast %get3A_32 : vector<1x128x128xf32> to vector<128x128xf32>
    %dot_general3A_34 = arith.constant dense<0.000000e+00> : vector<1x128xf32>
    %dot_general3A_35 = tpu.matmul %slice3A_28, %get3A_33, %dot_general3A_34 {dimension_numbers = #tpu.dot_dimension_numbers<[1], [0], [0], [1], [0, 0, 1, 1], [], []>, transpose_lhs_hint = false} : vector<1x128xf32>, vector<128x128xf32>, vector<1x128xf32> -> vector<1x128xf32>
    %add3A_36 = arith.addf %add3A, %dot_general3A_35 : vector<1x128xf32>
    %slice3A_37 = vector.extract_strided_slice %dot_general3A_17 {offsets = [2, 0], sizes = [1, 128], strides = [1, 1]} : vector<5x128xf32> to vector<1x128xf32>
    %get3A_38 = arith.constant 2 : index
    %get3A_39 = arith.constant 0 : index
    %get3A_40 = arith.constant 0 : index
    %get3A_41 = vector.load %arg3[%get3A_38, %get3A_39, %get3A_40] : memref<5x128x128xf32, #tpu.memory_space<vmem>>, vector<1x128x128xf32>
    %get3A_42 = vector.shape_cast %get3A_41 : vector<1x128x128xf32> to vector<128x128xf32>
    %dot_general3A_43 = arith.constant dense<0.000000e+00> : vector<1x128xf32>
    %dot_general3A_44 = tpu.matmul %slice3A_37, %get3A_42, %dot_general3A_43 {dimension_numbers = #tpu.dot_dimension_numbers<[1], [0], [0], [1], [0, 0, 1, 1], [], []>, transpose_lhs_hint = false} : vector<1x128xf32>, vector<128x128xf32>, vector<1x128xf32> -> vector<1x128xf32>
    %add3A_45 = arith.addf %add3A_36, %dot_general3A_44 : vector<1x128xf32>
    %slice3A_46 = vector.extract_strided_slice %dot_general3A_17 {offsets = [3, 0], sizes = [1, 128], strides = [1, 1]} : vector<5x128xf32> to vector<1x128xf32>
    %get3A_47 = arith.constant 3 : index
    %get3A_48 = arith.constant 0 : index
    %get3A_49 = arith.constant 0 : index
    %get3A_50 = vector.load %arg3[%get3A_47, %get3A_48, %get3A_49] : memref<5x128x128xf32, #tpu.memory_space<vmem>>, vector<1x128x128xf32>
    %get3A_51 = vector.shape_cast %get3A_50 : vector<1x128x128xf32> to vector<128x128xf32>
    %dot_general3A_52 = arith.constant dense<0.000000e+00> : vector<1x128xf32>
    %dot_general3A_53 = tpu.matmul %slice3A_46, %get3A_51, %dot_general3A_52 {dimension_numbers = #tpu.dot_dimension_numbers<[1], [0], [0], [1], [0, 0, 1, 1], [], []>, transpose_lhs_hint = false} : vector<1x128xf32>, vector<128x128xf32>, vector<1x128xf32> -> vector<1x128xf32>
    %add3A_54 = arith.addf %add3A_45, %dot_general3A_53 : vector<1x128xf32>
    %slice3A_55 = vector.extract_strided_slice %dot_general3A_17 {offsets = [4, 0], sizes = [1, 128], strides = [1, 1]} : vector<5x128xf32> to vector<1x128xf32>
    %get3A_56 = arith.constant 4 : index
    %get3A_57 = arith.constant 0 : index
    %get3A_58 = arith.constant 0 : index
    %get3A_59 = vector.load %arg3[%get3A_56, %get3A_57, %get3A_58] : memref<5x128x128xf32, #tpu.memory_space<vmem>>, vector<1x128x128xf32>
    %get3A_60 = vector.shape_cast %get3A_59 : vector<1x128x128xf32> to vector<128x128xf32>
    %dot_general3A_61 = arith.constant dense<0.000000e+00> : vector<1x128xf32>
    %dot_general3A_62 = tpu.matmul %slice3A_55, %get3A_60, %dot_general3A_61 {dimension_numbers = #tpu.dot_dimension_numbers<[1], [0], [0], [1], [0, 0, 1, 1], [], []>, transpose_lhs_hint = false} : vector<1x128xf32>, vector<128x128xf32>, vector<1x128xf32> -> vector<1x128xf32>
    %add3A_63 = arith.addf %add3A_54, %dot_general3A_62 : vector<1x128xf32>
    %get3A_64 = arith.constant 0 : index
    %get3A_65 = arith.constant 0 : index
    %get3A_66 = vector.load %arg6[%get3A_64, %get3A_65] : memref<1x128xf32, #tpu.memory_space<vmem>>, vector<1x128xf32>
    %get3A_67 = arith.constant 0 : index
    %get3A_68 = arith.constant 0 : index
    %get3A_69 = vector.load %arg4[%get3A_67, %get3A_68] : memref<128x128xf32, #tpu.memory_space<vmem>>, vector<128x128xf32>
    %dot_general3A_70 = arith.constant dense<0.000000e+00> : vector<1x128xf32>
    %dot_general3A_71 = tpu.matmul %get3A_66, %get3A_69, %dot_general3A_70 {dimension_numbers = #tpu.dot_dimension_numbers<[1], [0], [0], [1], [0, 0, 1, 1], [], []>, transpose_lhs_hint = false} : vector<1x128xf32>, vector<128x128xf32>, vector<1x128xf32> -> vector<1x128xf32>
    %add3A_72 = arith.addf %add3A_63, %dot_general3A_71 : vector<1x128xf32>
    %get3A_73 = arith.constant 0 : index
    %get3A_74 = arith.constant 0 : index
    %get3A_75 = vector.load %arg5[%get3A_73, %get3A_74] : memref<1x128xf32, #tpu.memory_space<vmem>>, vector<1x128xf32>
    %add3A_76 = arith.addf %add3A_72, %get3A_75 : vector<1x128xf32>
    %max3A_77 = arith.constant 0.000000e+00 : f32
    %max3A_78 = vector.broadcast %max3A_77 : f32 to vector<1x128xf32>
    %max3A_79 = arith.maximumf %add3A_76, %max3A_78 : vector<1x128xf32>
    %get3A_80 = arith.constant 0 : index
    %get3A_81 = arith.constant 0 : index
    %get3A_82 = vector.load %arg7[%get3A_80, %get3A_81] : memref<10000x128xf32, #tpu.memory_space<vmem>>, vector<10000x128xf32>
    %dot_general3A_83 = arith.constant dense<0.000000e+00> : vector<1x10000xf32>
    %dot_general3A_84 = tpu.matmul %max3A_79, %get3A_82, %dot_general3A_83 {dimension_numbers = #tpu.dot_dimension_numbers<[1], [1], [0], [0], [0, 0, 1, 0], [], []>, transpose_lhs_hint = false} : vector<1x128xf32>, vector<10000x128xf32>, vector<1x10000xf32> -> vector<1x10000xf32>
    %get3A_85 = arith.constant 0 : index
    %get3A_86 = arith.constant 0 : index
    %get3A_87 = vector.load %arg8[%get3A_85, %get3A_86] : memref<1x10000xf32, #tpu.memory_space<vmem>>, vector<1x10000xf32>
    %add3A_88 = arith.addf %dot_general3A_84, %get3A_87 : vector<1x10000xf32>
    %reduce_max3A_89 = vector.shape_cast %add3A_88 : vector<1x10000xf32> to vector<1x1x10000xf32>
    %reduce_max3A_90 = arith.constant dense<0xFF800000> : vector<1xf32>
    %reduce_max3A_91 = vector.multi_reduction <maximumf>, %reduce_max3A_89, %reduce_max3A_90 [1, 2] : vector<1x1x10000xf32> to vector<1xf32>
    %reduce_max3A_92 = vector.shape_cast %reduce_max3A_91 : vector<1xf32> to vector<1x1x1xf32>
    %reduce_max3A_93 = vector.extract %reduce_max3A_92[0, 0, 0] : f32 from vector<1x1x1xf32>
    %sub3A = vector.broadcast %reduce_max3A_93 : f32 to vector<1x10000xf32>
    %sub3A_94 = arith.subf %add3A_88, %sub3A : vector<1x10000xf32>
    %exp3A = math.exp %sub3A_94 : vector<1x10000xf32>
    %reduce_sum3A_95 = vector.shape_cast %exp3A : vector<1x10000xf32> to vector<1x1x10000xf32>
    %reduce_sum3A_96 = arith.constant dense<0.000000e+00> : vector<1xf32>
    %reduce_sum3A_97 = vector.multi_reduction <add>, %reduce_sum3A_95, %reduce_sum3A_96 [1, 2] : vector<1x1x10000xf32> to vector<1xf32>
    %reduce_sum3A_98 = vector.shape_cast %reduce_sum3A_97 : vector<1xf32> to vector<1x1x1xf32>
    %reduce_sum3A_99 = vector.extract %reduce_sum3A_98[0, 0, 0] : f32 from vector<1x1x1xf32>
    %log3A = math.log %reduce_sum3A_99 : f32
    %add3A_100 = arith.addf %reduce_max3A_93, %log3A : f32
    %sub3A_101 = vector.broadcast %add3A_100 : f32 to vector<1x10000xf32>
    %sub3A_102 = arith.subf %add3A_88, %sub3A_101 : vector<1x10000xf32>
    %swap3A = arith.constant 0 : index
    %swap3A_103 = arith.constant 0 : index
    %swap3A_104 = vector.load %arg11[%swap3A, %swap3A_103] : memref<1x10000xf32, #tpu.memory_space<vmem>>, vector<1x10000xf32>
    tpu.vector_store %arg11[%swap3A, %swap3A_103], %sub3A_102 {strides = array<i32>} : memref<1x10000xf32, #tpu.memory_space<vmem>>, vector<1x10000xf32>,
    %get3A_105 = arith.constant 0 : index
    %get3A_106 = arith.constant 0 : index
    %get3A_107 = vector.load %arg9[%get3A_105, %get3A_106] : memref<25000x128xf32, #tpu.memory_space<vmem>>, vector<25000x128xf32>
    %dot_general3A_108 = arith.constant dense<0.000000e+00> : vector<1x25000xf32>
    %dot_general3A_109 = tpu.matmul %max3A_79, %get3A_107, %dot_general3A_108 {dimension_numbers = #tpu.dot_dimension_numbers<[1], [1], [0], [0], [0, 0, 1, 0], [], []>, transpose_lhs_hint = false} : vector<1x128xf32>, vector<25000x128xf32>, vector<1x25000xf32> -> vector<1x25000xf32>
    %get3A_110 = arith.constant 0 : index
    %get3A_111 = arith.constant 0 : index
    %get3A_112 = vector.load %arg10[%get3A_110, %get3A_111] : memref<1x25000xf32, #tpu.memory_space<vmem>>, vector<1x25000xf32>
    %add3A_113 = arith.addf %dot_general3A_109, %get3A_112 : vector<1x25000xf32>
    %reduce_max3A_114 = vector.shape_cast %add3A_113 : vector<1x25000xf32> to vector<1x1x25000xf32>
    %reduce_max3A_115 = arith.constant dense<0xFF800000> : vector<1xf32>
    %reduce_max3A_116 = vector.multi_reduction <maximumf>, %reduce_max3A_114, %reduce_max3A_115 [1, 2] : vector<1x1x25000xf32> to vector<1xf32>
    %reduce_max3A_117 = vector.shape_cast %reduce_max3A_116 : vector<1xf32> to vector<1x1x1xf32>
    %reduce_max3A_118 = vector.extract %reduce_max3A_117[0, 0, 0] : f32 from vector<1x1x1xf32>
    %sub3A_119 = vector.broadcast %reduce_max3A_118 : f32 to vector<1x25000xf32>
    %sub3A_120 = arith.subf %add3A_113, %sub3A_119 : vector<1x25000xf32>
    %exp3A_121 = math.exp %sub3A_120 : vector<1x25000xf32>
    %reduce_sum3A_122 = vector.shape_cast %exp3A_121 : vector<1x25000xf32> to vector<1x1x25000xf32>
    %reduce_sum3A_123 = arith.constant dense<0.000000e+00> : vector<1xf32>
    %reduce_sum3A_124 = vector.multi_reduction <add>, %reduce_sum3A_122, %reduce_sum3A_123 [1, 2] : vector<1x1x25000xf32> to vector<1xf32>
    %reduce_sum3A_125 = vector.shape_cast %reduce_sum3A_124 : vector<1xf32> to vector<1x1x1xf32>
    %reduce_sum3A_126 = vector.extract %reduce_sum3A_125[0, 0, 0] : f32 from vector<1x1x1xf32>
    %log3A_127 = math.log %reduce_sum3A_126 : f32
    %add3A_128 = arith.addf %reduce_max3A_118, %log3A_127 : f32
    %sub3A_129 = vector.broadcast %add3A_128 : f32 to vector<1x25000xf32>
    %sub3A_130 = arith.subf %add3A_113, %sub3A_129 : vector<1x25000xf32>
    %swap3A_131 = arith.constant 0 : index
    %swap3A_132 = arith.constant 0 : index
    %swap3A_133 = vector.load %arg12[%swap3A_131, %swap3A_132] : memref<1x25000xf32, #tpu.memory_space<vmem>>, vector<1x25000xf32>
    tpu.vector_store %arg12[%swap3A_131, %swap3A_132], %sub3A_130 {strides = array<i32>} : memref<1x25000xf32, #tpu.memory_space<vmem>>, vector<1x25000xf32>,
    return
  }
}

</mosaic_0001>

<sc_bundles>
// kernel: kernel.4.cloned.1.call-start
scs
__scs_entry_jumppad:
0x0: {  	(pc) =	sbr.rel $0x88, $3  }
0x1: {  	(tag) =	ssettag $0x0;
	lr =	simm.s32 $0x1  }
0x2: {  	[smem:$0x3F96] =	sst lr;
	_ =	strace $0xD0000000  }
0x3: {  	_ = 	snop  }
0x4: {  	_ = 	snop  }
0x5: {  	_ = 	snop  }
0x6: {  	_ = 	snop  }
0x7: {  	_ = 	snop  }
__scs_overlays_trampoline_lowered:
0x8: {  	[smem:$0x3FA5] =	sst s0  }
0x9: {  	[smem:$0x3FA6] =	sst s1  }
0xa: {  	[smem:$0x3FA7] =	sst s2  }
0xb: {  	[smem:$0x3FA8] =	sst s3  }
0xc: {  	[smem:$0x3FA9] =	sst s4  }
0xd: {  	[smem:$0x3FAA] =	sst s5  }
0xe: {  	[smem:$0x3FAB] =	sst s6  }
0xf: {  	[smem:$0x3FAC] =	sst s7  }
0x10: {  	[smem:$0x3FAD] =	sst s8  }
0x11: {  	[smem:$0x3FAE] =	sst s9;
	s0 =	simm.s32 @!p0 $0x0  }
0x12: {  	s1 =	sld [smem:$0x3F94];
	s0 =	simm.s32 @p0 $0x1  }
0x13: {  	[smem:$0x3FAF] =	sst s0;
	s0 =	simm.s32 @!p1 $0x0  }
0x14: {  	s2 =	sld [smem:$0x3F93];
	s0 =	simm.s32 @p1 $0x1  }
0x15: {  	[smem:$0x3FB0] =	sst s0;
	s0 =	simm.s32 @!p2 $0x0  }
0x16: {  	s3 =	sld [smem:$0x3FDB];
	s0 =	simm.s32 @p2 $0x1  }
0x17: {  	s4 =	simm.s32 $0x1BF5;
	[smem:$0x3FB2] =	sst s0  }
0x18: {  	s0 =	sld [smem:$0x3F95];
	_ =	swait.ge [sflag:s4], $0x0  }
0x19: {  	s7 =	sld [smem:$0x3F96]  }
0x1a: {  	s8 =	sadd.s32 $0xFFFFE003, lr  }
0x1b: {  	s9 =	sadd.s32 $0xFFFFFEF7, lr;
	s5 =	simm.s32 $0xFFFFFFFF;
	p2 =	slt.u32 s8, $0xFFFFF086  }
0x1c: {  	p1 =	slt.u32 s9, $0xF7A;
	s5 =	simm.s32 @!p2 $0x0  }
0x1d: {  	s5 =	simm.s32 @p1 $0x1;
	p0 =	seq.s32 s7, s2  }
0x1e: {  	s7 =	smul.u32 @!p0 $0xF7A, s2;
	p2 =	seq.s32 @!p0 s5, $0x0  }
0x1f: {  	s9 =	smul.u32 $0xF7A, s1;
	s8 =	simm.s32 @!p0 $0x1BF5;
	p2 =	por !p2, p0  }
0x20: {  	[sflag:s8] =	ssyncset.s32 @!p0 $0xFFFFF086;
	s6 =	sadd.s32 @!p0 s3, s7;
	s7 =	simm.s32 @!p0 $0x108  }
0x21: {  	s3 =	sadd.s32 s3, s9;
	s6 =	sadd.s32 @!p0 $0x88, s6;
	s7 =	simm.s32 @p2 $0x1082  }
0x22: {  	[simem:s7], [sflag:s8] =	dma.local @!p0 [hbm:s6], $0xF7A  }
0x23: {  	s9 =	sor.u32 $0xD0000000, s2;
	s6 =	simm.s32 $0x108;
	_ =	swait.ge @!p0 [sflag:s8], $0x0  }
0x24: {  	s3 =	sadd.s32 $0x88, s3;
	s6 =	simm.s32 @!p1 $0x1082;
	[sflag:s4] =	ssyncset.s32 $0xFFFFF086  }
0x25: {  	[simem:s6], [sflag:s4] =	dma.local [hbm:s3], $0xF7A  }
0x26: {  	[smem:$0x3F96] =	sst s1;
	(tag) =	ssettag s2;
	_ =	strace s9  }
0x27: {  	s1 =	sld [smem:$0x3FA6]  }
0x28: {  	s2 =	sld [smem:$0x3FA7]  }
0x29: {  	s4 =	sld [smem:$0x3FA9]  }
0x2a: {  	p0 =	seq.s32 s5, $0x0;
	s5 =	sld [smem:$0x3FAA]  }
0x2b: {  	s6 =	sld [smem:$0x3FAB]  }
0x2c: {  	s7 =	sld [smem:$0x3FAC]  }
0x2d: {  	s3 =	simm.s32 $0x108;
	s8 =	sld [smem:$0x3FAD]  }
0x2e: {  	s3 =	simm.s32 @!p0 $0x1082;
	s9 =	sld [smem:$0x3FAE]  }
0x2f: {  	lr =	sadd.s32 s0, s3;
	s0 =	sld [smem:$0x3FA5]  }
0x30: {  	s3 =	sld [smem:$0x3FA8]  }
0x31: {  	[smem:$0x3FB1] =	sst s10  }
0x32: {  	s10 =	sld [smem:$0x3FAF];
	_ =	sdelay $0x3  }
0x33: {  	p0 =	seq.s32 s10, $0x1;
	s10 =	sld [smem:$0x3FB1];
	_ =	sdelay $0x3  }
0x34: {  	[smem:$0x3FB1] =	sst s10  }
0x35: {  	s10 =	sld [smem:$0x3FB0];
	_ =	sdelay $0x3  }
0x36: {  	p1 =	seq.s32 s10, $0x1;
	s10 =	sld [smem:$0x3FB1];
	_ =	sdelay $0x3  }
0x37: {  	[smem:$0x3FB1] =	sst s10  }
0x38: {  	s10 =	sld [smem:$0x3FB2]  }
0x39: {  	_ = 	snop;
	(pc) =	sbr.ind lr, $3  }
0x3a: {  	_ = 	snop  }
0x3b: {  	_ = 	snop  }
0x3c: {  	p2 =	seq.s32 s10, $0x1;
	s10 =	sld [smem:$0x3FB1]  }
0x3d: {  	_ =	shalt  }
0x3e: {  	_ =	shalt  }
0x3f: {  	_ =	shalt  }
0x40: {  	_ =	shalt  }
0x41: {  	_ =	shalt  }
0x42: {  	_ =	shalt  }
0x43: {  	_ =	shalt  }
0x44: {  	_ =	shalt  }
0x45: {  	_ =	shalt  }
0x46: {  	_ =	shalt  }
0x47: {  	_ =	shalt  }
0x48: {  	_ =	shalt  }
0x49: {  	_ =	shalt  }
0x4a: {  	_ =	shalt  }
0x4b: {  	_ =	shalt  }
0x4c: {  	_ =	shalt  }
0x4d: {  	_ =	shalt  }
0x4e: {  	_ =	shalt  }
0x4f: {  	_ =	shalt  }
0x50: {  	_ =	shalt  }
0x51: {  	_ =	shalt  }
0x52: {  	_ =	shalt  }
0x53: {  	_ =	shalt  }
0x54: {  	_ =	shalt  }
0x55: {  	_ =	shalt  }
0x56: {  	_ =	shalt  }
0x57: {  	_ =	shalt  }
0x58: {  	_ =	shalt  }
0x59: {  	_ =	shalt  }
0x5a: {  	_ =	shalt  }
0x5b: {  	_ =	shalt  }
0x5c: {  	_ =	shalt  }
0x5d: {  	_ =	shalt  }
0x5e: {  	_ =	shalt  }
0x5f: {  	_ =	shalt  }
0x60: {  	_ =	shalt  }
0x61: {  	_ =	shalt  }
0x62: {  	_ =	shalt  }
0x63: {  	_ =	shalt  }
0x64: {  	_ =	shalt  }
0x65: {  	_ =	shalt  }
0x66: {  	_ =	shalt  }
0x67: {  	_ =	shalt  }
0x68: {  	_ =	shalt  }
0x69: {  	_ =	shalt  }
0x6a: {  	_ =	shalt  }
0x6b: {  	_ =	shalt  }
0x6c: {  	_ =	shalt  }
0x6d: {  	_ =	shalt  }
0x6e: {  	_ =	shalt  }
0x6f: {  	_ =	shalt  }
0x70: {  	_ =	shalt  }
0x71: {  	_ =	shalt  }
0x72: {  	_ =	shalt  }
0x73: {  	_ =	shalt  }
0x74: {  	_ =	shalt  }
0x75: {  	_ =	shalt  }
0x76: {  	_ =	shalt  }
0x77: {  	_ =	shalt  }
0x78: {  	_ =	shalt  }
0x79: {  	_ =	shalt  }
0x7a: {  	_ =	shalt  }
0x7b: {  	_ =	shalt  }
0x7c: {  	_ =	shalt  }
0x7d: {  	_ =	shalt  }
0x7e: {  	_ =	shalt  }
0x7f: {  	_ =	shalt  }
0x80: {  	_ =	shalt  }
0x81: {  	_ =	shalt  }
0x82: {  	_ =	shalt  }
0x83: {  	_ =	shalt  }
0x84: {  	_ =	shalt  }
0x85: {  	_ =	shalt  }
0x86: {  	_ =	shalt  }
0x87: {  	_ =	shalt  }
.Lfunc_end0:
.L_simem_size_0:
called_computation_lowered:
.L_overlay_start_0:
0x88: {  	s0 =	sld [smem:$0x3FD9]  }
0x89: {  	s1 =	sld [smem:$0x3FFE];
	_ =	sdelay $0x3  }
0x8a: {  	s0 =	sadd.s32 s1, s0  }
0x8b: {  	[smem:$0x3FBD] =	sst s0  }
0x8c: {  	_ = 	snop  }
0x8d: {  	s0 =	sld [smem:$0x3FD0];
	_ =	sdelay $0x1  }
0x8e: {  	s13 =	sld [smem:$0x3FC9]  }
0x8f: {  	s3 =	simm.s32 $0xA;
	s4 =	simm.s32 $0x10;
	s2 =	sld [smem:$0x3FC7]  }
0x90: {  	[smem:s4], [sflag:s3] =	dma.local [hbm:s0], $0x1  }
0x91: {  	_ =	swait.eq [sflag:s3], $0x1  }
0x92: {  	[sflag:s3] =	ssyncset.done $0x0  }
0x93: {  	s14 =	sld [smem:$0x10];
	[sflag:s3] =	ssyncadd.s32 $0xFFFFFFFF  }
0x94: {  	s15 =	sld [smem:$0x11];
	(tm) =	ssettm $0x1  }
0x95: {  	s16 =	sld [smem:$0x3FFB];
	_ =	sdelay $0x3  }
0x96: {  	_ =	strace s16  }
0x97: {  	s4 =	sld [smem:$0x3FFC];
	_ =	sdelay $0x3  }
0x98: {  	_ =	strace s4  }
0x99: {  	s4 =	sld [smem:$0x3FFD];
	_ =	sdelay $0x3  }
0x9a: {  	_ =	strace s4  }
0x9b: {  	_ =	strace $0x8FFFFFFF  }
0x9c: {  	s17 =	sld [smem:$0x3FDB];
	_ =	sdelay $0x1  }
0x9d: {  	s5 =	simm.s32 $_scs_section_size  }
0x9e: {  	s6 =	simm.s32 $_size__tile_overlayer_lowered;
	s7 =	simm.s32 $_tile_overlayer_lowered  }
0x9f: {  	s20 =	simm.s32 $0x1BFF;
	s19 =	sshll.u32 s7, $0x1;
	s4 =	sadd.s32 s5, s17  }
0xa0: {  	s8 =	simm.s32 $0x0;
	s18 =	sshll.u32 s6, $0x1;
	s6 =	sadd.s32 s19, s4  }
0xa1: {  	[timem:s8], [sflag:s20] =	dma.local [hbm:s6], s18  }
0xa2: {  	_ =	swait.ge [sflag:s20], s18  }
0xa3: {  	s5 =	ssub.s32 $0x0, s18;
	[sflag:s20] =	ssyncset.done $0x0  }
0xa4: {  	[sflag:s20] =	ssyncadd.s32 s5;
	_ =	sdelay $0x1  }
0xa5: {  	s21 =	simm.s32 $0x1B8B  }
0xa6: {  	_ =	swait.ge [sflag:s21], $0x1  }
0xa7: {  	[sflag:s21] =	ssyncset.done $0x0  }
0xa8: {  	s23 =	simm.s32 $0x1B8E;
	s22 =	sld [smem:$0x3FFE];
	[sflag:s21] =	ssyncadd.s32 $0xFFFFFFFF  }
0xa9: {  	s24 =	simm.s32 $execute0_lowered;
	[smem:$0x3FD2] =	sst s23  }
0xaa: {  	s6 =	sshll.u32 s24, $0x1;
	_ =	strace $0x80000046;
	[dreg:$0x1] =	wrdreg $0xFFFFFFFF  }
0xab: {  	s25 =	simm.s32 $_size_execute0_lowered;
	s4 =	sadd.s32 s4, s6;
	[dreg:$0x0] =	wrdreg $0x0  }
0xac: {  	s6 =	sshll.u32 s25, $0x1;
	[dreg:$0x2] =	wrdreg s4  }
0xad: {  	[dreg:$0x3] =	wrdreg s6  }
0xae: {  	[dreg:$0x4] =	wrdreg $0xC0  }
0xaf: {  	_ =	task [dreg:s8], $0x5FFFF  }
0xb0: {  	[dreg:$0x1] =	wrdreg $0xFFFFFFFF  }
0xb1: {  	[dreg:$0x0] =	wrdreg $0x60  }
0xb2: {  	[dreg:$0x2] =	wrdreg s22  }
0xb3: {  	[dreg:$0x3] =	wrdreg s2  }
0xb4: {  	[dreg:$0x4] =	wrdreg s13  }
0xb5: {  	[dreg:$0x5] =	wrdreg s14  }
0xb6: {  	[dreg:$0x6] =	wrdreg s15  }
0xb7: {  	[dreg:$0x7] =	wrdreg $0x68800  }
0xb8: {  	[dreg:$0x8] =	wrdreg $0x68C00  }
0xb9: {  	[dreg:$0x9] =	wrdreg $0x9  }
0xba: {  	_ =	task.clear_ibuf [dreg:s8], $0xAFFFF;
	_ =	strace $0x90000046  }
0xbb: {  	s26 =	simm.s32 $0x9;
	_ =	strace $0x80000048  }
0xbc: {  	_ =	swait.ge [sflag:s26], $0x1  }
0xbd: {  	[sflag:s26] =	ssyncadd.s32 $0xFFFFFFFF  }
0xbe: {  	_ =	strace $0x90000048  }
0xbf: {  	_ =	sfence  }
0xc0: {  	s28 =	sld [smem:$0x0];
	_ =	sdelay $0x1  }
0xc1: {  	s29 =	srdreg.scid  }
0xc2: {  	s30 =	sshll.u32 s29, $0xD;
	s31 =	sshrl.u32 s29, $0x2  }
0xc3: {  	s1 =	sand.u32 $0x1, s29;
	s2 =	sand.u32 $0x4000, s30;
	s0 =	sadd.s32 s31, s28  }
0xc4: {  	s1 =	sor.u32 s2, s1;
	s0 =	sshll.u32 s0, $0x11  }
0xc5: {  	s0 =	sor.u32 s0, s1  }
0xc6: {  	s0 =	sadd.s32 $0x8F2B, s0  }
0xc7: {  	[sflag:s0] =	ssyncadd.remote.s32 $0x1  }
0xc8: {  	_ =	sfence.sel $0xFFFF  }
0xc9: {  	[dreg:$0x0] =	wrdreg $0xFFFFFFFF;
	(pc) =	sbr.abs _section_cstart, $3  }
0xca: {  	[dreg:$0x1] =	wrdreg $0xFFFFFFFF  }
0xcb: {  	_ =	task.clear_ibuf [dreg:s8], $0x2FFFF;
	_ =	strace $0x9FFFFFFF  }
0xcc: {  	(tm) =	ssettm $0x7FFFFFFF  }
0xcd: {  	_ =	shalt  }
tec
execute0_lowered:
.L_overlay_start_1:
0x0: {  	(tag) =	ssettag $0x1  }
0x1: {  	s9 =	rddreg [dreg:$0x0]  }
0x2: {  	s7 =	rddreg [dreg:$0x1]  }
0x3: {  	s5 =	rddreg [dreg:$0x2]  }
0x4: {  	s3 =	rddreg [dreg:$0x3]  }
0x5: {  	s1 =	rddreg [dreg:$0x4]  }
0x6: {  	s4 =	rddreg [dreg:$0x5];
	s8 =	stileid.u32  }
0x7: {  	s2 =	rddreg [dreg:$0x6];
	s10 =	smul.u32 $0x4E20, s8  }
0x8: {  	s0 =	rddreg [dreg:$0x7]  }
0x9: {  	s6 =	simm.s32 $0x0;
	s9 =	sadd.s32 $0x3000, s9;
	s10 =	sshrl.u32 s10, $0x3  }
0xa: {  	[smem:$0x7FF] =	sst s6;
	s10 =	sadd.s32 s9, s10  }
0xb: {  	s31 =	simm.s32 $0x2;
	_ =	strace $0x80000047;
	s10 =	sadd.s32 $0x9C40, s10  }
0xc: {  	[tilespmem:s6], [sflag:$0x2] =	stream.linear.gather [hbm4b:s10+s6], $0x4E20, $0x38;
	[tilespmem:$0x6900] =	vst v63  }
0xd: {  	_ =	swait.ge [sflag:s31], $0x4E20  }
0xe: {  	[sflag:s31] =	ssyncset.done $0x0  }
0xf: {  	v0 =	vimm.f32 $1.000000000e+00;
	[sflag:s31] =	ssyncadd.s32 $0xFFFFB1E0  }
0x10: {  	[tilespmem:$0x5880] =	vst v0  }
0x11: {  	[tilespmem:$0x5890] =	vst v0  }
0x12: {  	[tilespmem:$0x58A0] =	vst v0  }
0x13: {  	[tilespmem:$0x58B0] =	vst v0  }
0x14: {  	[tilespmem:$0x58C0] =	vst v0  }
0x15: {  	[tilespmem:$0x58D0] =	vst v0  }
0x16: {  	[tilespmem:$0x58E0] =	vst v0  }
0x17: {  	[tilespmem:$0x58F0] =	vst v0  }
0x18: {  	[tilespmem:$0x5900] =	vst v0  }
0x19: {  	[tilespmem:$0x5910] =	vst v0  }
0x1a: {  	[tilespmem:$0x5920] =	vst v0  }
0x1b: {  	[tilespmem:$0x5930] =	vst v0  }
0x1c: {  	[tilespmem:$0x5940] =	vst v0  }
0x1d: {  	[tilespmem:$0x5950] =	vst v0  }
0x1e: {  	[tilespmem:$0x5960] =	vst v0  }
0x1f: {  	[tilespmem:$0x5970] =	vst v0  }
0x20: {  	[tilespmem:$0x5980] =	vst v0  }
0x21: {  	[tilespmem:$0x5990] =	vst v0  }
0x22: {  	[tilespmem:$0x59A0] =	vst v0  }
0x23: {  	[tilespmem:$0x59B0] =	vst v0  }
0x24: {  	[tilespmem:$0x59C0] =	vst v0  }
0x25: {  	[tilespmem:$0x59D0] =	vst v0  }
0x26: {  	[tilespmem:$0x59E0] =	vst v0  }
0x27: {  	[tilespmem:$0x59F0] =	vst v0  }
0x28: {  	[tilespmem:$0x5A00] =	vst v0  }
0x29: {  	[tilespmem:$0x5A10] =	vst v0  }
0x2a: {  	[tilespmem:$0x5A20] =	vst v0  }
0x2b: {  	[tilespmem:$0x5A30] =	vst v0  }
0x2c: {  	[tilespmem:$0x5A40] =	vst v0  }
0x2d: {  	[tilespmem:$0x5A50] =	vst v0  }
0x2e: {  	[tilespmem:$0x5A60] =	vst v0  }
0x2f: {  	[tilespmem:$0x5A70] =	vst v0  }
0x30: {  	[tilespmem:$0x5A80] =	vst v0  }
0x31: {  	[tilespmem:$0x5A90] =	vst v0  }
0x32: {  	[tilespmem:$0x5AA0] =	vst v0  }
0x33: {  	[tilespmem:$0x5AB0] =	vst v0  }
0x34: {  	[tilespmem:$0x5AC0] =	vst v0  }
0x35: {  	[tilespmem:$0x5AD0] =	vst v0  }
0x36: {  	[tilespmem:$0x5AE0] =	vst v0  }
0x37: {  	[tilespmem:$0x5AF0] =	vst v0  }
0x38: {  	[tilespmem:$0x5B00] =	vst v0  }
0x39: {  	[tilespmem:$0x5B10] =	vst v0  }
0x3a: {  	[tilespmem:$0x5B20] =	vst v0  }
0x3b: {  	[tilespmem:$0x5B30] =	vst v0  }
0x3c: {  	[tilespmem:$0x5B40] =	vst v0  }
0x3d: {  	[tilespmem:$0x5B50] =	vst v0  }
0x3e: {  	[tilespmem:$0x5B60] =	vst v0  }
0x3f: {  	[tilespmem:$0x5B70] =	vst v0  }
0x40: {  	[tilespmem:$0x5B80] =	vst v0  }
0x41: {  	[tilespmem:$0x5B90] =	vst v0  }
0x42: {  	[tilespmem:$0x5BA0] =	vst v0  }
0x43: {  	[tilespmem:$0x5BB0] =	vst v0  }
0x44: {  	[tilespmem:$0x5BC0] =	vst v0  }
0x45: {  	[tilespmem:$0x5BD0] =	vst v0  }
0x46: {  	[tilespmem:$0x5BE0] =	vst v0  }
0x47: {  	[tilespmem:$0x5BF0] =	vst v0  }
0x48: {  	[tilespmem:$0x5C00] =	vst v0  }
0x49: {  	[tilespmem:$0x5C10] =	vst v0  }
0x4a: {  	[tilespmem:$0x5C20] =	vst v0  }
0x4b: {  	[tilespmem:$0x5C30] =	vst v0  }
0x4c: {  	[tilespmem:$0x5C40] =	vst v0  }
0x4d: {  	[tilespmem:$0x5C50] =	vst v0  }
0x4e: {  	[tilespmem:$0x5C60] =	vst v0  }
0x4f: {  	[tilespmem:$0x5C70] =	vst v0  }
0x50: {  	[tilespmem:$0x5C80] =	vst v0  }
0x51: {  	[tilespmem:$0x5C90] =	vst v0  }
0x52: {  	[tilespmem:$0x5CA0] =	vst v0  }
0x53: {  	[tilespmem:$0x5CB0] =	vst v0  }
0x54: {  	[tilespmem:$0x5CC0] =	vst v0  }
0x55: {  	[tilespmem:$0x5CD0] =	vst v0  }
0x56: {  	[tilespmem:$0x5CE0] =	vst v0  }
0x57: {  	[tilespmem:$0x5CF0] =	vst v0  }
0x58: {  	[tilespmem:$0x5D00] =	vst v0  }
0x59: {  	[tilespmem:$0x5D10] =	vst v0  }
0x5a: {  	[tilespmem:$0x5D20] =	vst v0  }
0x5b: {  	[tilespmem:$0x5D30] =	vst v0  }
0x5c: {  	[tilespmem:$0x5D40] =	vst v0  }
0x5d: {  	[tilespmem:$0x5D50] =	vst v0  }
0x5e: {  	[tilespmem:$0x5D60] =	vst v0  }
0x5f: {  	[tilespmem:$0x5D70] =	vst v0  }
0x60: {  	[tilespmem:$0x5D80] =	vst v0  }
0x61: {  	[tilespmem:$0x5D90] =	vst v0  }
0x62: {  	[tilespmem:$0x5DA0] =	vst v0  }
0x63: {  	[tilespmem:$0x5DB0] =	vst v0  }
0x64: {  	[tilespmem:$0x5DC0] =	vst v0  }
0x65: {  	[tilespmem:$0x5DD0] =	vst v0  }
0x66: {  	[tilespmem:$0x5DE0] =	vst v0  }
0x67: {  	[tilespmem:$0x5DF0] =	vst v0  }
0x68: {  	[tilespmem:$0x5E00] =	vst v0  }
0x69: {  	[tilespmem:$0x5E10] =	vst v0  }
0x6a: {  	[tilespmem:$0x5E20] =	vst v0  }
0x6b: {  	[tilespmem:$0x5E30] =	vst v0  }
0x6c: {  	[tilespmem:$0x5E40] =	vst v0  }
0x6d: {  	[tilespmem:$0x5E50] =	vst v0  }
0x6e: {  	[tilespmem:$0x5E60] =	vst v0  }
0x6f: {  	[tilespmem:$0x5E70] =	vst v0  }
0x70: {  	[tilespmem:$0x5E80] =	vst v0  }
0x71: {  	[tilespmem:$0x5E90] =	vst v0  }
0x72: {  	[tilespmem:$0x5EA0] =	vst v0  }
0x73: {  	[tilespmem:$0x5EB0] =	vst v0  }
0x74: {  	[tilespmem:$0x5EC0] =	vst v0  }
0x75: {  	[tilespmem:$0x5ED0] =	vst v0  }
0x76: {  	[tilespmem:$0x5EE0] =	vst v0  }
0x77: {  	[tilespmem:$0x5EF0] =	vst v0  }
0x78: {  	[tilespmem:$0x5F00] =	vst v0  }
0x79: {  	[tilespmem:$0x5F10] =	vst v0  }
0x7a: {  	[tilespmem:$0x5F20] =	vst v0  }
0x7b: {  	[tilespmem:$0x5F30] =	vst v0  }
0x7c: {  	[tilespmem:$0x5F40] =	vst v0  }
0x7d: {  	[tilespmem:$0x5F50] =	vst v0  }
0x7e: {  	[tilespmem:$0x5F60] =	vst v0  }
0x7f: {  	[tilespmem:$0x5F70] =	vst v0  }
0x80: {  	[tilespmem:$0x5F80] =	vst v0  }
0x81: {  	[tilespmem:$0x5F90] =	vst v0  }
0x82: {  	[tilespmem:$0x5FA0] =	vst v0  }
0x83: {  	[tilespmem:$0x5FB0] =	vst v0  }
0x84: {  	[tilespmem:$0x5FC0] =	vst v0  }
0x85: {  	[tilespmem:$0x5FD0] =	vst v0  }
0x86: {  	[tilespmem:$0x5FE0] =	vst v0  }
0x87: {  	[tilespmem:$0x5FF0] =	vst v0  }
0x88: {  	[tilespmem:$0x6000] =	vst v0  }
0x89: {  	[tilespmem:$0x6010] =	vst v0  }
0x8a: {  	[tilespmem:$0x6020] =	vst v0  }
0x8b: {  	[tilespmem:$0x6030] =	vst v0  }
0x8c: {  	[tilespmem:$0x6040] =	vst v0  }
0x8d: {  	[tilespmem:$0x6050] =	vst v0  }
0x8e: {  	[tilespmem:$0x6060] =	vst v0  }
0x8f: {  	v63 =	vimm.f32 $0.0e+00;
	[tilespmem:$0x6070] =	vst v0  }
0x90: {  	[tilespmem:$0x6080] =	vst v63  }
0x91: {  	[tilespmem:$0x6090] =	vst v63  }
0x92: {  	[tilespmem:$0x60A0] =	vst v63  }
0x93: {  	[tilespmem:$0x60B0] =	vst v63  }
0x94: {  	[tilespmem:$0x60C0] =	vst v63  }
0x95: {  	[tilespmem:$0x60D0] =	vst v63  }
0x96: {  	[tilespmem:$0x60E0] =	vst v63  }
0x97: {  	[tilespmem:$0x60F0] =	vst v63  }
0x98: {  	[tilespmem:$0x6480] =	vst v63  }
0x99: {  	[tilespmem:$0x6490] =	vst v63  }
0x9a: {  	[tilespmem:$0x64A0] =	vst v63  }
0x9b: {  	[tilespmem:$0x64B0] =	vst v63  }
0x9c: {  	[tilespmem:$0x64C0] =	vst v63  }
0x9d: {  	[tilespmem:$0x64D0] =	vst v63  }
0x9e: {  	[tilespmem:$0x64E0] =	vst v63  }
0x9f: {  	[tilespmem:$0x64F0] =	vst v63  }
0xa0: {  	[tilespmem:$0x6100] =	vst v63  }
0xa1: {  	[tilespmem:$0x6110] =	vst v63  }
0xa2: {  	[tilespmem:$0x6120] =	vst v63  }
0xa3: {  	[tilespmem:$0x6130] =	vst v63  }
0xa4: {  	[tilespmem:$0x6140] =	vst v63  }
0xa5: {  	[tilespmem:$0x6150] =	vst v63  }
0xa6: {  	[tilespmem:$0x6160] =	vst v63  }
0xa7: {  	[tilespmem:$0x6170] =	vst v63  }
0xa8: {  	[tilespmem:$0x6500] =	vst v63  }
0xa9: {  	[tilespmem:$0x6510] =	vst v63  }
0xaa: {  	[tilespmem:$0x6520] =	vst v63  }
0xab: {  	[tilespmem:$0x6530] =	vst v63  }
0xac: {  	[tilespmem:$0x6540] =	vst v63  }
0xad: {  	[tilespmem:$0x6550] =	vst v63  }
0xae: {  	[tilespmem:$0x6560] =	vst v63  }
0xaf: {  	[tilespmem:$0x6570] =	vst v63  }
0xb0: {  	[tilespmem:$0x6180] =	vst v63  }
0xb1: {  	[tilespmem:$0x6190] =	vst v63  }
0xb2: {  	[tilespmem:$0x61A0] =	vst v63  }
0xb3: {  	[tilespmem:$0x61B0] =	vst v63  }
0xb4: {  	[tilespmem:$0x61C0] =	vst v63  }
0xb5: {  	[tilespmem:$0x61D0] =	vst v63  }
0xb6: {  	[tilespmem:$0x61E0] =	vst v63  }
0xb7: {  	[tilespmem:$0x61F0] =	vst v63  }
0xb8: {  	[tilespmem:$0x6580] =	vst v63  }
0xb9: {  	[tilespmem:$0x6590] =	vst v63  }
0xba: {  	[tilespmem:$0x65A0] =	vst v63  }
0xbb: {  	[tilespmem:$0x65B0] =	vst v63  }
0xbc: {  	[tilespmem:$0x65C0] =	vst v63  }
0xbd: {  	[tilespmem:$0x65D0] =	vst v63  }
0xbe: {  	[tilespmem:$0x65E0] =	vst v63  }
0xbf: {  	[tilespmem:$0x65F0] =	vst v63  }
0xc0: {  	[tilespmem:$0x6200] =	vst v63  }
0xc1: {  	[tilespmem:$0x6210] =	vst v63  }
0xc2: {  	[tilespmem:$0x6220] =	vst v63  }
0xc3: {  	[tilespmem:$0x6230] =	vst v63  }
0xc4: {  	[tilespmem:$0x6240] =	vst v63  }
0xc5: {  	[tilespmem:$0x6250] =	vst v63  }
0xc6: {  	[tilespmem:$0x6260] =	vst v63  }
0xc7: {  	[tilespmem:$0x6270] =	vst v63  }
0xc8: {  	[tilespmem:$0x6600] =	vst v63  }
0xc9: {  	[tilespmem:$0x6610] =	vst v63  }
0xca: {  	[tilespmem:$0x6620] =	vst v63  }
0xcb: {  	[tilespmem:$0x6630] =	vst v63  }
0xcc: {  	[tilespmem:$0x6640] =	vst v63  }
0xcd: {  	[tilespmem:$0x6650] =	vst v63  }
0xce: {  	[tilespmem:$0x6660] =	vst v63  }
0xcf: {  	[tilespmem:$0x6670] =	vst v63  }
0xd0: {  	[tilespmem:$0x6280] =	vst v63  }
0xd1: {  	[tilespmem:$0x6290] =	vst v63  }
0xd2: {  	[tilespmem:$0x62A0] =	vst v63  }
0xd3: {  	[tilespmem:$0x62B0] =	vst v63  }
0xd4: {  	[tilespmem:$0x62C0] =	vst v63  }
0xd5: {  	[tilespmem:$0x62D0] =	vst v63  }
0xd6: {  	[tilespmem:$0x62E0] =	vst v63  }
0xd7: {  	[tilespmem:$0x62F0] =	vst v63  }
0xd8: {  	[tilespmem:$0x6680] =	vst v63  }
0xd9: {  	[tilespmem:$0x6690] =	vst v63  }
0xda: {  	[tilespmem:$0x66A0] =	vst v63  }
0xdb: {  	[tilespmem:$0x66B0] =	vst v63  }
0xdc: {  	[tilespmem:$0x66C0] =	vst v63  }
0xdd: {  	[tilespmem:$0x66D0] =	vst v63  }
0xde: {  	[tilespmem:$0x66E0] =	vst v63  }
0xdf: {  	[tilespmem:$0x66F0] =	vst v63  }
0xe0: {  	[tilespmem:$0x6300] =	vst v63  }
0xe1: {  	[tilespmem:$0x6310] =	vst v63  }
0xe2: {  	[tilespmem:$0x6320] =	vst v63  }
0xe3: {  	[tilespmem:$0x6330] =	vst v63  }
0xe4: {  	[tilespmem:$0x6340] =	vst v63  }
0xe5: {  	[tilespmem:$0x6350] =	vst v63  }
0xe6: {  	[tilespmem:$0x6360] =	vst v63  }
0xe7: {  	[tilespmem:$0x6370] =	vst v63  }
0xe8: {  	[tilespmem:$0x6700] =	vst v63  }
0xe9: {  	[tilespmem:$0x6710] =	vst v63  }
0xea: {  	[tilespmem:$0x6720] =	vst v63  }
0xeb: {  	[tilespmem:$0x6730] =	vst v63  }
0xec: {  	[tilespmem:$0x6740] =	vst v63  }
0xed: {  	[tilespmem:$0x6750] =	vst v63  }
0xee: {  	[tilespmem:$0x6760] =	vst v63  }
0xef: {  	[tilespmem:$0x6770] =	vst v63  }
0xf0: {  	[tilespmem:$0x6380] =	vst v63  }
0xf1: {  	[tilespmem:$0x6390] =	vst v63  }
0xf2: {  	[tilespmem:$0x63A0] =	vst v63  }
0xf3: {  	[tilespmem:$0x63B0] =	vst v63  }
0xf4: {  	[tilespmem:$0x63C0] =	vst v63  }
0xf5: {  	[tilespmem:$0x63D0] =	vst v63  }
0xf6: {  	[tilespmem:$0x63E0] =	vst v63  }
0xf7: {  	[tilespmem:$0x63F0] =	vst v63  }
0xf8: {  	[tilespmem:$0x6780] =	vst v63  }
0xf9: {  	[tilespmem:$0x6790] =	vst v63  }
0xfa: {  	[tilespmem:$0x67A0] =	vst v63  }
0xfb: {  	[tilespmem:$0x67B0] =	vst v63  }
0xfc: {  	[tilespmem:$0x67C0] =	vst v63  }
0xfd: {  	[tilespmem:$0x67D0] =	vst v63  }
0xfe: {  	[tilespmem:$0x67E0] =	vst v63  }
0xff: {  	[tilespmem:$0x67F0] =	vst v63  }
0x100: {  	[tilespmem:$0x6400] =	vst v63  }
0x101: {  	[tilespmem:$0x6410] =	vst v63  }
0x102: {  	[tilespmem:$0x6420] =	vst v63  }
0x103: {  	[tilespmem:$0x6430] =	vst v63  }
0x104: {  	[tilespmem:$0x6440] =	vst v63  }
0x105: {  	[tilespmem:$0x6450] =	vst v63  }
0x106: {  	[tilespmem:$0x6460] =	vst v63  }
0x107: {  	[tilespmem:$0x6470] =	vst v63  }
0x108: {  	[tilespmem:$0x6800] =	vst v63  }
0x109: {  	[tilespmem:$0x6810] =	vst v63  }
0x10a: {  	[tilespmem:$0x6820] =	vst v63  }
0x10b: {  	[tilespmem:$0x6830] =	vst v63  }
0x10c: {  	[tilespmem:$0x6840] =	vst v63  }
0x10d: {  	[tilespmem:$0x6850] =	vst v63  }
0x10e: {  	p0 =	sne.s32 s8, $0x0;
	[tilespmem:$0x6870] =	vst v63  }
0x10f: {  	s10 =	simm.s32 @!p0 $0x6080;
	[tilespmem:$0x6860] =	vst v63  }
0x110: {  	[spmem:s4] =	stream.linear.scatter @!p0 [tilespmem:s10], [sflag:$0x2], $0x400, $0x38;
	[tilespmem:$0x6900] =	vst v63  }
0x111: {  	s10 =	simm.s32 @!p0 $0x2  }
0x112: {  	_ =	swait.ge @!p0 [sflag:s10], $0x400  }
0x113: {  	[sflag:s10] =	ssyncset.done @!p0 $0x0  }
0x114: {  	s11 =	simm.s32 @!p0 $0x6480;
	[sflag:s10] =	ssyncadd.s32 @!p0 $0xFFFFFC00  }
0x115: {  	[spmem:s2] =	stream.linear.scatter @!p0 [tilespmem:s11], [sflag:$0x2], $0x400, $0x38;
	[tilespmem:$0x6900] =	vst v63  }
.Ltmp0:
0x116: {  	_ =	swait.ge @!p0 [sflag:s10], $0x400;
	(pc) =	sbr.rel .LBB2_1-.Ltmp0, $4  }
0x117: {  	[sflag:s10] =	ssyncset.done @!p0 $0x0  }
0x118: {  	s8 =	smul.u32 $0x9C4, s8;
	[sflag:s10] =	ssyncadd.s32 @!p0 $0xFFFFFC00  }
0x119: {  	[bflag:$0x0] =	sbarrier.arrive $0xFFFF  }
0x11a: {  	s7 =	sadd.s32 s8, s7;
	s8 =	sadd.s32 s8, s9;
	s9 =	simm.s32 $0x0  }
.LBB2_4:
0x11b: {  	_ =	swait.ge @!p1 [sflag:s13], $0x800  }
0x11c: {  	[sflag:s13] =	ssyncset.done @!p1 $0x0  }
0x11d: {  	[sflag:s13] =	ssyncadd.s32 @!p1 $0xFFFFF800  }
.LBB2_5:
0x11e: {  	s9 =	sadd.s32 $0x1, s9  }
0x11f: {  	p1 =	sne.s32 s9, $0x32  }
.Ltmp1:
0x120: {  	_ = 	snop;
	(pc) =	sbr.rel @!p1 .LBB2_6-.Ltmp1, $2  }
0x121: {  	_ =	sdelay $0x2  }
0x122: {  	s6 =	sadd.s32 $0x190, s6;
	s7 =	sadd.s32 $0x32, s7;
	s8 =	sadd.s32 $0x32, s8  }
.LBB2_1:
0x123: {  	s10 =	smul.u32 $0x640, s9;
	_ =	sdelay $0x1  }
0x124: {  	s10 =	sshra.s32 s10, $0x2  }
0x125: {  	v0 =	vld [tilespmem:s10+$0x0]  }
0x126: {  	v1 =	vld [tilespmem:s10+$0x10];
	_ =	sdelay $0x1  }
0x127: {  	v2 =	vld [tilespmem:s10+$0x20];
	_ =	sdelay $0x1  }
0x128: {  	v3 =	vld [tilespmem:s10+$0x30]  }
0x129: {  	vm0 =	vlt.s32 v0, v1  }
0x12a: {  	v43 =	vld [tilespmem:s10+$0x40];
	v0 =	vsel vm0, v0, v1  }
0x12b: {  	vm0 =	vlt.s32 v0, v2  }
0x12c: {  	v44 =	vld [tilespmem:s10+$0x50];
	v0 =	vsel vm0, v0, v2  }
0x12d: {  	vm0 =	vlt.s32 v0, v3  }
0x12e: {  	v45 =	vld [tilespmem:s10+$0x60];
	v0 =	vsel vm0, v0, v3  }
0x12f: {  	s11 =	smul.u32 $0x190, s9;
	vm0 =	vlt.s32 v0, v43  }
0x130: {  	v46 =	vld [tilespmem:s10+$0x70];
	v0 =	vsel vm0, v0, v43  }
0x131: {  	s11 =	sand.u32 $0x7FF0, s11;
	vm0 =	vlt.s32 v0, v44  }
0x132: {  	v47 =	vld [tilespmem:s11+$0x80];
	v0 =	vsel vm0, v0, v44  }
0x133: {  	vm0 =	vlt.s32 v0, v45  }
0x134: {  	v48 =	vld [tilespmem:s10+$0x90];
	v0 =	vsel vm0, v0, v45  }
0x135: {  	vm0 =	vlt.s32 v0, v46  }
0x136: {  	v49 =	vld [tilespmem:s10+$0xA0];
	v0 =	vsel vm0, v0, v46  }
0x137: {  	vm0 =	vlt.s32 v0, v47  }
0x138: {  	v50 =	vld [tilespmem:s10+$0xB0];
	v0 =	vsel vm0, v0, v47  }
0x139: {  	vm0 =	vlt.s32 v0, v48  }
0x13a: {  	v51 =	vld [tilespmem:s10+$0xC0];
	v0 =	vsel vm0, v0, v48  }
0x13b: {  	vm0 =	vlt.s32 v0, v49  }
0x13c: {  	v52 =	vld [tilespmem:s10+$0xD0];
	v0 =	vsel vm0, v0, v49  }
0x13d: {  	vm0 =	vlt.s32 v0, v50  }
0x13e: {  	v53 =	vld [tilespmem:s10+$0xE0];
	v0 =	vsel vm0, v0, v50  }
0x13f: {  	vm0 =	vlt.s32 v0, v51  }
0x140: {  	v54 =	vld [tilespmem:s10+$0xF0];
	v0 =	vsel vm0, v0, v51  }
0x141: {  	vm0 =	vlt.s32 v0, v52  }
0x142: {  	v55 =	vld [tilespmem:s11+$0x100];
	v0 =	vsel vm0, v0, v52  }
0x143: {  	vm0 =	vlt.s32 v0, v53  }
0x144: {  	v56 =	vld [tilespmem:s10+$0x110];
	v0 =	vsel vm0, v0, v53  }
0x145: {  	vm0 =	vlt.s32 v0, v54  }
0x146: {  	v57 =	vld [tilespmem:s10+$0x120];
	v0 =	vsel vm0, v0, v54  }
0x147: {  	vm0 =	vlt.s32 v0, v55  }
0x148: {  	v58 =	vld [tilespmem:s10+$0x130];
	v0 =	vsel vm0, v0, v55  }
0x149: {  	vm0 =	vlt.s32 v0, v56  }
0x14a: {  	v59 =	vld [tilespmem:s10+$0x140];
	v0 =	vsel vm0, v0, v56  }
0x14b: {  	vm0 =	vlt.s32 v0, v57  }
0x14c: {  	v60 =	vld [tilespmem:s10+$0x150];
	v0 =	vsel vm0, v0, v57  }
0x14d: {  	vm0 =	vlt.s32 v0, v58  }
0x14e: {  	v61 =	vld [tilespmem:s10+$0x160];
	v0 =	vsel vm0, v0, v58  }
0x14f: {  	vm0 =	vlt.s32 v0, v59  }
0x150: {  	v62 =	vld [tilespmem:s10+$0x170];
	v0 =	vsel vm0, v0, v59  }
0x151: {  	vm0 =	vlt.s32 v0, v60  }
0x152: {  	v63 =	vld [tilespmem:s11+$0x180];
	v0 =	vsel vm0, v0, v60  }
0x153: {  	vm0 =	vlt.s32 v0, v61  }
0x154: {  	v0 =	vsel vm0, v0, v61  }
0x155: {  	vm0 =	vlt.s32 v0, v62  }
0x156: {  	v0 =	vsel vm0, v0, v62  }
0x157: {  	vm0 =	vlt.s32 v0, v63  }
0x158: {  	v0 =	vsel vm0, v0, v63  }
0x159: {  	vm0 =	veq.s32 v0, $0x0  }
0x15a: {  	v0 =	vmpcnt.ones.xlane vm0;
	_ =	sdelay $0x1  }
0x15b: {  	v0 =	vxor.u32 $0x80000000, v0  }
0x15c: {  	(xrf0) =	vmax.scan.msk.u32 $0xffff, v0;
	_ =	sdelay $0x5  }
0x15d: {  	v0, _, _ =	vpop (xrf0)  }
0x15e: {  	(v2sf) =	vpush v0, $0xF;
	_ =	sdelay $0xe  }
0x15f: {  	s31 =	spop (v2sf)  }
0x160: {  	p1 =	slt.u32 s31, $0x80000001  }
.Ltmp2:
0x161: {  	_ = 	snop;
	(pc) =	sbr.rel @p1 .LBB2_5-.Ltmp2, $1  }
0x162: {  	_ =	sdelay $0x3  }
0x163: {  	v0 =	vld [tilespmem:s6+$0x0];
	_ =	sdelay $0x4  }
0x164: {  	vm0 =	veq.s32 v0, $0x0  }
0x165: {  	v1 =	vmpcnt.ones.xlane vm0;
	_ =	sdelay $0x1  }
0x166: {  	v1 =	vxor.u32 $0x80000000, v1  }
0x167: {  	(xrf0) =	vmax.scan.msk.u32 $0xffff, v1;
	_ =	sdelay $0x5  }
0x168: {  	v1, _, _ =	vpop (xrf0)  }
0x169: {  	(v2sf) =	vpush v1, $0xF;
	_ =	sdelay $0xe  }
0x16a: {  	s10 =	spop (v2sf)  }
0x16b: {  	p1 =	slt.u32 s10, $0x80000001  }
0x16c: {  	s10 =	sadd.s32 @!p1 $0x0, s8;
	s11 =	simm.s32 @!p1 $0x0;
	s12 =	simm.s32 @!p1 $0x4E80  }
0x16d: {  	[tilespmem:s12], [sflag:$0x3] =	stream.linear.gather @!p1 [hbm4b:s10+s11], $0x10, $0x38;
	[tilespmem:$0x6900] =	vst v63  }
0x16e: {  	s10 =	simm.s32 @!p1 $0x3  }
0x16f: {  	_ =	swait.ge @!p1 [sflag:s10], $0x10  }
0x170: {  	[sflag:s10] =	ssyncset.done @!p1 $0x0  }
0x171: {  	s13 =	simm.s32 @!p1 $0x4F00;
	s12 =	sadd.s32 @!p1 $0x0, s7;
	[sflag:s10] =	ssyncadd.s32 @!p1 $0xFFFFFFF0  }
0x172: {  	[tilespmem:s13], [sflag:$0x3] =	stream.linear.gather @!p1 [hbm4b:s12+s11], $0x10, $0x38;
	[tilespmem:$0x6900] =	vst v63  }
0x173: {  	_ =	swait.ge @!p1 [sflag:s10], $0x10  }
0x174: {  	[sflag:s10] =	ssyncset.done @!p1 $0x0  }
0x175: {  	[sflag:s10] =	ssyncadd.s32 @!p1 $0xFFFFFFF0  }
0x176: {  	v1 =	vld @!p1 [tilespmem:$0x4E80]  }
0x177: {  	v2 =	vld @!p1 [tilespmem:$0x4F00];
	_ =	sdelay $0x2  }
0x178: {  	vm0 =	veq.s32 @!p1 v0, $0x0  }
0x179: {  	v0 =	vnsel @!p1 vm0, $0x0, v1  }
0x17a: {  	s14 =	simm.s32 @!p1 $0x1;
	[tilespmem:$0x4F80] =	vst @!p1 v0;
	v0 =	vnsel @!p1 vm0, $0x5, v2  }
0x17b: {  	s11 =	simm.s32 @!p1 $0x10;
	s12 =	simm.s32 @!p1 $0x4F80;
	s13 =	simm.s32 @!p1 $0x5080;
	[tilespmem:$0x5000] =	vst @!p1 v0  }
0x17c: {  	[tilespmem:s13], [sflag:$0x1] =	stream.indirect.gather @!p1 [hbm4b:s5+s11], $0x80, s12, s11, $0xb8;
	[tilespmem:$0x6900] =	vst v63  }
0x17d: {  	_ =	swait.ge @!p1 [sflag:s14], $0x800  }
0x17e: {  	[sflag:s14] =	ssyncset.done @!p1 $0x0  }
0x17f: {  	s12 =	simm.s32 @!p1 $0x5000;
	[sflag:s14] =	ssyncadd.s32 @!p1 $0xFFFFF800  }
0x180: {  	[spmem:s4] =	stream.indirect.scatter.add.f32 @!p1 [tilespmem:s13], [sflag:$0x3], $0x80, s12, s11, $0xb8;
	[tilespmem:$0x6900] =	vst v63  }
0x181: {  	_ =	swait.ge @!p1 [sflag:s10], $0x800  }
0x182: {  	[sflag:s10] =	ssyncset.done @!p1 $0x0  }
0x183: {  	s13 =	simm.s32 @!p1 $0x5880;
	[sflag:s10] =	ssyncadd.s32 @!p1 $0xFFFFF800  }
0x184: {  	[spmem:s2] =	stream.indirect.scatter.add.f32 @!p1 [tilespmem:s13], [sflag:$0x2], $0x80, s12, s11, $0xb8;
	[tilespmem:$0x6900] =	vst v63  }
0x185: {  	s10 =	simm.s32 $0x2;
	s13 =	simm.s32 @!p1 $0x2;
	s11 =	smov.u32 s6  }
.LBB2_3:
0x186: {  	_ =	swait.ge @!p1 [sflag:s13], $0x800  }
0x187: {  	s11 =	sadd.s32 $0x10, s11;
	s12 =	smov.u32 s10;
	s10 =	sadd.s32 $0x2, s10  }
0x188: {  	p2 =	sne.s32 s10, $0x32;
	[sflag:s13] =	ssyncset.done @!p1 $0x0  }
0x189: {  	[sflag:s13] =	ssyncadd.s32 @!p1 $0xFFFFF800  }
0x18a: {  	v0 =	vld [tilespmem:s11+$0x0];
	_ =	sdelay $0x4  }
0x18b: {  	vm0 =	veq.s32 v0, $0x0  }
0x18c: {  	v1 =	vmpcnt.ones.xlane vm0;
	_ =	sdelay $0x1  }
0x18d: {  	v1 =	vxor.u32 $0x80000000, v1  }
0x18e: {  	(xrf0) =	vmax.scan.msk.u32 $0xffff, v1;
	_ =	sdelay $0x5  }
0x18f: {  	v1, _, _ =	vpop (xrf0)  }
0x190: {  	(v2sf) =	vpush v1, $0xF;
	_ =	sdelay $0xe  }
0x191: {  	s13 =	spop (v2sf)  }
0x192: {  	p1 =	slt.u32 s13, $0x80000001  }
0x193: {  	s13 =	sadd.s32 @!p1 s12, s8;
	s14 =	simm.s32 @!p1 $0x0;
	s15 =	simm.s32 @!p1 $0x4E80  }
0x194: {  	[tilespmem:s15], [sflag:$0x3] =	stream.linear.gather @!p1 [hbm4b:s13+s14], $0x10, $0x38;
	[tilespmem:$0x6900] =	vst v63  }
0x195: {  	s13 =	simm.s32 @!p1 $0x3  }
0x196: {  	_ =	swait.ge @!p1 [sflag:s13], $0x10  }
0x197: {  	[sflag:s13] =	ssyncset.done @!p1 $0x0  }
0x198: {  	s12 =	sadd.s32 @!p1 s12, s7;
	s15 =	simm.s32 @!p1 $0x4F00;
	[sflag:s13] =	ssyncadd.s32 @!p1 $0xFFFFFFF0  }
0x199: {  	[tilespmem:s15], [sflag:$0x3] =	stream.linear.gather @!p1 [hbm4b:s12+s14], $0x10, $0x38;
	[tilespmem:$0x6900] =	vst v63  }
0x19a: {  	_ =	swait.ge @!p1 [sflag:s13], $0x10  }
0x19b: {  	[sflag:s13] =	ssyncset.done @!p1 $0x0  }
0x19c: {  	[sflag:s13] =	ssyncadd.s32 @!p1 $0xFFFFFFF0  }
0x19d: {  	v1 =	vld @!p1 [tilespmem:$0x4E80]  }
0x19e: {  	v2 =	vld @!p1 [tilespmem:$0x4F00];
	_ =	sdelay $0x2  }
0x19f: {  	vm0 =	veq.s32 @!p1 v0, $0x0  }
0x1a0: {  	v0 =	vnsel @!p1 vm0, $0x0, v1  }
0x1a1: {  	s12 =	simm.s32 @!p1 $0x10;
	s14 =	simm.s32 @!p1 $0x4F80;
	s15 =	simm.s32 @!p1 $0x5080;
	[tilespmem:$0x4F80] =	vst @!p1 v0;
	v0 =	vnsel @!p1 vm0, $0x5, v2  }
0x1a2: {  	s16 =	simm.s32 @!p1 $0x1;
	[tilespmem:$0x5000] =	vst @!p1 v0  }
0x1a3: {  	[tilespmem:s15], [sflag:$0x1] =	stream.indirect.gather @!p1 [hbm4b:s5+s12], $0x80, s14, s12, $0xb8;
	[tilespmem:$0x6900] =	vst v63  }
0x1a4: {  	_ =	swait.ge @!p1 [sflag:s16], $0x800  }
0x1a5: {  	s14 =	simm.s32 @!p1 $0x5000;
	[sflag:s16] =	ssyncset.done @!p1 $0x0  }
0x1a6: {  	[sflag:s16] =	ssyncadd.s32 @!p1 $0xFFFFF800  }
0x1a7: {  	[spmem:s4] =	stream.indirect.scatter.add.f32 @!p1 [tilespmem:s15], [sflag:$0x3], $0x80, s14, s12, $0xb8;
	[tilespmem:$0x6900] =	vst v63  }
.Ltmp3:
0x1a8: {  	_ = 	snop;
	(pc) =	sbr.rel @p2 .LBB2_3-.Ltmp3, $4  }
0x1a9: {  	_ =	swait.ge @!p1 [sflag:s13], $0x800  }
0x1aa: {  	s15 =	simm.s32 @!p1 $0x5880;
	[sflag:s13] =	ssyncset.done @!p1 $0x0  }
0x1ab: {  	[sflag:s13] =	ssyncadd.s32 @!p1 $0xFFFFF800;
	s13 =	simm.s32 @!p1 $0x2  }
0x1ac: {  	[spmem:s2] =	stream.indirect.scatter.add.f32 @!p1 [tilespmem:s15], [sflag:$0x2], $0x80, s14, s12, $0xb8;
	[tilespmem:$0x6900] =	vst v63  }
.Ltmp4:
0x1ad: {  	_ = 	snop;
	(pc) =	sbr.rel .LBB2_4-.Ltmp4, $1  }
0x1ae: {  	_ =	sdelay $0x3  }
.LBB2_6:
0x1af: {  	[bflag:$0x0] =	sbarrier.arrive $0xFFFF  }
0x1b0: {  	_ =	sfence.sel @p0 $0x180000  }
0x1b1: {  	[bflag:$0x0] =	sbarrier.arrive @p0 $0xFFFF  }
0x1b2: {  	_ =	strace @p0 $0x90000047  }
0x1b3: {  	s5 =	simm.s32 @!p0 $0x6080;
	[bflag:$0x2] =	sbarrier.arrive @p0 $0xFFFF  }
0x1b4: {  	[tilespmem:s5], [sflag:$0x2] =	stream.linear.gather @!p0 [spmem:s4], $0x400, $0x38;
	[tilespmem:$0x6900] =	vst v63  }
0x1b5: {  	s4 =	simm.s32 @!p0 $0x2  }
0x1b6: {  	_ =	swait.ge @!p0 [sflag:s4], $0x400  }
0x1b7: {  	[sflag:s4] =	ssyncset.done @!p0 $0x0  }
0x1b8: {  	s6 =	simm.s32 @!p0 $0x0;
	[sflag:s4] =	ssyncadd.s32 @!p0 $0xFFFFFC00  }
0x1b9: {  	[hbm4b:s3+s6] =	stream.linear.scatter @!p0 [tilespmem:s5], [sflag:$0x2], $0x400, $0x38;
	[tilespmem:$0x6900] =	vst v63  }
0x1ba: {  	_ =	swait.ge @!p0 [sflag:s4], $0x400  }
0x1bb: {  	[sflag:s4] =	ssyncset.done @!p0 $0x0  }
0x1bc: {  	s3 =	simm.s32 @!p0 $0x6480;
	[sflag:s4] =	ssyncadd.s32 @!p0 $0xFFFFFC00  }
0x1bd: {  	[tilespmem:s3], [sflag:$0x2] =	stream.linear.gather @!p0 [spmem:s2], $0x400, $0x38;
	[tilespmem:$0x6900] =	vst v63  }
0x1be: {  	_ =	swait.ge @!p0 [sflag:s4], $0x400  }
0x1bf: {  	[sflag:s4] =	ssyncset.done @!p0 $0x0  }
0x1c0: {  	[sflag:s4] =	ssyncadd.s32 @!p0 $0xFFFFFC00  }
0x1c1: {  	[hbm4b:s1+s6] =	stream.linear.scatter @!p0 [tilespmem:s3], [sflag:$0x2], $0x400, $0x38;
	[tilespmem:$0x6900] =	vst v63  }
0x1c2: {  	_ =	swait.ge @!p0 [sflag:s4], $0x400  }
0x1c3: {  	[sflag:s4] =	ssyncset.done @!p0 $0x0  }
0x1c4: {  	[sflag:s4] =	ssyncadd.s32 @!p0 $0xFFFFFC00  }
0x1c5: {  	_ =	sfence.sel @!p0 $0x180000  }
0x1c6: {  	[bflag:$0x0] =	sbarrier.arrive @!p0 $0xFFFF  }
0x1c7: {  	_ =	strace @!p0 $0x90000047  }
0x1c8: {  	s0 =	sadd.s32 @!p0 $0x100000, s0;
	[bflag:$0x2] =	sbarrier.arrive @!p0 $0xFFFF  }
0x1c9: {  	[sflag:s0] =	ssyncadd.tile.s32 @!p0 $0x1;
	_ =	shalt  }
.Lfunc_end2:
_tile_overlayer_lowered:
.L_overlay_start_2:
0x1ca: {  	(tag) =	ssettag $0x2  }
0x1cb: {  	s0 =	rddreg [dreg:$0x0];
	s2 =	stileid.u32  }
0x1cc: {  	s1 =	rddreg [dreg:$0x1];
	p0 =	sne.s32 s2, $0x0  }
0x1cd: {  	s3 =	rddreg [dreg:$0x2];
	[bflag:$0x3] =	sbarrier.arrive $0xFFFF;
	s2 =	simm.s32 @!p0 $0x1C02  }
0x1ce: {  	[timem:s3], [sflag:s2] =	dma.local @!p0 [hbm:s0], s1  }
0x1cf: {  	s0 =	simm.s32 @!p0 $0x2  }
0x1d0: {  	_ =	swait.ge @!p0 [sflag:s0], s1  }
0x1d1: {  	s1 =	ssub.s32 @!p0 $0x0, s1;
	[sflag:s0] =	ssyncset.done @!p0 $0x0  }
0x1d2: {  	[sflag:s0] =	ssyncadd.s32 @!p0 s1  }
0x1d3: {  	[bflag:$0x3] =	sbarrier.arrive $0xFFFF  }
0x1d4: {  	_ =	shalt  }

</sc_bundles>
